<compile_context>
chip_gen: v7x
topology: tpu7x:2x2x1
jax: 0.10.2.dev20260603
libtpu: 0.0.44.dev20260713+nightly
codegen_flags: <defaults>
</compile_context>

<pallas_src>
import functools

import jax
import jax.numpy as jnp
from jax import lax
from jax.experimental import pallas as pl
from jax.experimental.pallas import tpu as pltpu
from jax.experimental.pallas import tpu_sc as plsc

N = 10000
E = 320000
D = 128

NT = 16
CHUNK = 128
EPT = E // NT
NCH = 158
EPT_PAD = NCH * CHUNK
N_PAD = 10240
ROWS_PT = N_PAD // NT
ZR = 128


def _sc_seg_sum(x_half, src2_pad, dst_pad, zeros_d, zeros_16, ones_16,
                with_cnt):
    mesh = plsc.VectorSubcoreMesh(core_axis_name="c", subcore_axis_name="s")

    out_type = [jax.ShapeDtypeStruct((2 * N_PAD, 64), jnp.float32),
                jax.ShapeDtypeStruct((2 * N_PAD, 64), jnp.float32)]
    if with_cnt:
        out_type.append(jax.ShapeDtypeStruct((2 * N_PAD, 16), jnp.float32))

    scratch = [
        pltpu.VMEM((NCH, CHUNK), jnp.int32),
        pltpu.VMEM((NCH, CHUNK), jnp.int32),
        pltpu.VMEM((CHUNK, 64), jnp.float32),
        pltpu.VMEM((CHUNK, 64), jnp.float32),
        pltpu.VMEM((CHUNK, 16), jnp.float32),
        pltpu.VMEM((ZR, 64), jnp.float32),
        pltpu.VMEM((ZR, 16), jnp.float32),
        pltpu.VMEM((ZR, 64), jnp.float32),
        pltpu.VMEM((ZR, 16), jnp.float32),
        pltpu.VMEM_SHARED((N_PAD, 64), jnp.float32),
        pltpu.VMEM_SHARED((N_PAD, 16), jnp.float32),
    ] + [pltpu.SemaphoreType.DMA] * 2

    @functools.partial(
        pl.kernel, out_type=tuple(out_type), mesh=mesh,
        scratch_types=scratch, name="sc_seg_sum",
        compiler_params=pltpu.CompilerParams(use_tc_tiling_on_sc=False),
    )
    def k(x_hbm, src_hbm, dst_hbm, zd_hbm, z16_hbm, o16_hbm, *rest):
        if with_cnt:
            s_hbm = (rest[0], rest[1])
            cnt_hbm = rest[2]
            rest = rest[3:]
        else:
            s_hbm = (rest[0], rest[1])
            rest = rest[2:]
        (srcv, dstv, r0, r1, onesv, zb, zb16, stg, stg16,
         acc, accc, *sems) = rest
        bufs = [r0, r1]
        gsem = sems

        g = lax.axis_index("c")
        t = lax.axis_index("s")
        base = t * ROWS_PT

        pltpu.sync_copy(dst_hbm.at[g, t], dstv)
        pltpu.sync_copy(zd_hbm, zb)
        if with_cnt:
            pltpu.sync_copy(z16_hbm, zb16)
            pltpu.sync_copy(o16_hbm, onesv)

        for h in range(2):
            cnt_pass = with_cnt and h == 0
            pltpu.sync_copy(src_hbm.at[h, g, t], srcv)

            for kk in range(ROWS_PT // ZR):
                pltpu.sync_copy(zb, acc.at[pl.ds(base + kk * ZR, ZR)])
                if cnt_pass:
                    pltpu.sync_copy(zb16, accc.at[pl.ds(base + kk * ZR, ZR)])
            plsc.subcore_barrier()

            pltpu.async_copy(x_hbm.at[srcv.at[0]], bufs[0], gsem[0])

            def body(i, carry):
                j0 = 2 * i
                pltpu.async_copy(x_hbm.at[srcv.at[j0 + 1]], bufs[1], gsem[1])
                pltpu.make_async_copy(
                    x_hbm.at[pl.ds(0, CHUNK)], bufs[0], gsem[0]).wait()
                pltpu.sync_copy(bufs[0], acc.at[dstv.at[j0]], add=True)
                if cnt_pass:
                    pltpu.sync_copy(onesv, accc.at[dstv.at[j0]], add=True)

                @pl.when(j0 + 2 < NCH)
                def _():
                    pltpu.async_copy(
                        x_hbm.at[srcv.at[j0 + 2]], bufs[0], gsem[0])
                pltpu.make_async_copy(
                    x_hbm.at[pl.ds(0, CHUNK)], bufs[1], gsem[1]).wait()
                pltpu.sync_copy(bufs[1], acc.at[dstv.at[j0 + 1]], add=True)
                if cnt_pass:
                    pltpu.sync_copy(
                        onesv, accc.at[dstv.at[j0 + 1]], add=True)
                return carry

            lax.fori_loop(0, NCH // 2, body, 0)
            plsc.subcore_barrier()

            for kk in range(ROWS_PT // ZR):
                pltpu.sync_copy(acc.at[pl.ds(base + kk * ZR, ZR)], stg)
                pltpu.sync_copy(
                    stg, s_hbm[h].at[pl.ds(g * N_PAD + base + kk * ZR, ZR)])
                if cnt_pass:
                    pltpu.sync_copy(accc.at[pl.ds(base + kk * ZR, ZR)], stg16)
                    pltpu.sync_copy(
                        stg16,
                        cnt_hbm.at[pl.ds(g * N_PAD + base + kk * ZR, ZR)])

    return k(x_half, src2_pad, dst_pad, zeros_d, zeros_16, ones_16)


def _tc_layer(s0, s1, cnt, x, wlt, b, wrt):
    B = 1024
    NB = N_PAD // B

    def body(s0_ref, s1_ref, c_ref, x_ref, wl_ref, b_ref, wr_ref, o_ref):
        rcp = 1.0 / jnp.maximum(c_ref[:, 0:1], 1.0)
        agg = jnp.dot(s0_ref[...], wl_ref[0, :64],
                      preferred_element_type=jnp.float32)
        agg += jnp.dot(s1_ref[...], wl_ref[0, 64:],
                       preferred_element_type=jnp.float32)
        res = jnp.dot(x_ref[...], wr_ref[0], preferred_element_type=jnp.float32)
        o_ref[...] = jnp.tanh(agg * rcp + b_ref[0] + res)

    return pl.pallas_call(
        body,
        grid=(2, NB),
        in_specs=[
            pl.BlockSpec((B, 64), lambda g, i: (g * NB + i, 0)),
            pl.BlockSpec((B, 64), lambda g, i: (g * NB + i, 0)),
            pl.BlockSpec((B, 16), lambda g, i: (g * NB + i, 0)),
            pl.BlockSpec((B, D), lambda g, i: (g * NB + i, 0)),
            pl.BlockSpec((1, D, D), lambda g, i: (g, 0, 0)),
            pl.BlockSpec((1, 1, D), lambda g, i: (g, 0, 0)),
            pl.BlockSpec((1, D, D), lambda g, i: (g, 0, 0)),
        ],
        out_specs=pl.BlockSpec((B, D), lambda g, i: (g * NB + i, 0)),
        out_shape=jax.ShapeDtypeStruct((2 * N_PAD, D), jnp.float32),
    )(s0, s1, cnt, x, wlt, b, wrt)


def _pad_edges(ei, g):
    src2 = 2 * (ei[0] + g * N_PAD)
    dst = ei[1]
    src2 = src2.reshape(NT, EPT)
    dst = dst.reshape(NT, EPT)
    pad = EPT_PAD - EPT
    src2 = jnp.pad(src2, ((0, 0), (0, pad)), constant_values=2 * g * N_PAD)
    dst = jnp.pad(dst, ((0, 0), (0, pad)), constant_values=N)
    src2 = src2.reshape(NT, NCH, CHUNK)
    return jnp.stack([src2, src2 + 1]), dst.reshape(NT, NCH, CHUNK)


def kernel(x0, x1, edge_index0, edge_index1,
           g0_W1l, g0_b1, g0_W1r, g0_W2l, g0_b2, g0_W2r,
           g1_W1l, g1_b1, g1_W1r, g1_W2l, g1_b2, g1_W2r):
    pad = ((0, N_PAD - N), (0, 0))
    xs = jnp.concatenate([jnp.pad(x0, pad), jnp.pad(x1, pad)], axis=0)
    sg0, dg0 = _pad_edges(edge_index0, 0)
    sg1, dg1 = _pad_edges(edge_index1, 1)
    src2_pad = jnp.stack([sg0, sg1], axis=1)
    dst_pad = jnp.stack([dg0, dg1])

    zeros_d = jnp.zeros((ZR, 64), jnp.float32)
    zeros_16 = jnp.zeros((ZR, 16), jnp.float32)
    ones_16 = jnp.ones((CHUNK, 16), jnp.float32)

    w1lt = jnp.stack([g0_W1l.T, g1_W1l.T])
    w1rt = jnp.stack([g0_W1r.T, g1_W1r.T])
    b1 = jnp.stack([g0_b1, g1_b1])[:, None, :]
    w2lt = jnp.stack([g0_W2l.T, g1_W2l.T])
    w2rt = jnp.stack([g0_W2r.T, g1_W2r.T])
    b2 = jnp.stack([g0_b2, g1_b2])[:, None, :]

    xs_half = xs.reshape(4 * N_PAD, 64)
    sa, sb, cnt = _sc_seg_sum(xs_half, src2_pad, dst_pad, zeros_d, zeros_16,
                              ones_16, with_cnt=True)
    h1 = _tc_layer(sa, sb, cnt, xs, w1lt, b1, w1rt)
    sa2, sb2 = _sc_seg_sum(h1.reshape(4 * N_PAD, 64), src2_pad, dst_pad,
                           zeros_d, zeros_16, ones_16, with_cnt=False)
    out = _tc_layer(sa2, sb2, cnt, h1, w2lt, b2, w2rt)
    return out.reshape(2, N_PAD, D)[:, :N].reshape(2 * N, D)

# --- scband reference (transcript-rebuilt; emitter-appended) ---
"""Pipeline reference for scband-multi-graph-sage-50740743635551 (READ-ONLY COPY).

The authoritative reference and input builder live on the scoring server;
editing this copy changes nothing except your own understanding.
"""

import jax, jax.numpy as jnp
import numpy as np

N = 10000
E = 320000
D_IN = 128
D_HID = 128
D_OUT = 128


def _sage_conv(x, src, dst, Wl, bl, Wr):
    # PyG SAGEConv with aggr='mean': out = lin_l(mean_{j in N(i)} x_j) + lin_r(x_i)
    msg = x[src]
    s = jax.ops.segment_sum(msg, dst, num_segments=N)
    cnt = jax.ops.segment_sum(jnp.ones((src.shape[0],), dtype=x.dtype), dst, num_segments=N)
    mean = s / jnp.clip(cnt, 1.0)[:, None]
    return mean @ Wl.T + bl + x @ Wr.T


def setup_inputs(seed: int = 0):
    key = jax.random.key(seed)
    ks = jax.random.split(key, 16)
    sc_in = 1.0 / np.sqrt(D_IN)
    sc_hid = 1.0 / np.sqrt(D_HID)
    inp = {}
    inp["x0"] = jax.random.normal(ks[0], (N, D_IN), dtype=jnp.float32)
    inp["x1"] = jax.random.normal(ks[1], (N, D_IN), dtype=jnp.float32)
    inp["edge_index0"] = jax.random.randint(ks[2], (2, E), 0, N, dtype=jnp.int32)
    inp["edge_index1"] = jax.random.randint(ks[3], (2, E), 0, N, dtype=jnp.int32)
    inp["g0_W1l"] = jax.random.normal(ks[4], (D_HID, D_IN), dtype=jnp.float32) * sc_in
    inp["g0_b1"] = jnp.zeros((D_HID,), dtype=jnp.float32)
    inp["g0_W1r"] = jax.random.normal(ks[5], (D_HID, D_IN), dtype=jnp.float32) * sc_in
    inp["g0_W2l"] = jax.random.normal(ks[6], (D_OUT, D_HID), dtype=jnp.float32) * sc_hid
    inp["g0_b2"] = jnp.zeros((D_OUT,), dtype=jnp.float32)
    inp["g0_W2r"] = jax.random.normal(ks[7], (D_OUT, D_HID), dtype=jnp.float32) * sc_hid
    inp["g1_W1l"] = jax.random.normal(ks[8], (D_HID, D_IN), dtype=jnp.float32) * sc_in
    inp["g1_b1"] = jnp.zeros((D_HID,), dtype=jnp.float32)
    inp["g1_W1r"] = jax.random.normal(ks[9], (D_HID, D_IN), dtype=jnp.float32) * sc_in
    inp["g1_W2l"] = jax.random.normal(ks[10], (D_OUT, D_HID), dtype=jnp.float32) * sc_hid
    inp["g1_b2"] = jnp.zeros((D_OUT,), dtype=jnp.float32)
    inp["g1_W2r"] = jax.random.normal(ks[11], (D_OUT, D_HID), dtype=jnp.float32) * sc_hid
    return inp


def reference(x0, x1, edge_index0, edge_index1, g0_W1l, g0_b1, g0_W1r, g0_W2l, g0_b2, g0_W2r, g1_W1l, g1_b1, g1_W1r, g1_W2l, g1_b2, g1_W2r):
    def run(x, ei, W1l, b1, W1r, W2l, b2, W2r):
        src, dst = ei[0], ei[1]
        h = jnp.tanh(_sage_conv(x, src, dst, W1l, b1, W1r))
        h = jnp.tanh(_sage_conv(h, src, dst, W2l, b2, W2r))
        return h
    h0 = run(x0, edge_index0, g0_W1l, g0_b1, g0_W1r, g0_W2l, g0_b2, g0_W2r)
    h1 = run(x1, edge_index1, g1_W1l, g1_b1, g1_W1r, g1_W2l, g1_b2, g1_W2r)
    return jnp.concatenate([h0, h1], axis=0)

if __name__ == "__main__":
    import jax
    _d = setup_inputs()
    print(jax.jit(kernel)(*tuple(_d.values())))

</pallas_src>

<mosaic_0001>
#map = affine_map<(d0, d1) -> (0, 0)>
#map1 = affine_map<(d0, d1) -> (0, 0, 0, 0, 0)>
#map2 = affine_map<(d0, d1) -> (0, 0, 0, 0)>
module attributes {stable_mosaic.version = 14 : i64} {
  func.func @sc_seg_sum(%arg0: i32, %arg1: i32, %arg2: memref<40960x64xf32, #tpu.memory_space<hbm>>, %arg3: memref<2x2x16x158x128xi32, #tpu.memory_space<hbm>>, %arg4: memref<2x16x158x128xi32, #tpu.memory_space<hbm>>, %arg5: memref<128x64xf32, #tpu.memory_space<hbm>>, %arg6: memref<128x16xf32, #tpu.memory_space<hbm>>, %arg7: memref<128x16xf32, #tpu.memory_space<hbm>>, %arg8: memref<20480x64xf32, #tpu.memory_space<hbm>>, %arg9: memref<20480x64xf32, #tpu.memory_space<hbm>>, %arg10: memref<20480x16xf32, #tpu.memory_space<hbm>>, %arg11: memref<158x128xi32, #tpu.memory_space<vmem>>, %arg12: memref<158x128xi32, #tpu.memory_space<vmem>>, %arg13: memref<128x64xf32, #tpu.memory_space<vmem>>, %arg14: memref<128x64xf32, #tpu.memory_space<vmem>>, %arg15: memref<128x16xf32, #tpu.memory_space<vmem>>, %arg16: memref<128x64xf32, #tpu.memory_space<vmem>>, %arg17: memref<128x16xf32, #tpu.memory_space<vmem>>, %arg18: memref<128x64xf32, #tpu.memory_space<vmem>>, %arg19: memref<128x16xf32, #tpu.memory_space<vmem>>, %arg20: memref<10240x64xf32, #tpu.memory_space<vmem_shared>>, %arg21: memref<10240x16xf32, #tpu.memory_space<vmem_shared>>, %arg22: memref<!tpu.dma_semaphore, #tpu.memory_space<semaphore_mem>>, %arg23: memref<!tpu.dma_semaphore, #tpu.memory_space<semaphore_mem>>) attributes {dimension_semantics = [#tpu.dimension_semantics<core_parallel>, #tpu.dimension_semantics<subcore_parallel>], iteration_bounds = array<i64: 2, 16>, scalar_prefetch = 0 : i64, scratch_operands = 13 : i64, tpu.core_type = #tpu.core_type<sc_vector_subcore>, window_params = [{transform_indices = #map}, {transform_indices = #map1}, {transform_indices = #map2}, {transform_indices = #map}, {transform_indices = #map}, {transform_indices = #map}, {transform_indices = #map}, {transform_indices = #map}, {transform_indices = #map}]} {
    %mul3A = arith.constant 640 : i32
    %mul3A_0 = arith.muli %arg1, %mul3A : i32
    "tpu.region"() ({
      %run_scoped3A_163 = tpu.sem_alloc : memref<!tpu.dma_semaphore, #tpu.memory_space<semaphore_mem>>
      %dma_start3A_164 = arith.constant 0 : i32
      %dma_start3A_165 = arith.constant 0 : i32
      %dma_start3A_166 = tpu.memref_slice %arg4[%arg0, %arg1, %dma_start3A_164, %dma_start3A_165] : memref<2x16x158x128xi32, #tpu.memory_space<hbm>> -> memref<1x1x158x128xi32, #tpu.memory_space<hbm>>
      %dma_start3A_167 = tpu.memref_squeeze %dma_start3A_166 : memref<1x1x158x128xi32, #tpu.memory_space<hbm>> -> memref<158x128xi32, #tpu.memory_space<hbm>>
      %dma_start3A_168 = arith.constant 0 : i32
      %dma_start3A_169 = arith.constant 0 : i32
      %dma_start3A_170 = tpu.memref_slice %arg4[%arg0, %arg1, %dma_start3A_168, %dma_start3A_169] : memref<2x16x158x128xi32, #tpu.memory_space<hbm>> -> memref<1x1x158x128xi32, #tpu.memory_space<hbm>>
      %dma_start3A_171 = tpu.memref_squeeze %dma_start3A_170 : memref<1x1x158x128xi32, #tpu.memory_space<hbm>> -> memref<158x128xi32, #tpu.memory_space<hbm>>
      tpu.enqueue_dma source(%dma_start3A_171 : memref<158x128xi32, #tpu.memory_space<hbm>>) target(%arg12 : memref<158x128xi32, #tpu.memory_space<vmem>>) target_semaphore(%run_scoped3A_163 : memref<!tpu.dma_semaphore, #tpu.memory_space<semaphore_mem>>)
      %dma_wait3A = arith.constant 0 : i32
      %dma_wait3A_172 = arith.constant 0 : i32
      %dma_wait3A_173 = tpu.memref_slice %arg4[%arg0, %arg1, %dma_wait3A, %dma_wait3A_172] : memref<2x16x158x128xi32, #tpu.memory_space<hbm>> -> memref<1x1x158x128xi32, #tpu.memory_space<hbm>>
      %dma_wait3A_174 = tpu.memref_squeeze %dma_wait3A_173 : memref<1x1x158x128xi32, #tpu.memory_space<hbm>> -> memref<158x128xi32, #tpu.memory_space<hbm>>
      %dma_wait3A_175 = arith.constant 0 : i32
      %dma_wait3A_176 = arith.constant 0 : i32
      %dma_wait3A_177 = tpu.memref_slice %arg4[%arg0, %arg1, %dma_wait3A_175, %dma_wait3A_176] : memref<2x16x158x128xi32, #tpu.memory_space<hbm>> -> memref<1x1x158x128xi32, #tpu.memory_space<hbm>>
      %dma_wait3A_178 = tpu.memref_squeeze %dma_wait3A_177 : memref<1x1x158x128xi32, #tpu.memory_space<hbm>> -> memref<158x128xi32, #tpu.memory_space<hbm>>
      tpu.wait_dma2 semaphore(%run_scoped3A_163 : memref<!tpu.dma_semaphore, #tpu.memory_space<semaphore_mem>>) src(%dma_wait3A_178 : memref<158x128xi32, #tpu.memory_space<hbm>>) dst(%arg12 : memref<158x128xi32, #tpu.memory_space<vmem>>)
      tpu.yield
    }) : () -> ()
    "tpu.region"() ({
      %run_scoped3A_163 = tpu.sem_alloc : memref<!tpu.dma_semaphore, #tpu.memory_space<semaphore_mem>>
      tpu.enqueue_dma source(%arg5 : memref<128x64xf32, #tpu.memory_space<hbm>>) target(%arg16 : memref<128x64xf32, #tpu.memory_space<vmem>>) target_semaphore(%run_scoped3A_163 : memref<!tpu.dma_semaphore, #tpu.memory_space<semaphore_mem>>)
      tpu.wait_dma2 semaphore(%run_scoped3A_163 : memref<!tpu.dma_semaphore, #tpu.memory_space<semaphore_mem>>) src(%arg5 : memref<128x64xf32, #tpu.memory_space<hbm>>) dst(%arg16 : memref<128x64xf32, #tpu.memory_space<vmem>>)
      tpu.yield
    }) : () -> ()
    "tpu.region"() ({
      %run_scoped3A_163 = tpu.sem_alloc : memref<!tpu.dma_semaphore, #tpu.memory_space<semaphore_mem>>
      tpu.enqueue_dma source(%arg6 : memref<128x16xf32, #tpu.memory_space<hbm>>) target(%arg17 : memref<128x16xf32, #tpu.memory_space<vmem>>) target_semaphore(%run_scoped3A_163 : memref<!tpu.dma_semaphore, #tpu.memory_space<semaphore_mem>>)
      tpu.wait_dma2 semaphore(%run_scoped3A_163 : memref<!tpu.dma_semaphore, #tpu.memory_space<semaphore_mem>>) src(%arg6 : memref<128x16xf32, #tpu.memory_space<hbm>>) dst(%arg17 : memref<128x16xf32, #tpu.memory_space<vmem>>)
      tpu.yield
    }) : () -> ()
    "tpu.region"() ({
      %run_scoped3A_163 = tpu.sem_alloc : memref<!tpu.dma_semaphore, #tpu.memory_space<semaphore_mem>>
      tpu.enqueue_dma source(%arg7 : memref<128x16xf32, #tpu.memory_space<hbm>>) target(%arg15 : memref<128x16xf32, #tpu.memory_space<vmem>>) target_semaphore(%run_scoped3A_163 : memref<!tpu.dma_semaphore, #tpu.memory_space<semaphore_mem>>)
      tpu.wait_dma2 semaphore(%run_scoped3A_163 : memref<!tpu.dma_semaphore, #tpu.memory_space<semaphore_mem>>) src(%arg7 : memref<128x16xf32, #tpu.memory_space<hbm>>) dst(%arg15 : memref<128x16xf32, #tpu.memory_space<vmem>>)
      tpu.yield
    }) : () -> ()
    %run_scoped3A = arith.constant 0 : i32
    "tpu.region"() ({
      %run_scoped3A_163 = tpu.sem_alloc : memref<!tpu.dma_semaphore, #tpu.memory_space<semaphore_mem>>
      %dma_start3A_164 = arith.constant 0 : i32
      %dma_start3A_165 = arith.constant 0 : i32
      %dma_start3A_166 = tpu.memref_slice %arg3[%run_scoped3A, %arg0, %arg1, %dma_start3A_164, %dma_start3A_165] : memref<2x2x16x158x128xi32, #tpu.memory_space<hbm>> -> memref<1x1x1x158x128xi32, #tpu.memory_space<hbm>>
      %dma_start3A_167 = tpu.memref_squeeze %dma_start3A_166 : memref<1x1x1x158x128xi32, #tpu.memory_space<hbm>> -> memref<158x128xi32, #tpu.memory_space<hbm>>
      %dma_start3A_168 = arith.constant 0 : i32
      %dma_start3A_169 = arith.constant 0 : i32
      %dma_start3A_170 = tpu.memref_slice %arg3[%run_scoped3A, %arg0, %arg1, %dma_start3A_168, %dma_start3A_169] : memref<2x2x16x158x128xi32, #tpu.memory_space<hbm>> -> memref<1x1x1x158x128xi32, #tpu.memory_space<hbm>>
      %dma_start3A_171 = tpu.memref_squeeze %dma_start3A_170 : memref<1x1x1x158x128xi32, #tpu.memory_space<hbm>> -> memref<158x128xi32, #tpu.memory_space<hbm>>
      tpu.enqueue_dma source(%dma_start3A_171 : memref<158x128xi32, #tpu.memory_space<hbm>>) target(%arg11 : memref<158x128xi32, #tpu.memory_space<vmem>>) target_semaphore(%run_scoped3A_163 : memref<!tpu.dma_semaphore, #tpu.memory_space<semaphore_mem>>)
      %dma_wait3A = arith.constant 0 : i32
      %dma_wait3A_172 = arith.constant 0 : i32
      %dma_wait3A_173 = tpu.memref_slice %arg3[%run_scoped3A, %arg0, %arg1, %dma_wait3A, %dma_wait3A_172] : memref<2x2x16x158x128xi32, #tpu.memory_space<hbm>> -> memref<1x1x1x158x128xi32, #tpu.memory_space<hbm>>
      %dma_wait3A_174 = tpu.memref_squeeze %dma_wait3A_173 : memref<1x1x1x158x128xi32, #tpu.memory_space<hbm>> -> memref<158x128xi32, #tpu.memory_space<hbm>>
      %dma_wait3A_175 = arith.constant 0 : i32
      %dma_wait3A_176 = arith.constant 0 : i32
      %dma_wait3A_177 = tpu.memref_slice %arg3[%run_scoped3A, %arg0, %arg1, %dma_wait3A_175, %dma_wait3A_176] : memref<2x2x16x158x128xi32, #tpu.memory_space<hbm>> -> memref<1x1x1x158x128xi32, #tpu.memory_space<hbm>>
      %dma_wait3A_178 = tpu.memref_squeeze %dma_wait3A_177 : memref<1x1x1x158x128xi32, #tpu.memory_space<hbm>> -> memref<158x128xi32, #tpu.memory_space<hbm>>
      tpu.wait_dma2 semaphore(%run_scoped3A_163 : memref<!tpu.dma_semaphore, #tpu.memory_space<semaphore_mem>>) src(%dma_wait3A_178 : memref<158x128xi32, #tpu.memory_space<hbm>>) dst(%arg11 : memref<158x128xi32, #tpu.memory_space<vmem>>)
      tpu.yield
    }) : () -> ()
    %add3A = arith.constant 0 : i32
    %add3A_1 = arith.addi %mul3A_0, %add3A : i32
    "tpu.region"() ({
      %run_scoped3A_163 = tpu.sem_alloc : memref<!tpu.dma_semaphore, #tpu.memory_space<semaphore_mem>>
      %dma_start3A_164 = arith.constant 0 : i32
      %dma_start3A_165 = tpu.memref_slice %arg20[%add3A_1, %dma_start3A_164] : memref<10240x64xf32, #tpu.memory_space<vmem_shared>> -> memref<128x64xf32, #tpu.memory_space<vmem_shared>>
      %dma_start3A_166 = arith.constant 0 : i32
      %dma_start3A_167 = tpu.memref_slice %arg20[%add3A_1, %dma_start3A_166] : memref<10240x64xf32, #tpu.memory_space<vmem_shared>> -> memref<128x64xf32, #tpu.memory_space<vmem_shared>>
      tpu.enqueue_dma source(%arg16 : memref<128x64xf32, #tpu.memory_space<vmem>>) target(%dma_start3A_167 : memref<128x64xf32, #tpu.memory_space<vmem_shared>>) target_semaphore(%run_scoped3A_163 : memref<!tpu.dma_semaphore, #tpu.memory_space<semaphore_mem>>)
      %dma_wait3A = arith.constant 0 : i32
      %dma_wait3A_168 = tpu.memref_slice %arg20[%add3A_1, %dma_wait3A] : memref<10240x64xf32, #tpu.memory_space<vmem_shared>> -> memref<128x64xf32, #tpu.memory_space<vmem_shared>>
      %dma_wait3A_169 = arith.constant 0 : i32
      %dma_wait3A_170 = tpu.memref_slice %arg20[%add3A_1, %dma_wait3A_169] : memref<10240x64xf32, #tpu.memory_space<vmem_shared>> -> memref<128x64xf32, #tpu.memory_space<vmem_shared>>
      tpu.wait_dma2 semaphore(%run_scoped3A_163 : memref<!tpu.dma_semaphore, #tpu.memory_space<semaphore_mem>>) src(%arg16 : memref<128x64xf32, #tpu.memory_space<vmem>>) dst(%dma_wait3A_170 : memref<128x64xf32, #tpu.memory_space<vmem_shared>>)
      tpu.yield
    }) : () -> ()
    %add3A_2 = arith.constant 0 : i32
    %add3A_3 = arith.addi %mul3A_0, %add3A_2 : i32
    "tpu.region"() ({
      %run_scoped3A_163 = tpu.sem_alloc : memref<!tpu.dma_semaphore, #tpu.memory_space<semaphore_mem>>
      %dma_start3A_164 = arith.constant 0 : i32
      %dma_start3A_165 = tpu.memref_slice %arg21[%add3A_3, %dma_start3A_164] : memref<10240x16xf32, #tpu.memory_space<vmem_shared>> -> memref<128x16xf32, #tpu.memory_space<vmem_shared>>
      %dma_start3A_166 = arith.constant 0 : i32
      %dma_start3A_167 = tpu.memref_slice %arg21[%add3A_3, %dma_start3A_166] : memref<10240x16xf32, #tpu.memory_space<vmem_shared>> -> memref<128x16xf32, #tpu.memory_space<vmem_shared>>
      tpu.enqueue_dma source(%arg17 : memref<128x16xf32, #tpu.memory_space<vmem>>) target(%dma_start3A_167 : memref<128x16xf32, #tpu.memory_space<vmem_shared>>) target_semaphore(%run_scoped3A_163 : memref<!tpu.dma_semaphore, #tpu.memory_space<semaphore_mem>>)
      %dma_wait3A = arith.constant 0 : i32
      %dma_wait3A_168 = tpu.memref_slice %arg21[%add3A_3, %dma_wait3A] : memref<10240x16xf32, #tpu.memory_space<vmem_shared>> -> memref<128x16xf32, #tpu.memory_space<vmem_shared>>
      %dma_wait3A_169 = arith.constant 0 : i32
      %dma_wait3A_170 = tpu.memref_slice %arg21[%add3A_3, %dma_wait3A_169] : memref<10240x16xf32, #tpu.memory_space<vmem_shared>> -> memref<128x16xf32, #tpu.memory_space<vmem_shared>>
      tpu.wait_dma2 semaphore(%run_scoped3A_163 : memref<!tpu.dma_semaphore, #tpu.memory_space<semaphore_mem>>) src(%arg17 : memref<128x16xf32, #tpu.memory_space<vmem>>) dst(%dma_wait3A_170 : memref<128x16xf32, #tpu.memory_space<vmem_shared>>)
      tpu.yield
    }) : () -> ()
    %add3A_4 = arith.constant 128 : i32
    %add3A_5 = arith.addi %mul3A_0, %add3A_4 : i32
    "tpu.region"() ({
      %run_scoped3A_163 = tpu.sem_alloc : memref<!tpu.dma_semaphore, #tpu.memory_space<semaphore_mem>>
      %dma_start3A_164 = arith.constant 0 : i32
      %dma_start3A_165 = tpu.memref_slice %arg20[%add3A_5, %dma_start3A_164] : memref<10240x64xf32, #tpu.memory_space<vmem_shared>> -> memref<128x64xf32, #tpu.memory_space<vmem_shared>>
      %dma_start3A_166 = arith.constant 0 : i32
      %dma_start3A_167 = tpu.memref_slice %arg20[%add3A_5, %dma_start3A_166] : memref<10240x64xf32, #tpu.memory_space<vmem_shared>> -> memref<128x64xf32, #tpu.memory_space<vmem_shared>>
      tpu.enqueue_dma source(%arg16 : memref<128x64xf32, #tpu.memory_space<vmem>>) target(%dma_start3A_167 : memref<128x64xf32, #tpu.memory_space<vmem_shared>>) target_semaphore(%run_scoped3A_163 : memref<!tpu.dma_semaphore, #tpu.memory_space<semaphore_mem>>)
      %dma_wait3A = arith.constant 0 : i32
      %dma_wait3A_168 = tpu.memref_slice %arg20[%add3A_5, %dma_wait3A] : memref<10240x64xf32, #tpu.memory_space<vmem_shared>> -> memref<128x64xf32, #tpu.memory_space<vmem_shared>>
      %dma_wait3A_169 = arith.constant 0 : i32
      %dma_wait3A_170 = tpu.memref_slice %arg20[%add3A_5, %dma_wait3A_169] : memref<10240x64xf32, #tpu.memory_space<vmem_shared>> -> memref<128x64xf32, #tpu.memory_space<vmem_shared>>
      tpu.wait_dma2 semaphore(%run_scoped3A_163 : memref<!tpu.dma_semaphore, #tpu.memory_space<semaphore_mem>>) src(%arg16 : memref<128x64xf32, #tpu.memory_space<vmem>>) dst(%dma_wait3A_170 : memref<128x64xf32, #tpu.memory_space<vmem_shared>>)
      tpu.yield
    }) : () -> ()
    %add3A_6 = arith.constant 128 : i32
    %add3A_7 = arith.addi %mul3A_0, %add3A_6 : i32
    "tpu.region"() ({
      %run_scoped3A_163 = tpu.sem_alloc : memref<!tpu.dma_semaphore, #tpu.memory_space<semaphore_mem>>
      %dma_start3A_164 = arith.constant 0 : i32
      %dma_start3A_165 = tpu.memref_slice %arg21[%add3A_7, %dma_start3A_164] : memref<10240x16xf32, #tpu.memory_space<vmem_shared>> -> memref<128x16xf32, #tpu.memory_space<vmem_shared>>
      %dma_start3A_166 = arith.constant 0 : i32
      %dma_start3A_167 = tpu.memref_slice %arg21[%add3A_7, %dma_start3A_166] : memref<10240x16xf32, #tpu.memory_space<vmem_shared>> -> memref<128x16xf32, #tpu.memory_space<vmem_shared>>
      tpu.enqueue_dma source(%arg17 : memref<128x16xf32, #tpu.memory_space<vmem>>) target(%dma_start3A_167 : memref<128x16xf32, #tpu.memory_space<vmem_shared>>) target_semaphore(%run_scoped3A_163 : memref<!tpu.dma_semaphore, #tpu.memory_space<semaphore_mem>>)
      %dma_wait3A = arith.constant 0 : i32
      %dma_wait3A_168 = tpu.memref_slice %arg21[%add3A_7, %dma_wait3A] : memref<10240x16xf32, #tpu.memory_space<vmem_shared>> -> memref<128x16xf32, #tpu.memory_space<vmem_shared>>
      %dma_wait3A_169 = arith.constant 0 : i32
      %dma_wait3A_170 = tpu.memref_slice %arg21[%add3A_7, %dma_wait3A_169] : memref<10240x16xf32, #tpu.memory_space<vmem_shared>> -> memref<128x16xf32, #tpu.memory_space<vmem_shared>>
      tpu.wait_dma2 semaphore(%run_scoped3A_163 : memref<!tpu.dma_semaphore, #tpu.memory_space<semaphore_mem>>) src(%arg17 : memref<128x16xf32, #tpu.memory_space<vmem>>) dst(%dma_wait3A_170 : memref<128x16xf32, #tpu.memory_space<vmem_shared>>)
      tpu.yield
    }) : () -> ()
    %add3A_8 = arith.constant 256 : i32
    %add3A_9 = arith.addi %mul3A_0, %add3A_8 : i32
    "tpu.region"() ({
      %run_scoped3A_163 = tpu.sem_alloc : memref<!tpu.dma_semaphore, #tpu.memory_space<semaphore_mem>>
      %dma_start3A_164 = arith.constant 0 : i32
      %dma_start3A_165 = tpu.memref_slice %arg20[%add3A_9, %dma_start3A_164] : memref<10240x64xf32, #tpu.memory_space<vmem_shared>> -> memref<128x64xf32, #tpu.memory_space<vmem_shared>>
      %dma_start3A_166 = arith.constant 0 : i32
      %dma_start3A_167 = tpu.memref_slice %arg20[%add3A_9, %dma_start3A_166] : memref<10240x64xf32, #tpu.memory_space<vmem_shared>> -> memref<128x64xf32, #tpu.memory_space<vmem_shared>>
      tpu.enqueue_dma source(%arg16 : memref<128x64xf32, #tpu.memory_space<vmem>>) target(%dma_start3A_167 : memref<128x64xf32, #tpu.memory_space<vmem_shared>>) target_semaphore(%run_scoped3A_163 : memref<!tpu.dma_semaphore, #tpu.memory_space<semaphore_mem>>)
      %dma_wait3A = arith.constant 0 : i32
      %dma_wait3A_168 = tpu.memref_slice %arg20[%add3A_9, %dma_wait3A] : memref<10240x64xf32, #tpu.memory_space<vmem_shared>> -> memref<128x64xf32, #tpu.memory_space<vmem_shared>>
      %dma_wait3A_169 = arith.constant 0 : i32
      %dma_wait3A_170 = tpu.memref_slice %arg20[%add3A_9, %dma_wait3A_169] : memref<10240x64xf32, #tpu.memory_space<vmem_shared>> -> memref<128x64xf32, #tpu.memory_space<vmem_shared>>
      tpu.wait_dma2 semaphore(%run_scoped3A_163 : memref<!tpu.dma_semaphore, #tpu.memory_space<semaphore_mem>>) src(%arg16 : memref<128x64xf32, #tpu.memory_space<vmem>>) dst(%dma_wait3A_170 : memref<128x64xf32, #tpu.memory_space<vmem_shared>>)
      tpu.yield
    }) : () -> ()
    %add3A_10 = arith.constant 256 : i32
    %add3A_11 = arith.addi %mul3A_0, %add3A_10 : i32
    "tpu.region"() ({
      %run_scoped3A_163 = tpu.sem_alloc : memref<!tpu.dma_semaphore, #tpu.memory_space<semaphore_mem>>
      %dma_start3A_164 = arith.constant 0 : i32
      %dma_start3A_165 = tpu.memref_slice %arg21[%add3A_11, %dma_start3A_164] : memref<10240x16xf32, #tpu.memory_space<vmem_shared>> -> memref<128x16xf32, #tpu.memory_space<vmem_shared>>
      %dma_start3A_166 = arith.constant 0 : i32
      %dma_start3A_167 = tpu.memref_slice %arg21[%add3A_11, %dma_start3A_166] : memref<10240x16xf32, #tpu.memory_space<vmem_shared>> -> memref<128x16xf32, #tpu.memory_space<vmem_shared>>
      tpu.enqueue_dma source(%arg17 : memref<128x16xf32, #tpu.memory_space<vmem>>) target(%dma_start3A_167 : memref<128x16xf32, #tpu.memory_space<vmem_shared>>) target_semaphore(%run_scoped3A_163 : memref<!tpu.dma_semaphore, #tpu.memory_space<semaphore_mem>>)
      %dma_wait3A = arith.constant 0 : i32
      %dma_wait3A_168 = tpu.memref_slice %arg21[%add3A_11, %dma_wait3A] : memref<10240x16xf32, #tpu.memory_space<vmem_shared>> -> memref<128x16xf32, #tpu.memory_space<vmem_shared>>
      %dma_wait3A_169 = arith.constant 0 : i32
      %dma_wait3A_170 = tpu.memref_slice %arg21[%add3A_11, %dma_wait3A_169] : memref<10240x16xf32, #tpu.memory_space<vmem_shared>> -> memref<128x16xf32, #tpu.memory_space<vmem_shared>>
      tpu.wait_dma2 semaphore(%run_scoped3A_163 : memref<!tpu.dma_semaphore, #tpu.memory_space<semaphore_mem>>) src(%arg17 : memref<128x16xf32, #tpu.memory_space<vmem>>) dst(%dma_wait3A_170 : memref<128x16xf32, #tpu.memory_space<vmem_shared>>)
      tpu.yield
    }) : () -> ()
    %add3A_12 = arith.constant 384 : i32
    %add3A_13 = arith.addi %mul3A_0, %add3A_12 : i32
    "tpu.region"() ({
      %run_scoped3A_163 = tpu.sem_alloc : memref<!tpu.dma_semaphore, #tpu.memory_space<semaphore_mem>>
      %dma_start3A_164 = arith.constant 0 : i32
      %dma_start3A_165 = tpu.memref_slice %arg20[%add3A_13, %dma_start3A_164] : memref<10240x64xf32, #tpu.memory_space<vmem_shared>> -> memref<128x64xf32, #tpu.memory_space<vmem_shared>>
      %dma_start3A_166 = arith.constant 0 : i32
      %dma_start3A_167 = tpu.memref_slice %arg20[%add3A_13, %dma_start3A_166] : memref<10240x64xf32, #tpu.memory_space<vmem_shared>> -> memref<128x64xf32, #tpu.memory_space<vmem_shared>>
      tpu.enqueue_dma source(%arg16 : memref<128x64xf32, #tpu.memory_space<vmem>>) target(%dma_start3A_167 : memref<128x64xf32, #tpu.memory_space<vmem_shared>>) target_semaphore(%run_scoped3A_163 : memref<!tpu.dma_semaphore, #tpu.memory_space<semaphore_mem>>)
      %dma_wait3A = arith.constant 0 : i32
      %dma_wait3A_168 = tpu.memref_slice %arg20[%add3A_13, %dma_wait3A] : memref<10240x64xf32, #tpu.memory_space<vmem_shared>> -> memref<128x64xf32, #tpu.memory_space<vmem_shared>>
      %dma_wait3A_169 = arith.constant 0 : i32
      %dma_wait3A_170 = tpu.memref_slice %arg20[%add3A_13, %dma_wait3A_169] : memref<10240x64xf32, #tpu.memory_space<vmem_shared>> -> memref<128x64xf32, #tpu.memory_space<vmem_shared>>
      tpu.wait_dma2 semaphore(%run_scoped3A_163 : memref<!tpu.dma_semaphore, #tpu.memory_space<semaphore_mem>>) src(%arg16 : memref<128x64xf32, #tpu.memory_space<vmem>>) dst(%dma_wait3A_170 : memref<128x64xf32, #tpu.memory_space<vmem_shared>>)
      tpu.yield
    }) : () -> ()
    %add3A_14 = arith.constant 384 : i32
    %add3A_15 = arith.addi %mul3A_0, %add3A_14 : i32
    "tpu.region"() ({
      %run_scoped3A_163 = tpu.sem_alloc : memref<!tpu.dma_semaphore, #tpu.memory_space<semaphore_mem>>
      %dma_start3A_164 = arith.constant 0 : i32
      %dma_start3A_165 = tpu.memref_slice %arg21[%add3A_15, %dma_start3A_164] : memref<10240x16xf32, #tpu.memory_space<vmem_shared>> -> memref<128x16xf32, #tpu.memory_space<vmem_shared>>
      %dma_start3A_166 = arith.constant 0 : i32
      %dma_start3A_167 = tpu.memref_slice %arg21[%add3A_15, %dma_start3A_166] : memref<10240x16xf32, #tpu.memory_space<vmem_shared>> -> memref<128x16xf32, #tpu.memory_space<vmem_shared>>
      tpu.enqueue_dma source(%arg17 : memref<128x16xf32, #tpu.memory_space<vmem>>) target(%dma_start3A_167 : memref<128x16xf32, #tpu.memory_space<vmem_shared>>) target_semaphore(%run_scoped3A_163 : memref<!tpu.dma_semaphore, #tpu.memory_space<semaphore_mem>>)
      %dma_wait3A = arith.constant 0 : i32
      %dma_wait3A_168 = tpu.memref_slice %arg21[%add3A_15, %dma_wait3A] : memref<10240x16xf32, #tpu.memory_space<vmem_shared>> -> memref<128x16xf32, #tpu.memory_space<vmem_shared>>
      %dma_wait3A_169 = arith.constant 0 : i32
      %dma_wait3A_170 = tpu.memref_slice %arg21[%add3A_15, %dma_wait3A_169] : memref<10240x16xf32, #tpu.memory_space<vmem_shared>> -> memref<128x16xf32, #tpu.memory_space<vmem_shared>>
      tpu.wait_dma2 semaphore(%run_scoped3A_163 : memref<!tpu.dma_semaphore, #tpu.memory_space<semaphore_mem>>) src(%arg17 : memref<128x16xf32, #tpu.memory_space<vmem>>) dst(%dma_wait3A_170 : memref<128x16xf32, #tpu.memory_space<vmem_shared>>)
      tpu.yield
    }) : () -> ()
    %add3A_16 = arith.constant 512 : i32
    %add3A_17 = arith.addi %mul3A_0, %add3A_16 : i32
    "tpu.region"() ({
      %run_scoped3A_163 = tpu.sem_alloc : memref<!tpu.dma_semaphore, #tpu.memory_space<semaphore_mem>>
      %dma_start3A_164 = arith.constant 0 : i32
      %dma_start3A_165 = tpu.memref_slice %arg20[%add3A_17, %dma_start3A_164] : memref<10240x64xf32, #tpu.memory_space<vmem_shared>> -> memref<128x64xf32, #tpu.memory_space<vmem_shared>>
      %dma_start3A_166 = arith.constant 0 : i32
      %dma_start3A_167 = tpu.memref_slice %arg20[%add3A_17, %dma_start3A_166] : memref<10240x64xf32, #tpu.memory_space<vmem_shared>> -> memref<128x64xf32, #tpu.memory_space<vmem_shared>>
      tpu.enqueue_dma source(%arg16 : memref<128x64xf32, #tpu.memory_space<vmem>>) target(%dma_start3A_167 : memref<128x64xf32, #tpu.memory_space<vmem_shared>>) target_semaphore(%run_scoped3A_163 : memref<!tpu.dma_semaphore, #tpu.memory_space<semaphore_mem>>)
      %dma_wait3A = arith.constant 0 : i32
      %dma_wait3A_168 = tpu.memref_slice %arg20[%add3A_17, %dma_wait3A] : memref<10240x64xf32, #tpu.memory_space<vmem_shared>> -> memref<128x64xf32, #tpu.memory_space<vmem_shared>>
      %dma_wait3A_169 = arith.constant 0 : i32
      %dma_wait3A_170 = tpu.memref_slice %arg20[%add3A_17, %dma_wait3A_169] : memref<10240x64xf32, #tpu.memory_space<vmem_shared>> -> memref<128x64xf32, #tpu.memory_space<vmem_shared>>
      tpu.wait_dma2 semaphore(%run_scoped3A_163 : memref<!tpu.dma_semaphore, #tpu.memory_space<semaphore_mem>>) src(%arg16 : memref<128x64xf32, #tpu.memory_space<vmem>>) dst(%dma_wait3A_170 : memref<128x64xf32, #tpu.memory_space<vmem_shared>>)
      tpu.yield
    }) : () -> ()
    %add3A_18 = arith.constant 512 : i32
    %add3A_19 = arith.addi %mul3A_0, %add3A_18 : i32
    "tpu.region"() ({
      %run_scoped3A_163 = tpu.sem_alloc : memref<!tpu.dma_semaphore, #tpu.memory_space<semaphore_mem>>
      %dma_start3A_164 = arith.constant 0 : i32
      %dma_start3A_165 = tpu.memref_slice %arg21[%add3A_19, %dma_start3A_164] : memref<10240x16xf32, #tpu.memory_space<vmem_shared>> -> memref<128x16xf32, #tpu.memory_space<vmem_shared>>
      %dma_start3A_166 = arith.constant 0 : i32
      %dma_start3A_167 = tpu.memref_slice %arg21[%add3A_19, %dma_start3A_166] : memref<10240x16xf32, #tpu.memory_space<vmem_shared>> -> memref<128x16xf32, #tpu.memory_space<vmem_shared>>
      tpu.enqueue_dma source(%arg17 : memref<128x16xf32, #tpu.memory_space<vmem>>) target(%dma_start3A_167 : memref<128x16xf32, #tpu.memory_space<vmem_shared>>) target_semaphore(%run_scoped3A_163 : memref<!tpu.dma_semaphore, #tpu.memory_space<semaphore_mem>>)
      %dma_wait3A = arith.constant 0 : i32
      %dma_wait3A_168 = tpu.memref_slice %arg21[%add3A_19, %dma_wait3A] : memref<10240x16xf32, #tpu.memory_space<vmem_shared>> -> memref<128x16xf32, #tpu.memory_space<vmem_shared>>
      %dma_wait3A_169 = arith.constant 0 : i32
      %dma_wait3A_170 = tpu.memref_slice %arg21[%add3A_19, %dma_wait3A_169] : memref<10240x16xf32, #tpu.memory_space<vmem_shared>> -> memref<128x16xf32, #tpu.memory_space<vmem_shared>>
      tpu.wait_dma2 semaphore(%run_scoped3A_163 : memref<!tpu.dma_semaphore, #tpu.memory_space<semaphore_mem>>) src(%arg17 : memref<128x16xf32, #tpu.memory_space<vmem>>) dst(%dma_wait3A_170 : memref<128x16xf32, #tpu.memory_space<vmem_shared>>)
      tpu.yield
    }) : () -> ()
    %barrier3A = arith.constant 0 : index
    tpu.barrier barrier_id(%barrier3A)
    %dma_start3A = arith.constant 0 : i32
    %dma_start3A_20 = arith.constant 0 : i32
    %dma_start3A_21 = tpu.memref_slice %arg11[%dma_start3A, %dma_start3A_20] : memref<158x128xi32, #tpu.memory_space<vmem>> -> memref<1x128xi32, #tpu.memory_space<vmem>>
    %dma_start3A_22 = tpu.memref_squeeze %dma_start3A_21 : memref<1x128xi32, #tpu.memory_space<vmem>> -> memref<128xi32, #tpu.memory_space<vmem>>
    %dma_start3A_23 = arith.constant 0 : i32
    %dma_start3A_24 = arith.constant 0 : i32
    %dma_start3A_25 = tpu.memref_slice %arg2[%dma_start3A_23, %dma_start3A_24] : memref<40960x64xf32, #tpu.memory_space<hbm>> -> memref<40960x64xf32, #tpu.memory_space<hbm>>
    tpu.enqueue_indirect_dma source(%dma_start3A_25 : memref<40960x64xf32, #tpu.memory_space<hbm>>) target(%arg13 : memref<128x64xf32, #tpu.memory_space<vmem>>) offsets(%dma_start3A_22 : memref<128xi32, #tpu.memory_space<vmem>>) semaphore(%arg22 : memref<!tpu.dma_semaphore, #tpu.memory_space<semaphore_mem>>)
    %scan3A = arith.constant 0 : i32
    %scan3A_26 = arith.constant 0 : i32
    %scan3A_27 = arith.constant 79 : i32
    %scan3A_28 = arith.addi %scan3A_26, %scan3A_27 : i32
    %scan3A_29 = arith.constant 1 : i32
    scf.for %scan3A_163 = %scan3A_26 to %scan3A_28 step %scan3A_29  : i32 {
      %mul3A_164 = arith.constant 2 : i32
      %mul3A_165 = arith.muli %mul3A_164, %scan3A_163 : i32
      %add3A_166 = arith.constant 1 : i32
      %add3A_167 = arith.addi %mul3A_165, %add3A_166 : i32
      %dma_start3A_168 = arith.constant 0 : i32
      %dma_start3A_169 = tpu.memref_slice %arg11[%add3A_167, %dma_start3A_168] : memref<158x128xi32, #tpu.memory_space<vmem>> -> memref<1x128xi32, #tpu.memory_space<vmem>>
      %dma_start3A_170 = tpu.memref_squeeze %dma_start3A_169 : memref<1x128xi32, #tpu.memory_space<vmem>> -> memref<128xi32, #tpu.memory_space<vmem>>
      %dma_start3A_171 = arith.constant 0 : i32
      %dma_start3A_172 = arith.constant 0 : i32
      %dma_start3A_173 = tpu.memref_slice %arg2[%dma_start3A_171, %dma_start3A_172] : memref<40960x64xf32, #tpu.memory_space<hbm>> -> memref<40960x64xf32, #tpu.memory_space<hbm>>
      tpu.enqueue_indirect_dma source(%dma_start3A_173 : memref<40960x64xf32, #tpu.memory_space<hbm>>) target(%arg14 : memref<128x64xf32, #tpu.memory_space<vmem>>) offsets(%dma_start3A_170 : memref<128xi32, #tpu.memory_space<vmem>>) semaphore(%arg23 : memref<!tpu.dma_semaphore, #tpu.memory_space<semaphore_mem>>)
      %dma_wait3A = arith.constant 0 : i32
      %dma_wait3A_174 = arith.constant 0 : i32
      %dma_wait3A_175 = tpu.memref_slice %arg2[%dma_wait3A, %dma_wait3A_174] : memref<40960x64xf32, #tpu.memory_space<hbm>> -> memref<128x64xf32, #tpu.memory_space<hbm>>
      %dma_wait3A_176 = arith.constant 0 : i32
      %dma_wait3A_177 = arith.constant 0 : i32
      %dma_wait3A_178 = tpu.memref_slice %arg2[%dma_wait3A_176, %dma_wait3A_177] : memref<40960x64xf32, #tpu.memory_space<hbm>> -> memref<128x64xf32, #tpu.memory_space<hbm>>
      tpu.wait_dma2 semaphore(%arg22 : memref<!tpu.dma_semaphore, #tpu.memory_space<semaphore_mem>>) src(%dma_wait3A_178 : memref<128x64xf32, #tpu.memory_space<hbm>>) dst(%arg13 : memref<128x64xf32, #tpu.memory_space<vmem>>)
      "tpu.region"() ({
        %run_scoped3A_193 = tpu.sem_alloc : memref<!tpu.dma_semaphore, #tpu.memory_space<semaphore_mem>>
        %dma_start3A_194 = arith.constant 0 : i32
        %dma_start3A_195 = tpu.memref_slice %arg12[%mul3A_165, %dma_start3A_194] : memref<158x128xi32, #tpu.memory_space<vmem>> -> memref<1x128xi32, #tpu.memory_space<vmem>>
        %dma_start3A_196 = tpu.memref_squeeze %dma_start3A_195 : memref<1x128xi32, #tpu.memory_space<vmem>> -> memref<128xi32, #tpu.memory_space<vmem>>
        %dma_start3A_197 = arith.constant 0 : i32
        %dma_start3A_198 = arith.constant 0 : i32
        %dma_start3A_199 = tpu.memref_slice %arg20[%dma_start3A_197, %dma_start3A_198] : memref<10240x64xf32, #tpu.memory_space<vmem_shared>> -> memref<10240x64xf32, #tpu.memory_space<vmem_shared>>
        tpu.enqueue_indirect_dma source(%arg13 : memref<128x64xf32, #tpu.memory_space<vmem>>) target(%dma_start3A_199 : memref<10240x64xf32, #tpu.memory_space<vmem_shared>>) offsets(%dma_start3A_196 : memref<128xi32, #tpu.memory_space<vmem>>) semaphore(%run_scoped3A_193 : memref<!tpu.dma_semaphore, #tpu.memory_space<semaphore_mem>>) {add = true}
        %dma_wait3A_200 = arith.constant 0 : i32
        %dma_wait3A_201 = tpu.memref_slice %arg12[%mul3A_165, %dma_wait3A_200] : memref<158x128xi32, #tpu.memory_space<vmem>> -> memref<1x128xi32, #tpu.memory_space<vmem>>
        %dma_wait3A_202 = tpu.memref_squeeze %dma_wait3A_201 : memref<1x128xi32, #tpu.memory_space<vmem>> -> memref<128xi32, #tpu.memory_space<vmem>>
        %dma_wait3A_203 = arith.constant 0 : i32
        %dma_wait3A_204 = arith.constant 0 : i32
        %dma_wait3A_205 = tpu.memref_slice %arg20[%dma_wait3A_203, %dma_wait3A_204] : memref<10240x64xf32, #tpu.memory_space<vmem_shared>> -> memref<10240x64xf32, #tpu.memory_space<vmem_shared>>
        tpu.wait_indirect_dma semaphore(%run_scoped3A_193 : memref<!tpu.dma_semaphore, #tpu.memory_space<semaphore_mem>>) src(%arg13 : memref<128x64xf32, #tpu.memory_space<vmem>>) dst(%dma_wait3A_205 : memref<10240x64xf32, #tpu.memory_space<vmem_shared>>)
        tpu.yield
      }) : () -> ()
      "tpu.region"() ({
        %run_scoped3A_193 = tpu.sem_alloc : memref<!tpu.dma_semaphore, #tpu.memory_space<semaphore_mem>>
        %dma_start3A_194 = arith.constant 0 : i32
        %dma_start3A_195 = tpu.memref_slice %arg12[%mul3A_165, %dma_start3A_194] : memref<158x128xi32, #tpu.memory_space<vmem>> -> memref<1x128xi32, #tpu.memory_space<vmem>>
        %dma_start3A_196 = tpu.memref_squeeze %dma_start3A_195 : memref<1x128xi32, #tpu.memory_space<vmem>> -> memref<128xi32, #tpu.memory_space<vmem>>
        %dma_start3A_197 = arith.constant 0 : i32
        %dma_start3A_198 = arith.constant 0 : i32
        %dma_start3A_199 = tpu.memref_slice %arg21[%dma_start3A_197, %dma_start3A_198] : memref<10240x16xf32, #tpu.memory_space<vmem_shared>> -> memref<10240x16xf32, #tpu.memory_space<vmem_shared>>
        tpu.enqueue_indirect_dma source(%arg15 : memref<128x16xf32, #tpu.memory_space<vmem>>) target(%dma_start3A_199 : memref<10240x16xf32, #tpu.memory_space<vmem_shared>>) offsets(%dma_start3A_196 : memref<128xi32, #tpu.memory_space<vmem>>) semaphore(%run_scoped3A_193 : memref<!tpu.dma_semaphore, #tpu.memory_space<semaphore_mem>>) {add = true}
        %dma_wait3A_200 = arith.constant 0 : i32
        %dma_wait3A_201 = tpu.memref_slice %arg12[%mul3A_165, %dma_wait3A_200] : memref<158x128xi32, #tpu.memory_space<vmem>> -> memref<1x128xi32, #tpu.memory_space<vmem>>
        %dma_wait3A_202 = tpu.memref_squeeze %dma_wait3A_201 : memref<1x128xi32, #tpu.memory_space<vmem>> -> memref<128xi32, #tpu.memory_space<vmem>>
        %dma_wait3A_203 = arith.constant 0 : i32
        %dma_wait3A_204 = arith.constant 0 : i32
        %dma_wait3A_205 = tpu.memref_slice %arg21[%dma_wait3A_203, %dma_wait3A_204] : memref<10240x16xf32, #tpu.memory_space<vmem_shared>> -> memref<10240x16xf32, #tpu.memory_space<vmem_shared>>
        tpu.wait_indirect_dma semaphore(%run_scoped3A_193 : memref<!tpu.dma_semaphore, #tpu.memory_space<semaphore_mem>>) src(%arg15 : memref<128x16xf32, #tpu.memory_space<vmem>>) dst(%dma_wait3A_205 : memref<10240x16xf32, #tpu.memory_space<vmem_shared>>)
        tpu.yield
      }) : () -> ()
      %add3A_179 = arith.constant 2 : i32
      %add3A_180 = arith.addi %mul3A_165, %add3A_179 : i32
      %lt3A = arith.constant 158 : i32
      %lt3A_181 = arith.cmpi slt, %add3A_180, %lt3A : i32
      %convert_element_type3A = arith.extui %lt3A_181 : i1 to i32
      %cond3A = arith.constant 0 : i32
      %cond3A_182 = arith.cmpi ne, %convert_element_type3A, %cond3A : i32
      scf.if %cond3A_182 {
        %add3A_193 = arith.constant 2 : i32
        %add3A_194 = arith.addi %mul3A_165, %add3A_193 : i32
        %dma_start3A_195 = arith.constant 0 : i32
        %dma_start3A_196 = tpu.memref_slice %arg11[%add3A_194, %dma_start3A_195] : memref<158x128xi32, #tpu.memory_space<vmem>> -> memref<1x128xi32, #tpu.memory_space<vmem>>
        %dma_start3A_197 = tpu.memref_squeeze %dma_start3A_196 : memref<1x128xi32, #tpu.memory_space<vmem>> -> memref<128xi32, #tpu.memory_space<vmem>>
        %dma_start3A_198 = arith.constant 0 : i32
        %dma_start3A_199 = arith.constant 0 : i32
        %dma_start3A_200 = tpu.memref_slice %arg2[%dma_start3A_198, %dma_start3A_199] : memref<40960x64xf32, #tpu.memory_space<hbm>> -> memref<40960x64xf32, #tpu.memory_space<hbm>>
        tpu.enqueue_indirect_dma source(%dma_start3A_200 : memref<40960x64xf32, #tpu.memory_space<hbm>>) target(%arg13 : memref<128x64xf32, #tpu.memory_space<vmem>>) offsets(%dma_start3A_197 : memref<128xi32, #tpu.memory_space<vmem>>) semaphore(%arg22 : memref<!tpu.dma_semaphore, #tpu.memory_space<semaphore_mem>>)
      } else {
      }
      %dma_wait3A_183 = arith.constant 0 : i32
      %dma_wait3A_184 = arith.constant 0 : i32
      %dma_wait3A_185 = tpu.memref_slice %arg2[%dma_wait3A_183, %dma_wait3A_184] : memref<40960x64xf32, #tpu.memory_space<hbm>> -> memref<128x64xf32, #tpu.memory_space<hbm>>
      %dma_wait3A_186 = arith.constant 0 : i32
      %dma_wait3A_187 = arith.constant 0 : i32
      %dma_wait3A_188 = tpu.memref_slice %arg2[%dma_wait3A_186, %dma_wait3A_187] : memref<40960x64xf32, #tpu.memory_space<hbm>> -> memref<128x64xf32, #tpu.memory_space<hbm>>
      tpu.wait_dma2 semaphore(%arg23 : memref<!tpu.dma_semaphore, #tpu.memory_space<semaphore_mem>>) src(%dma_wait3A_188 : memref<128x64xf32, #tpu.memory_space<hbm>>) dst(%arg14 : memref<128x64xf32, #tpu.memory_space<vmem>>)
      %add3A_189 = arith.constant 1 : i32
      %add3A_190 = arith.addi %mul3A_165, %add3A_189 : i32
      "tpu.region"() ({
        %run_scoped3A_193 = tpu.sem_alloc : memref<!tpu.dma_semaphore, #tpu.memory_space<semaphore_mem>>
        %dma_start3A_194 = arith.constant 0 : i32
        %dma_start3A_195 = tpu.memref_slice %arg12[%add3A_190, %dma_start3A_194] : memref<158x128xi32, #tpu.memory_space<vmem>> -> memref<1x128xi32, #tpu.memory_space<vmem>>
        %dma_start3A_196 = tpu.memref_squeeze %dma_start3A_195 : memref<1x128xi32, #tpu.memory_space<vmem>> -> memref<128xi32, #tpu.memory_space<vmem>>
        %dma_start3A_197 = arith.constant 0 : i32
        %dma_start3A_198 = arith.constant 0 : i32
        %dma_start3A_199 = tpu.memref_slice %arg20[%dma_start3A_197, %dma_start3A_198] : memref<10240x64xf32, #tpu.memory_space<vmem_shared>> -> memref<10240x64xf32, #tpu.memory_space<vmem_shared>>
        tpu.enqueue_indirect_dma source(%arg14 : memref<128x64xf32, #tpu.memory_space<vmem>>) target(%dma_start3A_199 : memref<10240x64xf32, #tpu.memory_space<vmem_shared>>) offsets(%dma_start3A_196 : memref<128xi32, #tpu.memory_space<vmem>>) semaphore(%run_scoped3A_193 : memref<!tpu.dma_semaphore, #tpu.memory_space<semaphore_mem>>) {add = true}
        %dma_wait3A_200 = arith.constant 0 : i32
        %dma_wait3A_201 = tpu.memref_slice %arg12[%add3A_190, %dma_wait3A_200] : memref<158x128xi32, #tpu.memory_space<vmem>> -> memref<1x128xi32, #tpu.memory_space<vmem>>
        %dma_wait3A_202 = tpu.memref_squeeze %dma_wait3A_201 : memref<1x128xi32, #tpu.memory_space<vmem>> -> memref<128xi32, #tpu.memory_space<vmem>>
        %dma_wait3A_203 = arith.constant 0 : i32
        %dma_wait3A_204 = arith.constant 0 : i32
        %dma_wait3A_205 = tpu.memref_slice %arg20[%dma_wait3A_203, %dma_wait3A_204] : memref<10240x64xf32, #tpu.memory_space<vmem_shared>> -> memref<10240x64xf32, #tpu.memory_space<vmem_shared>>
        tpu.wait_indirect_dma semaphore(%run_scoped3A_193 : memref<!tpu.dma_semaphore, #tpu.memory_space<semaphore_mem>>) src(%arg14 : memref<128x64xf32, #tpu.memory_space<vmem>>) dst(%dma_wait3A_205 : memref<10240x64xf32, #tpu.memory_space<vmem_shared>>)
        tpu.yield
      }) : () -> ()
      %add3A_191 = arith.constant 1 : i32
      %add3A_192 = arith.addi %mul3A_165, %add3A_191 : i32
      "tpu.region"() ({
        %run_scoped3A_193 = tpu.sem_alloc : memref<!tpu.dma_semaphore, #tpu.memory_space<semaphore_mem>>
        %dma_start3A_194 = arith.constant 0 : i32
        %dma_start3A_195 = tpu.memref_slice %arg12[%add3A_192, %dma_start3A_194] : memref<158x128xi32, #tpu.memory_space<vmem>> -> memref<1x128xi32, #tpu.memory_space<vmem>>
        %dma_start3A_196 = tpu.memref_squeeze %dma_start3A_195 : memref<1x128xi32, #tpu.memory_space<vmem>> -> memref<128xi32, #tpu.memory_space<vmem>>
        %dma_start3A_197 = arith.constant 0 : i32
        %dma_start3A_198 = arith.constant 0 : i32
        %dma_start3A_199 = tpu.memref_slice %arg21[%dma_start3A_197, %dma_start3A_198] : memref<10240x16xf32, #tpu.memory_space<vmem_shared>> -> memref<10240x16xf32, #tpu.memory_space<vmem_shared>>
        tpu.enqueue_indirect_dma source(%arg15 : memref<128x16xf32, #tpu.memory_space<vmem>>) target(%dma_start3A_199 : memref<10240x16xf32, #tpu.memory_space<vmem_shared>>) offsets(%dma_start3A_196 : memref<128xi32, #tpu.memory_space<vmem>>) semaphore(%run_scoped3A_193 : memref<!tpu.dma_semaphore, #tpu.memory_space<semaphore_mem>>) {add = true}
        %dma_wait3A_200 = arith.constant 0 : i32
        %dma_wait3A_201 = tpu.memref_slice %arg12[%add3A_192, %dma_wait3A_200] : memref<158x128xi32, #tpu.memory_space<vmem>> -> memref<1x128xi32, #tpu.memory_space<vmem>>
        %dma_wait3A_202 = tpu.memref_squeeze %dma_wait3A_201 : memref<1x128xi32, #tpu.memory_space<vmem>> -> memref<128xi32, #tpu.memory_space<vmem>>
        %dma_wait3A_203 = arith.constant 0 : i32
        %dma_wait3A_204 = arith.constant 0 : i32
        %dma_wait3A_205 = tpu.memref_slice %arg21[%dma_wait3A_203, %dma_wait3A_204] : memref<10240x16xf32, #tpu.memory_space<vmem_shared>> -> memref<10240x16xf32, #tpu.memory_space<vmem_shared>>
        tpu.wait_indirect_dma semaphore(%run_scoped3A_193 : memref<!tpu.dma_semaphore, #tpu.memory_space<semaphore_mem>>) src(%arg15 : memref<128x16xf32, #tpu.memory_space<vmem>>) dst(%dma_wait3A_205 : memref<10240x16xf32, #tpu.memory_space<vmem_shared>>)
        tpu.yield
      }) : () -> ()
    }
    %scan3A_30 = arith.constant 79 : i32
    %barrier3A_31 = arith.constant 0 : index
    tpu.barrier barrier_id(%barrier3A_31)
    %add3A_32 = arith.constant 0 : i32
    %add3A_33 = arith.addi %mul3A_0, %add3A_32 : i32
    "tpu.region"() ({
      %run_scoped3A_163 = tpu.sem_alloc : memref<!tpu.dma_semaphore, #tpu.memory_space<semaphore_mem>>
      %dma_start3A_164 = arith.constant 0 : i32
      %dma_start3A_165 = tpu.memref_slice %arg20[%add3A_33, %dma_start3A_164] : memref<10240x64xf32, #tpu.memory_space<vmem_shared>> -> memref<128x64xf32, #tpu.memory_space<vmem_shared>>
      %dma_start3A_166 = arith.constant 0 : i32
      %dma_start3A_167 = tpu.memref_slice %arg20[%add3A_33, %dma_start3A_166] : memref<10240x64xf32, #tpu.memory_space<vmem_shared>> -> memref<128x64xf32, #tpu.memory_space<vmem_shared>>
      tpu.enqueue_dma source(%dma_start3A_167 : memref<128x64xf32, #tpu.memory_space<vmem_shared>>) target(%arg18 : memref<128x64xf32, #tpu.memory_space<vmem>>) target_semaphore(%run_scoped3A_163 : memref<!tpu.dma_semaphore, #tpu.memory_space<semaphore_mem>>)
      %dma_wait3A = arith.constant 0 : i32
      %dma_wait3A_168 = tpu.memref_slice %arg20[%add3A_33, %dma_wait3A] : memref<10240x64xf32, #tpu.memory_space<vmem_shared>> -> memref<128x64xf32, #tpu.memory_space<vmem_shared>>
      %dma_wait3A_169 = arith.constant 0 : i32
      %dma_wait3A_170 = tpu.memref_slice %arg20[%add3A_33, %dma_wait3A_169] : memref<10240x64xf32, #tpu.memory_space<vmem_shared>> -> memref<128x64xf32, #tpu.memory_space<vmem_shared>>
      tpu.wait_dma2 semaphore(%run_scoped3A_163 : memref<!tpu.dma_semaphore, #tpu.memory_space<semaphore_mem>>) src(%dma_wait3A_170 : memref<128x64xf32, #tpu.memory_space<vmem_shared>>) dst(%arg18 : memref<128x64xf32, #tpu.memory_space<vmem>>)
      tpu.yield
    }) : () -> ()
    %mul3A_34 = arith.constant 10240 : i32
    %mul3A_35 = arith.muli %arg0, %mul3A_34 : i32
    %add3A_36 = arith.addi %mul3A_35, %mul3A_0 : i32
    %add3A_37 = arith.constant 0 : i32
    %add3A_38 = arith.addi %add3A_36, %add3A_37 : i32
    "tpu.region"() ({
      %run_scoped3A_163 = tpu.sem_alloc : memref<!tpu.dma_semaphore, #tpu.memory_space<semaphore_mem>>
      %dma_start3A_164 = arith.constant 0 : i32
      %dma_start3A_165 = tpu.memref_slice %arg8[%add3A_38, %dma_start3A_164] : memref<20480x64xf32, #tpu.memory_space<hbm>> -> memref<128x64xf32, #tpu.memory_space<hbm>>
      %dma_start3A_166 = arith.constant 0 : i32
      %dma_start3A_167 = tpu.memref_slice %arg8[%add3A_38, %dma_start3A_166] : memref<20480x64xf32, #tpu.memory_space<hbm>> -> memref<128x64xf32, #tpu.memory_space<hbm>>
      tpu.enqueue_dma source(%arg18 : memref<128x64xf32, #tpu.memory_space<vmem>>) target(%dma_start3A_167 : memref<128x64xf32, #tpu.memory_space<hbm>>) target_semaphore(%run_scoped3A_163 : memref<!tpu.dma_semaphore, #tpu.memory_space<semaphore_mem>>)
      %dma_wait3A = arith.constant 0 : i32
      %dma_wait3A_168 = tpu.memref_slice %arg8[%add3A_38, %dma_wait3A] : memref<20480x64xf32, #tpu.memory_space<hbm>> -> memref<128x64xf32, #tpu.memory_space<hbm>>
      %dma_wait3A_169 = arith.constant 0 : i32
      %dma_wait3A_170 = tpu.memref_slice %arg8[%add3A_38, %dma_wait3A_169] : memref<20480x64xf32, #tpu.memory_space<hbm>> -> memref<128x64xf32, #tpu.memory_space<hbm>>
      tpu.wait_dma2 semaphore(%run_scoped3A_163 : memref<!tpu.dma_semaphore, #tpu.memory_space<semaphore_mem>>) src(%arg18 : memref<128x64xf32, #tpu.memory_space<vmem>>) dst(%dma_wait3A_170 : memref<128x64xf32, #tpu.memory_space<hbm>>)
      tpu.yield
    }) : () -> ()
    %add3A_39 = arith.constant 0 : i32
    %add3A_40 = arith.addi %mul3A_0, %add3A_39 : i32
    "tpu.region"() ({
      %run_scoped3A_163 = tpu.sem_alloc : memref<!tpu.dma_semaphore, #tpu.memory_space<semaphore_mem>>
      %dma_start3A_164 = arith.constant 0 : i32
      %dma_start3A_165 = tpu.memref_slice %arg21[%add3A_40, %dma_start3A_164] : memref<10240x16xf32, #tpu.memory_space<vmem_shared>> -> memref<128x16xf32, #tpu.memory_space<vmem_shared>>
      %dma_start3A_166 = arith.constant 0 : i32
      %dma_start3A_167 = tpu.memref_slice %arg21[%add3A_40, %dma_start3A_166] : memref<10240x16xf32, #tpu.memory_space<vmem_shared>> -> memref<128x16xf32, #tpu.memory_space<vmem_shared>>
      tpu.enqueue_dma source(%dma_start3A_167 : memref<128x16xf32, #tpu.memory_space<vmem_shared>>) target(%arg19 : memref<128x16xf32, #tpu.memory_space<vmem>>) target_semaphore(%run_scoped3A_163 : memref<!tpu.dma_semaphore, #tpu.memory_space<semaphore_mem>>)
      %dma_wait3A = arith.constant 0 : i32
      %dma_wait3A_168 = tpu.memref_slice %arg21[%add3A_40, %dma_wait3A] : memref<10240x16xf32, #tpu.memory_space<vmem_shared>> -> memref<128x16xf32, #tpu.memory_space<vmem_shared>>
      %dma_wait3A_169 = arith.constant 0 : i32
      %dma_wait3A_170 = tpu.memref_slice %arg21[%add3A_40, %dma_wait3A_169] : memref<10240x16xf32, #tpu.memory_space<vmem_shared>> -> memref<128x16xf32, #tpu.memory_space<vmem_shared>>
      tpu.wait_dma2 semaphore(%run_scoped3A_163 : memref<!tpu.dma_semaphore, #tpu.memory_space<semaphore_mem>>) src(%dma_wait3A_170 : memref<128x16xf32, #tpu.memory_space<vmem_shared>>) dst(%arg19 : memref<128x16xf32, #tpu.memory_space<vmem>>)
      tpu.yield
    }) : () -> ()
    %mul3A_41 = arith.constant 10240 : i32
    %mul3A_42 = arith.muli %arg0, %mul3A_41 : i32
    %add3A_43 = arith.addi %mul3A_42, %mul3A_0 : i32
    %add3A_44 = arith.constant 0 : i32
    %add3A_45 = arith.addi %add3A_43, %add3A_44 : i32
    "tpu.region"() ({
      %run_scoped3A_163 = tpu.sem_alloc : memref<!tpu.dma_semaphore, #tpu.memory_space<semaphore_mem>>
      %dma_start3A_164 = arith.constant 0 : i32
      %dma_start3A_165 = tpu.memref_slice %arg10[%add3A_45, %dma_start3A_164] : memref<20480x16xf32, #tpu.memory_space<hbm>> -> memref<128x16xf32, #tpu.memory_space<hbm>>
      %dma_start3A_166 = arith.constant 0 : i32
      %dma_start3A_167 = tpu.memref_slice %arg10[%add3A_45, %dma_start3A_166] : memref<20480x16xf32, #tpu.memory_space<hbm>> -> memref<128x16xf32, #tpu.memory_space<hbm>>
      tpu.enqueue_dma source(%arg19 : memref<128x16xf32, #tpu.memory_space<vmem>>) target(%dma_start3A_167 : memref<128x16xf32, #tpu.memory_space<hbm>>) target_semaphore(%run_scoped3A_163 : memref<!tpu.dma_semaphore, #tpu.memory_space<semaphore_mem>>)
      %dma_wait3A = arith.constant 0 : i32
      %dma_wait3A_168 = tpu.memref_slice %arg10[%add3A_45, %dma_wait3A] : memref<20480x16xf32, #tpu.memory_space<hbm>> -> memref<128x16xf32, #tpu.memory_space<hbm>>
      %dma_wait3A_169 = arith.constant 0 : i32
      %dma_wait3A_170 = tpu.memref_slice %arg10[%add3A_45, %dma_wait3A_169] : memref<20480x16xf32, #tpu.memory_space<hbm>> -> memref<128x16xf32, #tpu.memory_space<hbm>>
      tpu.wait_dma2 semaphore(%run_scoped3A_163 : memref<!tpu.dma_semaphore, #tpu.memory_space<semaphore_mem>>) src(%arg19 : memref<128x16xf32, #tpu.memory_space<vmem>>) dst(%dma_wait3A_170 : memref<128x16xf32, #tpu.memory_space<hbm>>)
      tpu.yield
    }) : () -> ()
    %add3A_46 = arith.constant 128 : i32
    %add3A_47 = arith.addi %mul3A_0, %add3A_46 : i32
    "tpu.region"() ({
      %run_scoped3A_163 = tpu.sem_alloc : memref<!tpu.dma_semaphore, #tpu.memory_space<semaphore_mem>>
      %dma_start3A_164 = arith.constant 0 : i32
      %dma_start3A_165 = tpu.memref_slice %arg20[%add3A_47, %dma_start3A_164] : memref<10240x64xf32, #tpu.memory_space<vmem_shared>> -> memref<128x64xf32, #tpu.memory_space<vmem_shared>>
      %dma_start3A_166 = arith.constant 0 : i32
      %dma_start3A_167 = tpu.memref_slice %arg20[%add3A_47, %dma_start3A_166] : memref<10240x64xf32, #tpu.memory_space<vmem_shared>> -> memref<128x64xf32, #tpu.memory_space<vmem_shared>>
      tpu.enqueue_dma source(%dma_start3A_167 : memref<128x64xf32, #tpu.memory_space<vmem_shared>>) target(%arg18 : memref<128x64xf32, #tpu.memory_space<vmem>>) target_semaphore(%run_scoped3A_163 : memref<!tpu.dma_semaphore, #tpu.memory_space<semaphore_mem>>)
      %dma_wait3A = arith.constant 0 : i32
      %dma_wait3A_168 = tpu.memref_slice %arg20[%add3A_47, %dma_wait3A] : memref<10240x64xf32, #tpu.memory_space<vmem_shared>> -> memref<128x64xf32, #tpu.memory_space<vmem_shared>>
      %dma_wait3A_169 = arith.constant 0 : i32
      %dma_wait3A_170 = tpu.memref_slice %arg20[%add3A_47, %dma_wait3A_169] : memref<10240x64xf32, #tpu.memory_space<vmem_shared>> -> memref<128x64xf32, #tpu.memory_space<vmem_shared>>
      tpu.wait_dma2 semaphore(%run_scoped3A_163 : memref<!tpu.dma_semaphore, #tpu.memory_space<semaphore_mem>>) src(%dma_wait3A_170 : memref<128x64xf32, #tpu.memory_space<vmem_shared>>) dst(%arg18 : memref<128x64xf32, #tpu.memory_space<vmem>>)
      tpu.yield
    }) : () -> ()
    %mul3A_48 = arith.constant 10240 : i32
    %mul3A_49 = arith.muli %arg0, %mul3A_48 : i32
    %add3A_50 = arith.addi %mul3A_49, %mul3A_0 : i32
    %add3A_51 = arith.constant 128 : i32
    %add3A_52 = arith.addi %add3A_50, %add3A_51 : i32
    "tpu.region"() ({
      %run_scoped3A_163 = tpu.sem_alloc : memref<!tpu.dma_semaphore, #tpu.memory_space<semaphore_mem>>
      %dma_start3A_164 = arith.constant 0 : i32
      %dma_start3A_165 = tpu.memref_slice %arg8[%add3A_52, %dma_start3A_164] : memref<20480x64xf32, #tpu.memory_space<hbm>> -> memref<128x64xf32, #tpu.memory_space<hbm>>
      %dma_start3A_166 = arith.constant 0 : i32
      %dma_start3A_167 = tpu.memref_slice %arg8[%add3A_52, %dma_start3A_166] : memref<20480x64xf32, #tpu.memory_space<hbm>> -> memref<128x64xf32, #tpu.memory_space<hbm>>
      tpu.enqueue_dma source(%arg18 : memref<128x64xf32, #tpu.memory_space<vmem>>) target(%dma_start3A_167 : memref<128x64xf32, #tpu.memory_space<hbm>>) target_semaphore(%run_scoped3A_163 : memref<!tpu.dma_semaphore, #tpu.memory_space<semaphore_mem>>)
      %dma_wait3A = arith.constant 0 : i32
      %dma_wait3A_168 = tpu.memref_slice %arg8[%add3A_52, %dma_wait3A] : memref<20480x64xf32, #tpu.memory_space<hbm>> -> memref<128x64xf32, #tpu.memory_space<hbm>>
      %dma_wait3A_169 = arith.constant 0 : i32
      %dma_wait3A_170 = tpu.memref_slice %arg8[%add3A_52, %dma_wait3A_169] : memref<20480x64xf32, #tpu.memory_space<hbm>> -> memref<128x64xf32, #tpu.memory_space<hbm>>
      tpu.wait_dma2 semaphore(%run_scoped3A_163 : memref<!tpu.dma_semaphore, #tpu.memory_space<semaphore_mem>>) src(%arg18 : memref<128x64xf32, #tpu.memory_space<vmem>>) dst(%dma_wait3A_170 : memref<128x64xf32, #tpu.memory_space<hbm>>)
      tpu.yield
    }) : () -> ()
    %add3A_53 = arith.constant 128 : i32
    %add3A_54 = arith.addi %mul3A_0, %add3A_53 : i32
    "tpu.region"() ({
      %run_scoped3A_163 = tpu.sem_alloc : memref<!tpu.dma_semaphore, #tpu.memory_space<semaphore_mem>>
      %dma_start3A_164 = arith.constant 0 : i32
      %dma_start3A_165 = tpu.memref_slice %arg21[%add3A_54, %dma_start3A_164] : memref<10240x16xf32, #tpu.memory_space<vmem_shared>> -> memref<128x16xf32, #tpu.memory_space<vmem_shared>>
      %dma_start3A_166 = arith.constant 0 : i32
      %dma_start3A_167 = tpu.memref_slice %arg21[%add3A_54, %dma_start3A_166] : memref<10240x16xf32, #tpu.memory_space<vmem_shared>> -> memref<128x16xf32, #tpu.memory_space<vmem_shared>>
      tpu.enqueue_dma source(%dma_start3A_167 : memref<128x16xf32, #tpu.memory_space<vmem_shared>>) target(%arg19 : memref<128x16xf32, #tpu.memory_space<vmem>>) target_semaphore(%run_scoped3A_163 : memref<!tpu.dma_semaphore, #tpu.memory_space<semaphore_mem>>)
      %dma_wait3A = arith.constant 0 : i32
      %dma_wait3A_168 = tpu.memref_slice %arg21[%add3A_54, %dma_wait3A] : memref<10240x16xf32, #tpu.memory_space<vmem_shared>> -> memref<128x16xf32, #tpu.memory_space<vmem_shared>>
      %dma_wait3A_169 = arith.constant 0 : i32
      %dma_wait3A_170 = tpu.memref_slice %arg21[%add3A_54, %dma_wait3A_169] : memref<10240x16xf32, #tpu.memory_space<vmem_shared>> -> memref<128x16xf32, #tpu.memory_space<vmem_shared>>
      tpu.wait_dma2 semaphore(%run_scoped3A_163 : memref<!tpu.dma_semaphore, #tpu.memory_space<semaphore_mem>>) src(%dma_wait3A_170 : memref<128x16xf32, #tpu.memory_space<vmem_shared>>) dst(%arg19 : memref<128x16xf32, #tpu.memory_space<vmem>>)
      tpu.yield
    }) : () -> ()
    %mul3A_55 = arith.constant 10240 : i32
    %mul3A_56 = arith.muli %arg0, %mul3A_55 : i32
    %add3A_57 = arith.addi %mul3A_56, %mul3A_0 : i32
    %add3A_58 = arith.constant 128 : i32
    %add3A_59 = arith.addi %add3A_57, %add3A_58 : i32
    "tpu.region"() ({
      %run_scoped3A_163 = tpu.sem_alloc : memref<!tpu.dma_semaphore, #tpu.memory_space<semaphore_mem>>
      %dma_start3A_164 = arith.constant 0 : i32
      %dma_start3A_165 = tpu.memref_slice %arg10[%add3A_59, %dma_start3A_164] : memref<20480x16xf32, #tpu.memory_space<hbm>> -> memref<128x16xf32, #tpu.memory_space<hbm>>
      %dma_start3A_166 = arith.constant 0 : i32
      %dma_start3A_167 = tpu.memref_slice %arg10[%add3A_59, %dma_start3A_166] : memref<20480x16xf32, #tpu.memory_space<hbm>> -> memref<128x16xf32, #tpu.memory_space<hbm>>
      tpu.enqueue_dma source(%arg19 : memref<128x16xf32, #tpu.memory_space<vmem>>) target(%dma_start3A_167 : memref<128x16xf32, #tpu.memory_space<hbm>>) target_semaphore(%run_scoped3A_163 : memref<!tpu.dma_semaphore, #tpu.memory_space<semaphore_mem>>)
      %dma_wait3A = arith.constant 0 : i32
      %dma_wait3A_168 = tpu.memref_slice %arg10[%add3A_59, %dma_wait3A] : memref<20480x16xf32, #tpu.memory_space<hbm>> -> memref<128x16xf32, #tpu.memory_space<hbm>>
      %dma_wait3A_169 = arith.constant 0 : i32
      %dma_wait3A_170 = tpu.memref_slice %arg10[%add3A_59, %dma_wait3A_169] : memref<20480x16xf32, #tpu.memory_space<hbm>> -> memref<128x16xf32, #tpu.memory_space<hbm>>
      tpu.wait_dma2 semaphore(%run_scoped3A_163 : memref<!tpu.dma_semaphore, #tpu.memory_space<semaphore_mem>>) src(%arg19 : memref<128x16xf32, #tpu.memory_space<vmem>>) dst(%dma_wait3A_170 : memref<128x16xf32, #tpu.memory_space<hbm>>)
      tpu.yield
    }) : () -> ()
    %add3A_60 = arith.constant 256 : i32
    %add3A_61 = arith.addi %mul3A_0, %add3A_60 : i32
    "tpu.region"() ({
      %run_scoped3A_163 = tpu.sem_alloc : memref<!tpu.dma_semaphore, #tpu.memory_space<semaphore_mem>>
      %dma_start3A_164 = arith.constant 0 : i32
      %dma_start3A_165 = tpu.memref_slice %arg20[%add3A_61, %dma_start3A_164] : memref<10240x64xf32, #tpu.memory_space<vmem_shared>> -> memref<128x64xf32, #tpu.memory_space<vmem_shared>>
      %dma_start3A_166 = arith.constant 0 : i32
      %dma_start3A_167 = tpu.memref_slice %arg20[%add3A_61, %dma_start3A_166] : memref<10240x64xf32, #tpu.memory_space<vmem_shared>> -> memref<128x64xf32, #tpu.memory_space<vmem_shared>>
      tpu.enqueue_dma source(%dma_start3A_167 : memref<128x64xf32, #tpu.memory_space<vmem_shared>>) target(%arg18 : memref<128x64xf32, #tpu.memory_space<vmem>>) target_semaphore(%run_scoped3A_163 : memref<!tpu.dma_semaphore, #tpu.memory_space<semaphore_mem>>)
      %dma_wait3A = arith.constant 0 : i32
      %dma_wait3A_168 = tpu.memref_slice %arg20[%add3A_61, %dma_wait3A] : memref<10240x64xf32, #tpu.memory_space<vmem_shared>> -> memref<128x64xf32, #tpu.memory_space<vmem_shared>>
      %dma_wait3A_169 = arith.constant 0 : i32
      %dma_wait3A_170 = tpu.memref_slice %arg20[%add3A_61, %dma_wait3A_169] : memref<10240x64xf32, #tpu.memory_space<vmem_shared>> -> memref<128x64xf32, #tpu.memory_space<vmem_shared>>
      tpu.wait_dma2 semaphore(%run_scoped3A_163 : memref<!tpu.dma_semaphore, #tpu.memory_space<semaphore_mem>>) src(%dma_wait3A_170 : memref<128x64xf32, #tpu.memory_space<vmem_shared>>) dst(%arg18 : memref<128x64xf32, #tpu.memory_space<vmem>>)
      tpu.yield
    }) : () -> ()
    %mul3A_62 = arith.constant 10240 : i32
    %mul3A_63 = arith.muli %arg0, %mul3A_62 : i32
    %add3A_64 = arith.addi %mul3A_63, %mul3A_0 : i32
    %add3A_65 = arith.constant 256 : i32
    %add3A_66 = arith.addi %add3A_64, %add3A_65 : i32
    "tpu.region"() ({
      %run_scoped3A_163 = tpu.sem_alloc : memref<!tpu.dma_semaphore, #tpu.memory_space<semaphore_mem>>
      %dma_start3A_164 = arith.constant 0 : i32
      %dma_start3A_165 = tpu.memref_slice %arg8[%add3A_66, %dma_start3A_164] : memref<20480x64xf32, #tpu.memory_space<hbm>> -> memref<128x64xf32, #tpu.memory_space<hbm>>
      %dma_start3A_166 = arith.constant 0 : i32
      %dma_start3A_167 = tpu.memref_slice %arg8[%add3A_66, %dma_start3A_166] : memref<20480x64xf32, #tpu.memory_space<hbm>> -> memref<128x64xf32, #tpu.memory_space<hbm>>
      tpu.enqueue_dma source(%arg18 : memref<128x64xf32, #tpu.memory_space<vmem>>) target(%dma_start3A_167 : memref<128x64xf32, #tpu.memory_space<hbm>>) target_semaphore(%run_scoped3A_163 : memref<!tpu.dma_semaphore, #tpu.memory_space<semaphore_mem>>)
      %dma_wait3A = arith.constant 0 : i32
      %dma_wait3A_168 = tpu.memref_slice %arg8[%add3A_66, %dma_wait3A] : memref<20480x64xf32, #tpu.memory_space<hbm>> -> memref<128x64xf32, #tpu.memory_space<hbm>>
      %dma_wait3A_169 = arith.constant 0 : i32
      %dma_wait3A_170 = tpu.memref_slice %arg8[%add3A_66, %dma_wait3A_169] : memref<20480x64xf32, #tpu.memory_space<hbm>> -> memref<128x64xf32, #tpu.memory_space<hbm>>
      tpu.wait_dma2 semaphore(%run_scoped3A_163 : memref<!tpu.dma_semaphore, #tpu.memory_space<semaphore_mem>>) src(%arg18 : memref<128x64xf32, #tpu.memory_space<vmem>>) dst(%dma_wait3A_170 : memref<128x64xf32, #tpu.memory_space<hbm>>)
      tpu.yield
    }) : () -> ()
    %add3A_67 = arith.constant 256 : i32
    %add3A_68 = arith.addi %mul3A_0, %add3A_67 : i32
    "tpu.region"() ({
      %run_scoped3A_163 = tpu.sem_alloc : memref<!tpu.dma_semaphore, #tpu.memory_space<semaphore_mem>>
      %dma_start3A_164 = arith.constant 0 : i32
      %dma_start3A_165 = tpu.memref_slice %arg21[%add3A_68, %dma_start3A_164] : memref<10240x16xf32, #tpu.memory_space<vmem_shared>> -> memref<128x16xf32, #tpu.memory_space<vmem_shared>>
      %dma_start3A_166 = arith.constant 0 : i32
      %dma_start3A_167 = tpu.memref_slice %arg21[%add3A_68, %dma_start3A_166] : memref<10240x16xf32, #tpu.memory_space<vmem_shared>> -> memref<128x16xf32, #tpu.memory_space<vmem_shared>>
      tpu.enqueue_dma source(%dma_start3A_167 : memref<128x16xf32, #tpu.memory_space<vmem_shared>>) target(%arg19 : memref<128x16xf32, #tpu.memory_space<vmem>>) target_semaphore(%run_scoped3A_163 : memref<!tpu.dma_semaphore, #tpu.memory_space<semaphore_mem>>)
      %dma_wait3A = arith.constant 0 : i32
      %dma_wait3A_168 = tpu.memref_slice %arg21[%add3A_68, %dma_wait3A] : memref<10240x16xf32, #tpu.memory_space<vmem_shared>> -> memref<128x16xf32, #tpu.memory_space<vmem_shared>>
      %dma_wait3A_169 = arith.constant 0 : i32
      %dma_wait3A_170 = tpu.memref_slice %arg21[%add3A_68, %dma_wait3A_169] : memref<10240x16xf32, #tpu.memory_space<vmem_shared>> -> memref<128x16xf32, #tpu.memory_space<vmem_shared>>
      tpu.wait_dma2 semaphore(%run_scoped3A_163 : memref<!tpu.dma_semaphore, #tpu.memory_space<semaphore_mem>>) src(%dma_wait3A_170 : memref<128x16xf32, #tpu.memory_space<vmem_shared>>) dst(%arg19 : memref<128x16xf32, #tpu.memory_space<vmem>>)
      tpu.yield
    }) : () -> ()
    %mul3A_69 = arith.constant 10240 : i32
    %mul3A_70 = arith.muli %arg0, %mul3A_69 : i32
    %add3A_71 = arith.addi %mul3A_70, %mul3A_0 : i32
    %add3A_72 = arith.constant 256 : i32
    %add3A_73 = arith.addi %add3A_71, %add3A_72 : i32
    "tpu.region"() ({
      %run_scoped3A_163 = tpu.sem_alloc : memref<!tpu.dma_semaphore, #tpu.memory_space<semaphore_mem>>
      %dma_start3A_164 = arith.constant 0 : i32
      %dma_start3A_165 = tpu.memref_slice %arg10[%add3A_73, %dma_start3A_164] : memref<20480x16xf32, #tpu.memory_space<hbm>> -> memref<128x16xf32, #tpu.memory_space<hbm>>
      %dma_start3A_166 = arith.constant 0 : i32
      %dma_start3A_167 = tpu.memref_slice %arg10[%add3A_73, %dma_start3A_166] : memref<20480x16xf32, #tpu.memory_space<hbm>> -> memref<128x16xf32, #tpu.memory_space<hbm>>
      tpu.enqueue_dma source(%arg19 : memref<128x16xf32, #tpu.memory_space<vmem>>) target(%dma_start3A_167 : memref<128x16xf32, #tpu.memory_space<hbm>>) target_semaphore(%run_scoped3A_163 : memref<!tpu.dma_semaphore, #tpu.memory_space<semaphore_mem>>)
      %dma_wait3A = arith.constant 0 : i32
      %dma_wait3A_168 = tpu.memref_slice %arg10[%add3A_73, %dma_wait3A] : memref<20480x16xf32, #tpu.memory_space<hbm>> -> memref<128x16xf32, #tpu.memory_space<hbm>>
      %dma_wait3A_169 = arith.constant 0 : i32
      %dma_wait3A_170 = tpu.memref_slice %arg10[%add3A_73, %dma_wait3A_169] : memref<20480x16xf32, #tpu.memory_space<hbm>> -> memref<128x16xf32, #tpu.memory_space<hbm>>
      tpu.wait_dma2 semaphore(%run_scoped3A_163 : memref<!tpu.dma_semaphore, #tpu.memory_space<semaphore_mem>>) src(%arg19 : memref<128x16xf32, #tpu.memory_space<vmem>>) dst(%dma_wait3A_170 : memref<128x16xf32, #tpu.memory_space<hbm>>)
      tpu.yield
    }) : () -> ()
    %add3A_74 = arith.constant 384 : i32
    %add3A_75 = arith.addi %mul3A_0, %add3A_74 : i32
    "tpu.region"() ({
      %run_scoped3A_163 = tpu.sem_alloc : memref<!tpu.dma_semaphore, #tpu.memory_space<semaphore_mem>>
      %dma_start3A_164 = arith.constant 0 : i32
      %dma_start3A_165 = tpu.memref_slice %arg20[%add3A_75, %dma_start3A_164] : memref<10240x64xf32, #tpu.memory_space<vmem_shared>> -> memref<128x64xf32, #tpu.memory_space<vmem_shared>>
      %dma_start3A_166 = arith.constant 0 : i32
      %dma_start3A_167 = tpu.memref_slice %arg20[%add3A_75, %dma_start3A_166] : memref<10240x64xf32, #tpu.memory_space<vmem_shared>> -> memref<128x64xf32, #tpu.memory_space<vmem_shared>>
      tpu.enqueue_dma source(%dma_start3A_167 : memref<128x64xf32, #tpu.memory_space<vmem_shared>>) target(%arg18 : memref<128x64xf32, #tpu.memory_space<vmem>>) target_semaphore(%run_scoped3A_163 : memref<!tpu.dma_semaphore, #tpu.memory_space<semaphore_mem>>)
      %dma_wait3A = arith.constant 0 : i32
      %dma_wait3A_168 = tpu.memref_slice %arg20[%add3A_75, %dma_wait3A] : memref<10240x64xf32, #tpu.memory_space<vmem_shared>> -> memref<128x64xf32, #tpu.memory_space<vmem_shared>>
      %dma_wait3A_169 = arith.constant 0 : i32
      %dma_wait3A_170 = tpu.memref_slice %arg20[%add3A_75, %dma_wait3A_169] : memref<10240x64xf32, #tpu.memory_space<vmem_shared>> -> memref<128x64xf32, #tpu.memory_space<vmem_shared>>
      tpu.wait_dma2 semaphore(%run_scoped3A_163 : memref<!tpu.dma_semaphore, #tpu.memory_space<semaphore_mem>>) src(%dma_wait3A_170 : memref<128x64xf32, #tpu.memory_space<vmem_shared>>) dst(%arg18 : memref<128x64xf32, #tpu.memory_space<vmem>>)
      tpu.yield
    }) : () -> ()
    %mul3A_76 = arith.constant 10240 : i32
    %mul3A_77 = arith.muli %arg0, %mul3A_76 : i32
    %add3A_78 = arith.addi %mul3A_77, %mul3A_0 : i32
    %add3A_79 = arith.constant 384 : i32
    %add3A_80 = arith.addi %add3A_78, %add3A_79 : i32
    "tpu.region"() ({
      %run_scoped3A_163 = tpu.sem_alloc : memref<!tpu.dma_semaphore, #tpu.memory_space<semaphore_mem>>
      %dma_start3A_164 = arith.constant 0 : i32
      %dma_start3A_165 = tpu.memref_slice %arg8[%add3A_80, %dma_start3A_164] : memref<20480x64xf32, #tpu.memory_space<hbm>> -> memref<128x64xf32, #tpu.memory_space<hbm>>
      %dma_start3A_166 = arith.constant 0 : i32
      %dma_start3A_167 = tpu.memref_slice %arg8[%add3A_80, %dma_start3A_166] : memref<20480x64xf32, #tpu.memory_space<hbm>> -> memref<128x64xf32, #tpu.memory_space<hbm>>
      tpu.enqueue_dma source(%arg18 : memref<128x64xf32, #tpu.memory_space<vmem>>) target(%dma_start3A_167 : memref<128x64xf32, #tpu.memory_space<hbm>>) target_semaphore(%run_scoped3A_163 : memref<!tpu.dma_semaphore, #tpu.memory_space<semaphore_mem>>)
      %dma_wait3A = arith.constant 0 : i32
      %dma_wait3A_168 = tpu.memref_slice %arg8[%add3A_80, %dma_wait3A] : memref<20480x64xf32, #tpu.memory_space<hbm>> -> memref<128x64xf32, #tpu.memory_space<hbm>>
      %dma_wait3A_169 = arith.constant 0 : i32
      %dma_wait3A_170 = tpu.memref_slice %arg8[%add3A_80, %dma_wait3A_169] : memref<20480x64xf32, #tpu.memory_space<hbm>> -> memref<128x64xf32, #tpu.memory_space<hbm>>
      tpu.wait_dma2 semaphore(%run_scoped3A_163 : memref<!tpu.dma_semaphore, #tpu.memory_space<semaphore_mem>>) src(%arg18 : memref<128x64xf32, #tpu.memory_space<vmem>>) dst(%dma_wait3A_170 : memref<128x64xf32, #tpu.memory_space<hbm>>)
      tpu.yield
    }) : () -> ()
    %add3A_81 = arith.constant 384 : i32
    %add3A_82 = arith.addi %mul3A_0, %add3A_81 : i32
    "tpu.region"() ({
      %run_scoped3A_163 = tpu.sem_alloc : memref<!tpu.dma_semaphore, #tpu.memory_space<semaphore_mem>>
      %dma_start3A_164 = arith.constant 0 : i32
      %dma_start3A_165 = tpu.memref_slice %arg21[%add3A_82, %dma_start3A_164] : memref<10240x16xf32, #tpu.memory_space<vmem_shared>> -> memref<128x16xf32, #tpu.memory_space<vmem_shared>>
      %dma_start3A_166 = arith.constant 0 : i32
      %dma_start3A_167 = tpu.memref_slice %arg21[%add3A_82, %dma_start3A_166] : memref<10240x16xf32, #tpu.memory_space<vmem_shared>> -> memref<128x16xf32, #tpu.memory_space<vmem_shared>>
      tpu.enqueue_dma source(%dma_start3A_167 : memref<128x16xf32, #tpu.memory_space<vmem_shared>>) target(%arg19 : memref<128x16xf32, #tpu.memory_space<vmem>>) target_semaphore(%run_scoped3A_163 : memref<!tpu.dma_semaphore, #tpu.memory_space<semaphore_mem>>)
      %dma_wait3A = arith.constant 0 : i32
      %dma_wait3A_168 = tpu.memref_slice %arg21[%add3A_82, %dma_wait3A] : memref<10240x16xf32, #tpu.memory_space<vmem_shared>> -> memref<128x16xf32, #tpu.memory_space<vmem_shared>>
      %dma_wait3A_169 = arith.constant 0 : i32
      %dma_wait3A_170 = tpu.memref_slice %arg21[%add3A_82, %dma_wait3A_169] : memref<10240x16xf32, #tpu.memory_space<vmem_shared>> -> memref<128x16xf32, #tpu.memory_space<vmem_shared>>
      tpu.wait_dma2 semaphore(%run_scoped3A_163 : memref<!tpu.dma_semaphore, #tpu.memory_space<semaphore_mem>>) src(%dma_wait3A_170 : memref<128x16xf32, #tpu.memory_space<vmem_shared>>) dst(%arg19 : memref<128x16xf32, #tpu.memory_space<vmem>>)
      tpu.yield
    }) : () -> ()
    %mul3A_83 = arith.constant 10240 : i32
    %mul3A_84 = arith.muli %arg0, %mul3A_83 : i32
    %add3A_85 = arith.addi %mul3A_84, %mul3A_0 : i32
    %add3A_86 = arith.constant 384 : i32
    %add3A_87 = arith.addi %add3A_85, %add3A_86 : i32
    "tpu.region"() ({
      %run_scoped3A_163 = tpu.sem_alloc : memref<!tpu.dma_semaphore, #tpu.memory_space<semaphore_mem>>
      %dma_start3A_164 = arith.constant 0 : i32
      %dma_start3A_165 = tpu.memref_slice %arg10[%add3A_87, %dma_start3A_164] : memref<20480x16xf32, #tpu.memory_space<hbm>> -> memref<128x16xf32, #tpu.memory_space<hbm>>
      %dma_start3A_166 = arith.constant 0 : i32
      %dma_start3A_167 = tpu.memref_slice %arg10[%add3A_87, %dma_start3A_166] : memref<20480x16xf32, #tpu.memory_space<hbm>> -> memref<128x16xf32, #tpu.memory_space<hbm>>
      tpu.enqueue_dma source(%arg19 : memref<128x16xf32, #tpu.memory_space<vmem>>) target(%dma_start3A_167 : memref<128x16xf32, #tpu.memory_space<hbm>>) target_semaphore(%run_scoped3A_163 : memref<!tpu.dma_semaphore, #tpu.memory_space<semaphore_mem>>)
      %dma_wait3A = arith.constant 0 : i32
      %dma_wait3A_168 = tpu.memref_slice %arg10[%add3A_87, %dma_wait3A] : memref<20480x16xf32, #tpu.memory_space<hbm>> -> memref<128x16xf32, #tpu.memory_space<hbm>>
      %dma_wait3A_169 = arith.constant 0 : i32
      %dma_wait3A_170 = tpu.memref_slice %arg10[%add3A_87, %dma_wait3A_169] : memref<20480x16xf32, #tpu.memory_space<hbm>> -> memref<128x16xf32, #tpu.memory_space<hbm>>
      tpu.wait_dma2 semaphore(%run_scoped3A_163 : memref<!tpu.dma_semaphore, #tpu.memory_space<semaphore_mem>>) src(%arg19 : memref<128x16xf32, #tpu.memory_space<vmem>>) dst(%dma_wait3A_170 : memref<128x16xf32, #tpu.memory_space<hbm>>)
      tpu.yield
    }) : () -> ()
    %add3A_88 = arith.constant 512 : i32
    %add3A_89 = arith.addi %mul3A_0, %add3A_88 : i32
    "tpu.region"() ({
      %run_scoped3A_163 = tpu.sem_alloc : memref<!tpu.dma_semaphore, #tpu.memory_space<semaphore_mem>>
      %dma_start3A_164 = arith.constant 0 : i32
      %dma_start3A_165 = tpu.memref_slice %arg20[%add3A_89, %dma_start3A_164] : memref<10240x64xf32, #tpu.memory_space<vmem_shared>> -> memref<128x64xf32, #tpu.memory_space<vmem_shared>>
      %dma_start3A_166 = arith.constant 0 : i32
      %dma_start3A_167 = tpu.memref_slice %arg20[%add3A_89, %dma_start3A_166] : memref<10240x64xf32, #tpu.memory_space<vmem_shared>> -> memref<128x64xf32, #tpu.memory_space<vmem_shared>>
      tpu.enqueue_dma source(%dma_start3A_167 : memref<128x64xf32, #tpu.memory_space<vmem_shared>>) target(%arg18 : memref<128x64xf32, #tpu.memory_space<vmem>>) target_semaphore(%run_scoped3A_163 : memref<!tpu.dma_semaphore, #tpu.memory_space<semaphore_mem>>)
      %dma_wait3A = arith.constant 0 : i32
      %dma_wait3A_168 = tpu.memref_slice %arg20[%add3A_89, %dma_wait3A] : memref<10240x64xf32, #tpu.memory_space<vmem_shared>> -> memref<128x64xf32, #tpu.memory_space<vmem_shared>>
      %dma_wait3A_169 = arith.constant 0 : i32
      %dma_wait3A_170 = tpu.memref_slice %arg20[%add3A_89, %dma_wait3A_169] : memref<10240x64xf32, #tpu.memory_space<vmem_shared>> -> memref<128x64xf32, #tpu.memory_space<vmem_shared>>
      tpu.wait_dma2 semaphore(%run_scoped3A_163 : memref<!tpu.dma_semaphore, #tpu.memory_space<semaphore_mem>>) src(%dma_wait3A_170 : memref<128x64xf32, #tpu.memory_space<vmem_shared>>) dst(%arg18 : memref<128x64xf32, #tpu.memory_space<vmem>>)
      tpu.yield
    }) : () -> ()
    %mul3A_90 = arith.constant 10240 : i32
    %mul3A_91 = arith.muli %arg0, %mul3A_90 : i32
    %add3A_92 = arith.addi %mul3A_91, %mul3A_0 : i32
    %add3A_93 = arith.constant 512 : i32
    %add3A_94 = arith.addi %add3A_92, %add3A_93 : i32
    "tpu.region"() ({
      %run_scoped3A_163 = tpu.sem_alloc : memref<!tpu.dma_semaphore, #tpu.memory_space<semaphore_mem>>
      %dma_start3A_164 = arith.constant 0 : i32
      %dma_start3A_165 = tpu.memref_slice %arg8[%add3A_94, %dma_start3A_164] : memref<20480x64xf32, #tpu.memory_space<hbm>> -> memref<128x64xf32, #tpu.memory_space<hbm>>
      %dma_start3A_166 = arith.constant 0 : i32
      %dma_start3A_167 = tpu.memref_slice %arg8[%add3A_94, %dma_start3A_166] : memref<20480x64xf32, #tpu.memory_space<hbm>> -> memref<128x64xf32, #tpu.memory_space<hbm>>
      tpu.enqueue_dma source(%arg18 : memref<128x64xf32, #tpu.memory_space<vmem>>) target(%dma_start3A_167 : memref<128x64xf32, #tpu.memory_space<hbm>>) target_semaphore(%run_scoped3A_163 : memref<!tpu.dma_semaphore, #tpu.memory_space<semaphore_mem>>)
      %dma_wait3A = arith.constant 0 : i32
      %dma_wait3A_168 = tpu.memref_slice %arg8[%add3A_94, %dma_wait3A] : memref<20480x64xf32, #tpu.memory_space<hbm>> -> memref<128x64xf32, #tpu.memory_space<hbm>>
      %dma_wait3A_169 = arith.constant 0 : i32
      %dma_wait3A_170 = tpu.memref_slice %arg8[%add3A_94, %dma_wait3A_169] : memref<20480x64xf32, #tpu.memory_space<hbm>> -> memref<128x64xf32, #tpu.memory_space<hbm>>
      tpu.wait_dma2 semaphore(%run_scoped3A_163 : memref<!tpu.dma_semaphore, #tpu.memory_space<semaphore_mem>>) src(%arg18 : memref<128x64xf32, #tpu.memory_space<vmem>>) dst(%dma_wait3A_170 : memref<128x64xf32, #tpu.memory_space<hbm>>)
      tpu.yield
    }) : () -> ()
    %add3A_95 = arith.constant 512 : i32
    %add3A_96 = arith.addi %mul3A_0, %add3A_95 : i32
    "tpu.region"() ({
      %run_scoped3A_163 = tpu.sem_alloc : memref<!tpu.dma_semaphore, #tpu.memory_space<semaphore_mem>>
      %dma_start3A_164 = arith.constant 0 : i32
      %dma_start3A_165 = tpu.memref_slice %arg21[%add3A_96, %dma_start3A_164] : memref<10240x16xf32, #tpu.memory_space<vmem_shared>> -> memref<128x16xf32, #tpu.memory_space<vmem_shared>>
      %dma_start3A_166 = arith.constant 0 : i32
      %dma_start3A_167 = tpu.memref_slice %arg21[%add3A_96, %dma_start3A_166] : memref<10240x16xf32, #tpu.memory_space<vmem_shared>> -> memref<128x16xf32, #tpu.memory_space<vmem_shared>>
      tpu.enqueue_dma source(%dma_start3A_167 : memref<128x16xf32, #tpu.memory_space<vmem_shared>>) target(%arg19 : memref<128x16xf32, #tpu.memory_space<vmem>>) target_semaphore(%run_scoped3A_163 : memref<!tpu.dma_semaphore, #tpu.memory_space<semaphore_mem>>)
      %dma_wait3A = arith.constant 0 : i32
      %dma_wait3A_168 = tpu.memref_slice %arg21[%add3A_96, %dma_wait3A] : memref<10240x16xf32, #tpu.memory_space<vmem_shared>> -> memref<128x16xf32, #tpu.memory_space<vmem_shared>>
      %dma_wait3A_169 = arith.constant 0 : i32
      %dma_wait3A_170 = tpu.memref_slice %arg21[%add3A_96, %dma_wait3A_169] : memref<10240x16xf32, #tpu.memory_space<vmem_shared>> -> memref<128x16xf32, #tpu.memory_space<vmem_shared>>
      tpu.wait_dma2 semaphore(%run_scoped3A_163 : memref<!tpu.dma_semaphore, #tpu.memory_space<semaphore_mem>>) src(%dma_wait3A_170 : memref<128x16xf32, #tpu.memory_space<vmem_shared>>) dst(%arg19 : memref<128x16xf32, #tpu.memory_space<vmem>>)
      tpu.yield
    }) : () -> ()
    %mul3A_97 = arith.constant 10240 : i32
    %mul3A_98 = arith.muli %arg0, %mul3A_97 : i32
    %add3A_99 = arith.addi %mul3A_98, %mul3A_0 : i32
    %add3A_100 = arith.constant 512 : i32
    %add3A_101 = arith.addi %add3A_99, %add3A_100 : i32
    "tpu.region"() ({
      %run_scoped3A_163 = tpu.sem_alloc : memref<!tpu.dma_semaphore, #tpu.memory_space<semaphore_mem>>
      %dma_start3A_164 = arith.constant 0 : i32
      %dma_start3A_165 = tpu.memref_slice %arg10[%add3A_101, %dma_start3A_164] : memref<20480x16xf32, #tpu.memory_space<hbm>> -> memref<128x16xf32, #tpu.memory_space<hbm>>
      %dma_start3A_166 = arith.constant 0 : i32
      %dma_start3A_167 = tpu.memref_slice %arg10[%add3A_101, %dma_start3A_166] : memref<20480x16xf32, #tpu.memory_space<hbm>> -> memref<128x16xf32, #tpu.memory_space<hbm>>
      tpu.enqueue_dma source(%arg19 : memref<128x16xf32, #tpu.memory_space<vmem>>) target(%dma_start3A_167 : memref<128x16xf32, #tpu.memory_space<hbm>>) target_semaphore(%run_scoped3A_163 : memref<!tpu.dma_semaphore, #tpu.memory_space<semaphore_mem>>)
      %dma_wait3A = arith.constant 0 : i32
      %dma_wait3A_168 = tpu.memref_slice %arg10[%add3A_101, %dma_wait3A] : memref<20480x16xf32, #tpu.memory_space<hbm>> -> memref<128x16xf32, #tpu.memory_space<hbm>>
      %dma_wait3A_169 = arith.constant 0 : i32
      %dma_wait3A_170 = tpu.memref_slice %arg10[%add3A_101, %dma_wait3A_169] : memref<20480x16xf32, #tpu.memory_space<hbm>> -> memref<128x16xf32, #tpu.memory_space<hbm>>
      tpu.wait_dma2 semaphore(%run_scoped3A_163 : memref<!tpu.dma_semaphore, #tpu.memory_space<semaphore_mem>>) src(%arg19 : memref<128x16xf32, #tpu.memory_space<vmem>>) dst(%dma_wait3A_170 : memref<128x16xf32, #tpu.memory_space<hbm>>)
      tpu.yield
    }) : () -> ()
    %run_scoped3A_102 = arith.constant 1 : i32
    "tpu.region"() ({
      %run_scoped3A_163 = tpu.sem_alloc : memref<!tpu.dma_semaphore, #tpu.memory_space<semaphore_mem>>
      %dma_start3A_164 = arith.constant 0 : i32
      %dma_start3A_165 = arith.constant 0 : i32
      %dma_start3A_166 = tpu.memref_slice %arg3[%run_scoped3A_102, %arg0, %arg1, %dma_start3A_164, %dma_start3A_165] : memref<2x2x16x158x128xi32, #tpu.memory_space<hbm>> -> memref<1x1x1x158x128xi32, #tpu.memory_space<hbm>>
      %dma_start3A_167 = tpu.memref_squeeze %dma_start3A_166 : memref<1x1x1x158x128xi32, #tpu.memory_space<hbm>> -> memref<158x128xi32, #tpu.memory_space<hbm>>
      %dma_start3A_168 = arith.constant 0 : i32
      %dma_start3A_169 = arith.constant 0 : i32
      %dma_start3A_170 = tpu.memref_slice %arg3[%run_scoped3A_102, %arg0, %arg1, %dma_start3A_168, %dma_start3A_169] : memref<2x2x16x158x128xi32, #tpu.memory_space<hbm>> -> memref<1x1x1x158x128xi32, #tpu.memory_space<hbm>>
      %dma_start3A_171 = tpu.memref_squeeze %dma_start3A_170 : memref<1x1x1x158x128xi32, #tpu.memory_space<hbm>> -> memref<158x128xi32, #tpu.memory_space<hbm>>
      tpu.enqueue_dma source(%dma_start3A_171 : memref<158x128xi32, #tpu.memory_space<hbm>>) target(%arg11 : memref<158x128xi32, #tpu.memory_space<vmem>>) target_semaphore(%run_scoped3A_163 : memref<!tpu.dma_semaphore, #tpu.memory_space<semaphore_mem>>)
      %dma_wait3A = arith.constant 0 : i32
      %dma_wait3A_172 = arith.constant 0 : i32
      %dma_wait3A_173 = tpu.memref_slice %arg3[%run_scoped3A_102, %arg0, %arg1, %dma_wait3A, %dma_wait3A_172] : memref<2x2x16x158x128xi32, #tpu.memory_space<hbm>> -> memref<1x1x1x158x128xi32, #tpu.memory_space<hbm>>
      %dma_wait3A_174 = tpu.memref_squeeze %dma_wait3A_173 : memref<1x1x1x158x128xi32, #tpu.memory_space<hbm>> -> memref<158x128xi32, #tpu.memory_space<hbm>>
      %dma_wait3A_175 = arith.constant 0 : i32
      %dma_wait3A_176 = arith.constant 0 : i32
      %dma_wait3A_177 = tpu.memref_slice %arg3[%run_scoped3A_102, %arg0, %arg1, %dma_wait3A_175, %dma_wait3A_176] : memref<2x2x16x158x128xi32, #tpu.memory_space<hbm>> -> memref<1x1x1x158x128xi32, #tpu.memory_space<hbm>>
      %dma_wait3A_178 = tpu.memref_squeeze %dma_wait3A_177 : memref<1x1x1x158x128xi32, #tpu.memory_space<hbm>> -> memref<158x128xi32, #tpu.memory_space<hbm>>
      tpu.wait_dma2 semaphore(%run_scoped3A_163 : memref<!tpu.dma_semaphore, #tpu.memory_space<semaphore_mem>>) src(%dma_wait3A_178 : memref<158x128xi32, #tpu.memory_space<hbm>>) dst(%arg11 : memref<158x128xi32, #tpu.memory_space<vmem>>)
      tpu.yield
    }) : () -> ()
    %add3A_103 = arith.constant 0 : i32
    %add3A_104 = arith.addi %mul3A_0, %add3A_103 : i32
    "tpu.region"() ({
      %run_scoped3A_163 = tpu.sem_alloc : memref<!tpu.dma_semaphore, #tpu.memory_space<semaphore_mem>>
      %dma_start3A_164 = arith.constant 0 : i32
      %dma_start3A_165 = tpu.memref_slice %arg20[%add3A_104, %dma_start3A_164] : memref<10240x64xf32, #tpu.memory_space<vmem_shared>> -> memref<128x64xf32, #tpu.memory_space<vmem_shared>>
      %dma_start3A_166 = arith.constant 0 : i32
      %dma_start3A_167 = tpu.memref_slice %arg20[%add3A_104, %dma_start3A_166] : memref<10240x64xf32, #tpu.memory_space<vmem_shared>> -> memref<128x64xf32, #tpu.memory_space<vmem_shared>>
      tpu.enqueue_dma source(%arg16 : memref<128x64xf32, #tpu.memory_space<vmem>>) target(%dma_start3A_167 : memref<128x64xf32, #tpu.memory_space<vmem_shared>>) target_semaphore(%run_scoped3A_163 : memref<!tpu.dma_semaphore, #tpu.memory_space<semaphore_mem>>)
      %dma_wait3A = arith.constant 0 : i32
      %dma_wait3A_168 = tpu.memref_slice %arg20[%add3A_104, %dma_wait3A] : memref<10240x64xf32, #tpu.memory_space<vmem_shared>> -> memref<128x64xf32, #tpu.memory_space<vmem_shared>>
      %dma_wait3A_169 = arith.constant 0 : i32
      %dma_wait3A_170 = tpu.memref_slice %arg20[%add3A_104, %dma_wait3A_169] : memref<10240x64xf32, #tpu.memory_space<vmem_shared>> -> memref<128x64xf32, #tpu.memory_space<vmem_shared>>
      tpu.wait_dma2 semaphore(%run_scoped3A_163 : memref<!tpu.dma_semaphore, #tpu.memory_space<semaphore_mem>>) src(%arg16 : memref<128x64xf32, #tpu.memory_space<vmem>>) dst(%dma_wait3A_170 : memref<128x64xf32, #tpu.memory_space<vmem_shared>>)
      tpu.yield
    }) : () -> ()
    %add3A_105 = arith.constant 128 : i32
    %add3A_106 = arith.addi %mul3A_0, %add3A_105 : i32
    "tpu.region"() ({
      %run_scoped3A_163 = tpu.sem_alloc : memref<!tpu.dma_semaphore, #tpu.memory_space<semaphore_mem>>
      %dma_start3A_164 = arith.constant 0 : i32
      %dma_start3A_165 = tpu.memref_slice %arg20[%add3A_106, %dma_start3A_164] : memref<10240x64xf32, #tpu.memory_space<vmem_shared>> -> memref<128x64xf32, #tpu.memory_space<vmem_shared>>
      %dma_start3A_166 = arith.constant 0 : i32
      %dma_start3A_167 = tpu.memref_slice %arg20[%add3A_106, %dma_start3A_166] : memref<10240x64xf32, #tpu.memory_space<vmem_shared>> -> memref<128x64xf32, #tpu.memory_space<vmem_shared>>
      tpu.enqueue_dma source(%arg16 : memref<128x64xf32, #tpu.memory_space<vmem>>) target(%dma_start3A_167 : memref<128x64xf32, #tpu.memory_space<vmem_shared>>) target_semaphore(%run_scoped3A_163 : memref<!tpu.dma_semaphore, #tpu.memory_space<semaphore_mem>>)
      %dma_wait3A = arith.constant 0 : i32
      %dma_wait3A_168 = tpu.memref_slice %arg20[%add3A_106, %dma_wait3A] : memref<10240x64xf32, #tpu.memory_space<vmem_shared>> -> memref<128x64xf32, #tpu.memory_space<vmem_shared>>
      %dma_wait3A_169 = arith.constant 0 : i32
      %dma_wait3A_170 = tpu.memref_slice %arg20[%add3A_106, %dma_wait3A_169] : memref<10240x64xf32, #tpu.memory_space<vmem_shared>> -> memref<128x64xf32, #tpu.memory_space<vmem_shared>>
      tpu.wait_dma2 semaphore(%run_scoped3A_163 : memref<!tpu.dma_semaphore, #tpu.memory_space<semaphore_mem>>) src(%arg16 : memref<128x64xf32, #tpu.memory_space<vmem>>) dst(%dma_wait3A_170 : memref<128x64xf32, #tpu.memory_space<vmem_shared>>)
      tpu.yield
    }) : () -> ()
    %add3A_107 = arith.constant 256 : i32
    %add3A_108 = arith.addi %mul3A_0, %add3A_107 : i32
    "tpu.region"() ({
      %run_scoped3A_163 = tpu.sem_alloc : memref<!tpu.dma_semaphore, #tpu.memory_space<semaphore_mem>>
      %dma_start3A_164 = arith.constant 0 : i32
      %dma_start3A_165 = tpu.memref_slice %arg20[%add3A_108, %dma_start3A_164] : memref<10240x64xf32, #tpu.memory_space<vmem_shared>> -> memref<128x64xf32, #tpu.memory_space<vmem_shared>>
      %dma_start3A_166 = arith.constant 0 : i32
      %dma_start3A_167 = tpu.memref_slice %arg20[%add3A_108, %dma_start3A_166] : memref<10240x64xf32, #tpu.memory_space<vmem_shared>> -> memref<128x64xf32, #tpu.memory_space<vmem_shared>>
      tpu.enqueue_dma source(%arg16 : memref<128x64xf32, #tpu.memory_space<vmem>>) target(%dma_start3A_167 : memref<128x64xf32, #tpu.memory_space<vmem_shared>>) target_semaphore(%run_scoped3A_163 : memref<!tpu.dma_semaphore, #tpu.memory_space<semaphore_mem>>)
      %dma_wait3A = arith.constant 0 : i32
      %dma_wait3A_168 = tpu.memref_slice %arg20[%add3A_108, %dma_wait3A] : memref<10240x64xf32, #tpu.memory_space<vmem_shared>> -> memref<128x64xf32, #tpu.memory_space<vmem_shared>>
      %dma_wait3A_169 = arith.constant 0 : i32
      %dma_wait3A_170 = tpu.memref_slice %arg20[%add3A_108, %dma_wait3A_169] : memref<10240x64xf32, #tpu.memory_space<vmem_shared>> -> memref<128x64xf32, #tpu.memory_space<vmem_shared>>
      tpu.wait_dma2 semaphore(%run_scoped3A_163 : memref<!tpu.dma_semaphore, #tpu.memory_space<semaphore_mem>>) src(%arg16 : memref<128x64xf32, #tpu.memory_space<vmem>>) dst(%dma_wait3A_170 : memref<128x64xf32, #tpu.memory_space<vmem_shared>>)
      tpu.yield
    }) : () -> ()
    %add3A_109 = arith.constant 384 : i32
    %add3A_110 = arith.addi %mul3A_0, %add3A_109 : i32
    "tpu.region"() ({
      %run_scoped3A_163 = tpu.sem_alloc : memref<!tpu.dma_semaphore, #tpu.memory_space<semaphore_mem>>
      %dma_start3A_164 = arith.constant 0 : i32
      %dma_start3A_165 = tpu.memref_slice %arg20[%add3A_110, %dma_start3A_164] : memref<10240x64xf32, #tpu.memory_space<vmem_shared>> -> memref<128x64xf32, #tpu.memory_space<vmem_shared>>
      %dma_start3A_166 = arith.constant 0 : i32
      %dma_start3A_167 = tpu.memref_slice %arg20[%add3A_110, %dma_start3A_166] : memref<10240x64xf32, #tpu.memory_space<vmem_shared>> -> memref<128x64xf32, #tpu.memory_space<vmem_shared>>
      tpu.enqueue_dma source(%arg16 : memref<128x64xf32, #tpu.memory_space<vmem>>) target(%dma_start3A_167 : memref<128x64xf32, #tpu.memory_space<vmem_shared>>) target_semaphore(%run_scoped3A_163 : memref<!tpu.dma_semaphore, #tpu.memory_space<semaphore_mem>>)
      %dma_wait3A = arith.constant 0 : i32
      %dma_wait3A_168 = tpu.memref_slice %arg20[%add3A_110, %dma_wait3A] : memref<10240x64xf32, #tpu.memory_space<vmem_shared>> -> memref<128x64xf32, #tpu.memory_space<vmem_shared>>
      %dma_wait3A_169 = arith.constant 0 : i32
      %dma_wait3A_170 = tpu.memref_slice %arg20[%add3A_110, %dma_wait3A_169] : memref<10240x64xf32, #tpu.memory_space<vmem_shared>> -> memref<128x64xf32, #tpu.memory_space<vmem_shared>>
      tpu.wait_dma2 semaphore(%run_scoped3A_163 : memref<!tpu.dma_semaphore, #tpu.memory_space<semaphore_mem>>) src(%arg16 : memref<128x64xf32, #tpu.memory_space<vmem>>) dst(%dma_wait3A_170 : memref<128x64xf32, #tpu.memory_space<vmem_shared>>)
      tpu.yield
    }) : () -> ()
    %add3A_111 = arith.constant 512 : i32
    %add3A_112 = arith.addi %mul3A_0, %add3A_111 : i32
    "tpu.region"() ({
      %run_scoped3A_163 = tpu.sem_alloc : memref<!tpu.dma_semaphore, #tpu.memory_space<semaphore_mem>>
      %dma_start3A_164 = arith.constant 0 : i32
      %dma_start3A_165 = tpu.memref_slice %arg20[%add3A_112, %dma_start3A_164] : memref<10240x64xf32, #tpu.memory_space<vmem_shared>> -> memref<128x64xf32, #tpu.memory_space<vmem_shared>>
      %dma_start3A_166 = arith.constant 0 : i32
      %dma_start3A_167 = tpu.memref_slice %arg20[%add3A_112, %dma_start3A_166] : memref<10240x64xf32, #tpu.memory_space<vmem_shared>> -> memref<128x64xf32, #tpu.memory_space<vmem_shared>>
      tpu.enqueue_dma source(%arg16 : memref<128x64xf32, #tpu.memory_space<vmem>>) target(%dma_start3A_167 : memref<128x64xf32, #tpu.memory_space<vmem_shared>>) target_semaphore(%run_scoped3A_163 : memref<!tpu.dma_semaphore, #tpu.memory_space<semaphore_mem>>)
      %dma_wait3A = arith.constant 0 : i32
      %dma_wait3A_168 = tpu.memref_slice %arg20[%add3A_112, %dma_wait3A] : memref<10240x64xf32, #tpu.memory_space<vmem_shared>> -> memref<128x64xf32, #tpu.memory_space<vmem_shared>>
      %dma_wait3A_169 = arith.constant 0 : i32
      %dma_wait3A_170 = tpu.memref_slice %arg20[%add3A_112, %dma_wait3A_169] : memref<10240x64xf32, #tpu.memory_space<vmem_shared>> -> memref<128x64xf32, #tpu.memory_space<vmem_shared>>
      tpu.wait_dma2 semaphore(%run_scoped3A_163 : memref<!tpu.dma_semaphore, #tpu.memory_space<semaphore_mem>>) src(%arg16 : memref<128x64xf32, #tpu.memory_space<vmem>>) dst(%dma_wait3A_170 : memref<128x64xf32, #tpu.memory_space<vmem_shared>>)
      tpu.yield
    }) : () -> ()
    %barrier3A_113 = arith.constant 0 : index
    tpu.barrier barrier_id(%barrier3A_113)
    %dma_start3A_114 = arith.constant 0 : i32
    %dma_start3A_115 = arith.constant 0 : i32
    %dma_start3A_116 = tpu.memref_slice %arg11[%dma_start3A_114, %dma_start3A_115] : memref<158x128xi32, #tpu.memory_space<vmem>> -> memref<1x128xi32, #tpu.memory_space<vmem>>
    %dma_start3A_117 = tpu.memref_squeeze %dma_start3A_116 : memref<1x128xi32, #tpu.memory_space<vmem>> -> memref<128xi32, #tpu.memory_space<vmem>>
    %dma_start3A_118 = arith.constant 0 : i32
    %dma_start3A_119 = arith.constant 0 : i32
    %dma_start3A_120 = tpu.memref_slice %arg2[%dma_start3A_118, %dma_start3A_119] : memref<40960x64xf32, #tpu.memory_space<hbm>> -> memref<40960x64xf32, #tpu.memory_space<hbm>>
    tpu.enqueue_indirect_dma source(%dma_start3A_120 : memref<40960x64xf32, #tpu.memory_space<hbm>>) target(%arg13 : memref<128x64xf32, #tpu.memory_space<vmem>>) offsets(%dma_start3A_117 : memref<128xi32, #tpu.memory_space<vmem>>) semaphore(%arg22 : memref<!tpu.dma_semaphore, #tpu.memory_space<semaphore_mem>>)
    %scan3A_121 = arith.constant 0 : i32
    %scan3A_122 = arith.constant 0 : i32
    %scan3A_123 = arith.constant 79 : i32
    %scan3A_124 = arith.addi %scan3A_122, %scan3A_123 : i32
    %scan3A_125 = arith.constant 1 : i32
    scf.for %scan3A_163 = %scan3A_122 to %scan3A_124 step %scan3A_125  : i32 {
      %mul3A_164 = arith.constant 2 : i32
      %mul3A_165 = arith.muli %mul3A_164, %scan3A_163 : i32
      %add3A_166 = arith.constant 1 : i32
      %add3A_167 = arith.addi %mul3A_165, %add3A_166 : i32
      %dma_start3A_168 = arith.constant 0 : i32
      %dma_start3A_169 = tpu.memref_slice %arg11[%add3A_167, %dma_start3A_168] : memref<158x128xi32, #tpu.memory_space<vmem>> -> memref<1x128xi32, #tpu.memory_space<vmem>>
      %dma_start3A_170 = tpu.memref_squeeze %dma_start3A_169 : memref<1x128xi32, #tpu.memory_space<vmem>> -> memref<128xi32, #tpu.memory_space<vmem>>
      %dma_start3A_171 = arith.constant 0 : i32
      %dma_start3A_172 = arith.constant 0 : i32
      %dma_start3A_173 = tpu.memref_slice %arg2[%dma_start3A_171, %dma_start3A_172] : memref<40960x64xf32, #tpu.memory_space<hbm>> -> memref<40960x64xf32, #tpu.memory_space<hbm>>
      tpu.enqueue_indirect_dma source(%dma_start3A_173 : memref<40960x64xf32, #tpu.memory_space<hbm>>) target(%arg14 : memref<128x64xf32, #tpu.memory_space<vmem>>) offsets(%dma_start3A_170 : memref<128xi32, #tpu.memory_space<vmem>>) semaphore(%arg23 : memref<!tpu.dma_semaphore, #tpu.memory_space<semaphore_mem>>)
      %dma_wait3A = arith.constant 0 : i32
      %dma_wait3A_174 = arith.constant 0 : i32
      %dma_wait3A_175 = tpu.memref_slice %arg2[%dma_wait3A, %dma_wait3A_174] : memref<40960x64xf32, #tpu.memory_space<hbm>> -> memref<128x64xf32, #tpu.memory_space<hbm>>
      %dma_wait3A_176 = arith.constant 0 : i32
      %dma_wait3A_177 = arith.constant 0 : i32
      %dma_wait3A_178 = tpu.memref_slice %arg2[%dma_wait3A_176, %dma_wait3A_177] : memref<40960x64xf32, #tpu.memory_space<hbm>> -> memref<128x64xf32, #tpu.memory_space<hbm>>
      tpu.wait_dma2 semaphore(%arg22 : memref<!tpu.dma_semaphore, #tpu.memory_space<semaphore_mem>>) src(%dma_wait3A_178 : memref<128x64xf32, #tpu.memory_space<hbm>>) dst(%arg13 : memref<128x64xf32, #tpu.memory_space<vmem>>)
      "tpu.region"() ({
        %run_scoped3A_191 = tpu.sem_alloc : memref<!tpu.dma_semaphore, #tpu.memory_space<semaphore_mem>>
        %dma_start3A_192 = arith.constant 0 : i32
        %dma_start3A_193 = tpu.memref_slice %arg12[%mul3A_165, %dma_start3A_192] : memref<158x128xi32, #tpu.memory_space<vmem>> -> memref<1x128xi32, #tpu.memory_space<vmem>>
        %dma_start3A_194 = tpu.memref_squeeze %dma_start3A_193 : memref<1x128xi32, #tpu.memory_space<vmem>> -> memref<128xi32, #tpu.memory_space<vmem>>
        %dma_start3A_195 = arith.constant 0 : i32
        %dma_start3A_196 = arith.constant 0 : i32
        %dma_start3A_197 = tpu.memref_slice %arg20[%dma_start3A_195, %dma_start3A_196] : memref<10240x64xf32, #tpu.memory_space<vmem_shared>> -> memref<10240x64xf32, #tpu.memory_space<vmem_shared>>
        tpu.enqueue_indirect_dma source(%arg13 : memref<128x64xf32, #tpu.memory_space<vmem>>) target(%dma_start3A_197 : memref<10240x64xf32, #tpu.memory_space<vmem_shared>>) offsets(%dma_start3A_194 : memref<128xi32, #tpu.memory_space<vmem>>) semaphore(%run_scoped3A_191 : memref<!tpu.dma_semaphore, #tpu.memory_space<semaphore_mem>>) {add = true}
        %dma_wait3A_198 = arith.constant 0 : i32
        %dma_wait3A_199 = tpu.memref_slice %arg12[%mul3A_165, %dma_wait3A_198] : memref<158x128xi32, #tpu.memory_space<vmem>> -> memref<1x128xi32, #tpu.memory_space<vmem>>
        %dma_wait3A_200 = tpu.memref_squeeze %dma_wait3A_199 : memref<1x128xi32, #tpu.memory_space<vmem>> -> memref<128xi32, #tpu.memory_space<vmem>>
        %dma_wait3A_201 = arith.constant 0 : i32
        %dma_wait3A_202 = arith.constant 0 : i32
        %dma_wait3A_203 = tpu.memref_slice %arg20[%dma_wait3A_201, %dma_wait3A_202] : memref<10240x64xf32, #tpu.memory_space<vmem_shared>> -> memref<10240x64xf32, #tpu.memory_space<vmem_shared>>
        tpu.wait_indirect_dma semaphore(%run_scoped3A_191 : memref<!tpu.dma_semaphore, #tpu.memory_space<semaphore_mem>>) src(%arg13 : memref<128x64xf32, #tpu.memory_space<vmem>>) dst(%dma_wait3A_203 : memref<10240x64xf32, #tpu.memory_space<vmem_shared>>)
        tpu.yield
      }) : () -> ()
      %add3A_179 = arith.constant 2 : i32
      %add3A_180 = arith.addi %mul3A_165, %add3A_179 : i32
      %lt3A = arith.constant 158 : i32
      %lt3A_181 = arith.cmpi slt, %add3A_180, %lt3A : i32
      %convert_element_type3A = arith.extui %lt3A_181 : i1 to i32
      %cond3A = arith.constant 0 : i32
      %cond3A_182 = arith.cmpi ne, %convert_element_type3A, %cond3A : i32
      scf.if %cond3A_182 {
        %add3A_191 = arith.constant 2 : i32
        %add3A_192 = arith.addi %mul3A_165, %add3A_191 : i32
        %dma_start3A_193 = arith.constant 0 : i32
        %dma_start3A_194 = tpu.memref_slice %arg11[%add3A_192, %dma_start3A_193] : memref<158x128xi32, #tpu.memory_space<vmem>> -> memref<1x128xi32, #tpu.memory_space<vmem>>
        %dma_start3A_195 = tpu.memref_squeeze %dma_start3A_194 : memref<1x128xi32, #tpu.memory_space<vmem>> -> memref<128xi32, #tpu.memory_space<vmem>>
        %dma_start3A_196 = arith.constant 0 : i32
        %dma_start3A_197 = arith.constant 0 : i32
        %dma_start3A_198 = tpu.memref_slice %arg2[%dma_start3A_196, %dma_start3A_197] : memref<40960x64xf32, #tpu.memory_space<hbm>> -> memref<40960x64xf32, #tpu.memory_space<hbm>>
        tpu.enqueue_indirect_dma source(%dma_start3A_198 : memref<40960x64xf32, #tpu.memory_space<hbm>>) target(%arg13 : memref<128x64xf32, #tpu.memory_space<vmem>>) offsets(%dma_start3A_195 : memref<128xi32, #tpu.memory_space<vmem>>) semaphore(%arg22 : memref<!tpu.dma_semaphore, #tpu.memory_space<semaphore_mem>>)
      } else {
      }
      %dma_wait3A_183 = arith.constant 0 : i32
      %dma_wait3A_184 = arith.constant 0 : i32
      %dma_wait3A_185 = tpu.memref_slice %arg2[%dma_wait3A_183, %dma_wait3A_184] : memref<40960x64xf32, #tpu.memory_space<hbm>> -> memref<128x64xf32, #tpu.memory_space<hbm>>
      %dma_wait3A_186 = arith.constant 0 : i32
      %dma_wait3A_187 = arith.constant 0 : i32
      %dma_wait3A_188 = tpu.memref_slice %arg2[%dma_wait3A_186, %dma_wait3A_187] : memref<40960x64xf32, #tpu.memory_space<hbm>> -> memref<128x64xf32, #tpu.memory_space<hbm>>
      tpu.wait_dma2 semaphore(%arg23 : memref<!tpu.dma_semaphore, #tpu.memory_space<semaphore_mem>>) src(%dma_wait3A_188 : memref<128x64xf32, #tpu.memory_space<hbm>>) dst(%arg14 : memref<128x64xf32, #tpu.memory_space<vmem>>)
      %add3A_189 = arith.constant 1 : i32
      %add3A_190 = arith.addi %mul3A_165, %add3A_189 : i32
      "tpu.region"() ({
        %run_scoped3A_191 = tpu.sem_alloc : memref<!tpu.dma_semaphore, #tpu.memory_space<semaphore_mem>>
        %dma_start3A_192 = arith.constant 0 : i32
        %dma_start3A_193 = tpu.memref_slice %arg12[%add3A_190, %dma_start3A_192] : memref<158x128xi32, #tpu.memory_space<vmem>> -> memref<1x128xi32, #tpu.memory_space<vmem>>
        %dma_start3A_194 = tpu.memref_squeeze %dma_start3A_193 : memref<1x128xi32, #tpu.memory_space<vmem>> -> memref<128xi32, #tpu.memory_space<vmem>>
        %dma_start3A_195 = arith.constant 0 : i32
        %dma_start3A_196 = arith.constant 0 : i32
        %dma_start3A_197 = tpu.memref_slice %arg20[%dma_start3A_195, %dma_start3A_196] : memref<10240x64xf32, #tpu.memory_space<vmem_shared>> -> memref<10240x64xf32, #tpu.memory_space<vmem_shared>>
        tpu.enqueue_indirect_dma source(%arg14 : memref<128x64xf32, #tpu.memory_space<vmem>>) target(%dma_start3A_197 : memref<10240x64xf32, #tpu.memory_space<vmem_shared>>) offsets(%dma_start3A_194 : memref<128xi32, #tpu.memory_space<vmem>>) semaphore(%run_scoped3A_191 : memref<!tpu.dma_semaphore, #tpu.memory_space<semaphore_mem>>) {add = true}
        %dma_wait3A_198 = arith.constant 0 : i32
        %dma_wait3A_199 = tpu.memref_slice %arg12[%add3A_190, %dma_wait3A_198] : memref<158x128xi32, #tpu.memory_space<vmem>> -> memref<1x128xi32, #tpu.memory_space<vmem>>
        %dma_wait3A_200 = tpu.memref_squeeze %dma_wait3A_199 : memref<1x128xi32, #tpu.memory_space<vmem>> -> memref<128xi32, #tpu.memory_space<vmem>>
        %dma_wait3A_201 = arith.constant 0 : i32
        %dma_wait3A_202 = arith.constant 0 : i32
        %dma_wait3A_203 = tpu.memref_slice %arg20[%dma_wait3A_201, %dma_wait3A_202] : memref<10240x64xf32, #tpu.memory_space<vmem_shared>> -> memref<10240x64xf32, #tpu.memory_space<vmem_shared>>
        tpu.wait_indirect_dma semaphore(%run_scoped3A_191 : memref<!tpu.dma_semaphore, #tpu.memory_space<semaphore_mem>>) src(%arg14 : memref<128x64xf32, #tpu.memory_space<vmem>>) dst(%dma_wait3A_203 : memref<10240x64xf32, #tpu.memory_space<vmem_shared>>)
        tpu.yield
      }) : () -> ()
    }
    %scan3A_126 = arith.constant 79 : i32
    %barrier3A_127 = arith.constant 0 : index
    tpu.barrier barrier_id(%barrier3A_127)
    %add3A_128 = arith.constant 0 : i32
    %add3A_129 = arith.addi %mul3A_0, %add3A_128 : i32
    "tpu.region"() ({
      %run_scoped3A_163 = tpu.sem_alloc : memref<!tpu.dma_semaphore, #tpu.memory_space<semaphore_mem>>
      %dma_start3A_164 = arith.constant 0 : i32
      %dma_start3A_165 = tpu.memref_slice %arg20[%add3A_129, %dma_start3A_164] : memref<10240x64xf32, #tpu.memory_space<vmem_shared>> -> memref<128x64xf32, #tpu.memory_space<vmem_shared>>
      %dma_start3A_166 = arith.constant 0 : i32
      %dma_start3A_167 = tpu.memref_slice %arg20[%add3A_129, %dma_start3A_166] : memref<10240x64xf32, #tpu.memory_space<vmem_shared>> -> memref<128x64xf32, #tpu.memory_space<vmem_shared>>
      tpu.enqueue_dma source(%dma_start3A_167 : memref<128x64xf32, #tpu.memory_space<vmem_shared>>) target(%arg18 : memref<128x64xf32, #tpu.memory_space<vmem>>) target_semaphore(%run_scoped3A_163 : memref<!tpu.dma_semaphore, #tpu.memory_space<semaphore_mem>>)
      %dma_wait3A = arith.constant 0 : i32
      %dma_wait3A_168 = tpu.memref_slice %arg20[%add3A_129, %dma_wait3A] : memref<10240x64xf32, #tpu.memory_space<vmem_shared>> -> memref<128x64xf32, #tpu.memory_space<vmem_shared>>
      %dma_wait3A_169 = arith.constant 0 : i32
      %dma_wait3A_170 = tpu.memref_slice %arg20[%add3A_129, %dma_wait3A_169] : memref<10240x64xf32, #tpu.memory_space<vmem_shared>> -> memref<128x64xf32, #tpu.memory_space<vmem_shared>>
      tpu.wait_dma2 semaphore(%run_scoped3A_163 : memref<!tpu.dma_semaphore, #tpu.memory_space<semaphore_mem>>) src(%dma_wait3A_170 : memref<128x64xf32, #tpu.memory_space<vmem_shared>>) dst(%arg18 : memref<128x64xf32, #tpu.memory_space<vmem>>)
      tpu.yield
    }) : () -> ()
    %mul3A_130 = arith.constant 10240 : i32
    %mul3A_131 = arith.muli %arg0, %mul3A_130 : i32
    %add3A_132 = arith.addi %mul3A_131, %mul3A_0 : i32
    %add3A_133 = arith.constant 0 : i32
    %add3A_134 = arith.addi %add3A_132, %add3A_133 : i32
    "tpu.region"() ({
      %run_scoped3A_163 = tpu.sem_alloc : memref<!tpu.dma_semaphore, #tpu.memory_space<semaphore_mem>>
      %dma_start3A_164 = arith.constant 0 : i32
      %dma_start3A_165 = tpu.memref_slice %arg9[%add3A_134, %dma_start3A_164] : memref<20480x64xf32, #tpu.memory_space<hbm>> -> memref<128x64xf32, #tpu.memory_space<hbm>>
      %dma_start3A_166 = arith.constant 0 : i32
      %dma_start3A_167 = tpu.memref_slice %arg9[%add3A_134, %dma_start3A_166] : memref<20480x64xf32, #tpu.memory_space<hbm>> -> memref<128x64xf32, #tpu.memory_space<hbm>>
      tpu.enqueue_dma source(%arg18 : memref<128x64xf32, #tpu.memory_space<vmem>>) target(%dma_start3A_167 : memref<128x64xf32, #tpu.memory_space<hbm>>) target_semaphore(%run_scoped3A_163 : memref<!tpu.dma_semaphore, #tpu.memory_space<semaphore_mem>>)
      %dma_wait3A = arith.constant 0 : i32
      %dma_wait3A_168 = tpu.memref_slice %arg9[%add3A_134, %dma_wait3A] : memref<20480x64xf32, #tpu.memory_space<hbm>> -> memref<128x64xf32, #tpu.memory_space<hbm>>
      %dma_wait3A_169 = arith.constant 0 : i32
      %dma_wait3A_170 = tpu.memref_slice %arg9[%add3A_134, %dma_wait3A_169] : memref<20480x64xf32, #tpu.memory_space<hbm>> -> memref<128x64xf32, #tpu.memory_space<hbm>>
      tpu.wait_dma2 semaphore(%run_scoped3A_163 : memref<!tpu.dma_semaphore, #tpu.memory_space<semaphore_mem>>) src(%arg18 : memref<128x64xf32, #tpu.memory_space<vmem>>) dst(%dma_wait3A_170 : memref<128x64xf32, #tpu.memory_space<hbm>>)
      tpu.yield
    }) : () -> ()
    %add3A_135 = arith.constant 128 : i32
    %add3A_136 = arith.addi %mul3A_0, %add3A_135 : i32
    "tpu.region"() ({
      %run_scoped3A_163 = tpu.sem_alloc : memref<!tpu.dma_semaphore, #tpu.memory_space<semaphore_mem>>
      %dma_start3A_164 = arith.constant 0 : i32
      %dma_start3A_165 = tpu.memref_slice %arg20[%add3A_136, %dma_start3A_164] : memref<10240x64xf32, #tpu.memory_space<vmem_shared>> -> memref<128x64xf32, #tpu.memory_space<vmem_shared>>
      %dma_start3A_166 = arith.constant 0 : i32
      %dma_start3A_167 = tpu.memref_slice %arg20[%add3A_136, %dma_start3A_166] : memref<10240x64xf32, #tpu.memory_space<vmem_shared>> -> memref<128x64xf32, #tpu.memory_space<vmem_shared>>
      tpu.enqueue_dma source(%dma_start3A_167 : memref<128x64xf32, #tpu.memory_space<vmem_shared>>) target(%arg18 : memref<128x64xf32, #tpu.memory_space<vmem>>) target_semaphore(%run_scoped3A_163 : memref<!tpu.dma_semaphore, #tpu.memory_space<semaphore_mem>>)
      %dma_wait3A = arith.constant 0 : i32
      %dma_wait3A_168 = tpu.memref_slice %arg20[%add3A_136, %dma_wait3A] : memref<10240x64xf32, #tpu.memory_space<vmem_shared>> -> memref<128x64xf32, #tpu.memory_space<vmem_shared>>
      %dma_wait3A_169 = arith.constant 0 : i32
      %dma_wait3A_170 = tpu.memref_slice %arg20[%add3A_136, %dma_wait3A_169] : memref<10240x64xf32, #tpu.memory_space<vmem_shared>> -> memref<128x64xf32, #tpu.memory_space<vmem_shared>>
      tpu.wait_dma2 semaphore(%run_scoped3A_163 : memref<!tpu.dma_semaphore, #tpu.memory_space<semaphore_mem>>) src(%dma_wait3A_170 : memref<128x64xf32, #tpu.memory_space<vmem_shared>>) dst(%arg18 : memref<128x64xf32, #tpu.memory_space<vmem>>)
      tpu.yield
    }) : () -> ()
    %mul3A_137 = arith.constant 10240 : i32
    %mul3A_138 = arith.muli %arg0, %mul3A_137 : i32
    %add3A_139 = arith.addi %mul3A_138, %mul3A_0 : i32
    %add3A_140 = arith.constant 128 : i32
    %add3A_141 = arith.addi %add3A_139, %add3A_140 : i32
    "tpu.region"() ({
      %run_scoped3A_163 = tpu.sem_alloc : memref<!tpu.dma_semaphore, #tpu.memory_space<semaphore_mem>>
      %dma_start3A_164 = arith.constant 0 : i32
      %dma_start3A_165 = tpu.memref_slice %arg9[%add3A_141, %dma_start3A_164] : memref<20480x64xf32, #tpu.memory_space<hbm>> -> memref<128x64xf32, #tpu.memory_space<hbm>>
      %dma_start3A_166 = arith.constant 0 : i32
      %dma_start3A_167 = tpu.memref_slice %arg9[%add3A_141, %dma_start3A_166] : memref<20480x64xf32, #tpu.memory_space<hbm>> -> memref<128x64xf32, #tpu.memory_space<hbm>>
      tpu.enqueue_dma source(%arg18 : memref<128x64xf32, #tpu.memory_space<vmem>>) target(%dma_start3A_167 : memref<128x64xf32, #tpu.memory_space<hbm>>) target_semaphore(%run_scoped3A_163 : memref<!tpu.dma_semaphore, #tpu.memory_space<semaphore_mem>>)
      %dma_wait3A = arith.constant 0 : i32
      %dma_wait3A_168 = tpu.memref_slice %arg9[%add3A_141, %dma_wait3A] : memref<20480x64xf32, #tpu.memory_space<hbm>> -> memref<128x64xf32, #tpu.memory_space<hbm>>
      %dma_wait3A_169 = arith.constant 0 : i32
      %dma_wait3A_170 = tpu.memref_slice %arg9[%add3A_141, %dma_wait3A_169] : memref<20480x64xf32, #tpu.memory_space<hbm>> -> memref<128x64xf32, #tpu.memory_space<hbm>>
      tpu.wait_dma2 semaphore(%run_scoped3A_163 : memref<!tpu.dma_semaphore, #tpu.memory_space<semaphore_mem>>) src(%arg18 : memref<128x64xf32, #tpu.memory_space<vmem>>) dst(%dma_wait3A_170 : memref<128x64xf32, #tpu.memory_space<hbm>>)
      tpu.yield
    }) : () -> ()
    %add3A_142 = arith.constant 256 : i32
    %add3A_143 = arith.addi %mul3A_0, %add3A_142 : i32
    "tpu.region"() ({
      %run_scoped3A_163 = tpu.sem_alloc : memref<!tpu.dma_semaphore, #tpu.memory_space<semaphore_mem>>
      %dma_start3A_164 = arith.constant 0 : i32
      %dma_start3A_165 = tpu.memref_slice %arg20[%add3A_143, %dma_start3A_164] : memref<10240x64xf32, #tpu.memory_space<vmem_shared>> -> memref<128x64xf32, #tpu.memory_space<vmem_shared>>
      %dma_start3A_166 = arith.constant 0 : i32
      %dma_start3A_167 = tpu.memref_slice %arg20[%add3A_143, %dma_start3A_166] : memref<10240x64xf32, #tpu.memory_space<vmem_shared>> -> memref<128x64xf32, #tpu.memory_space<vmem_shared>>
      tpu.enqueue_dma source(%dma_start3A_167 : memref<128x64xf32, #tpu.memory_space<vmem_shared>>) target(%arg18 : memref<128x64xf32, #tpu.memory_space<vmem>>) target_semaphore(%run_scoped3A_163 : memref<!tpu.dma_semaphore, #tpu.memory_space<semaphore_mem>>)
      %dma_wait3A = arith.constant 0 : i32
      %dma_wait3A_168 = tpu.memref_slice %arg20[%add3A_143, %dma_wait3A] : memref<10240x64xf32, #tpu.memory_space<vmem_shared>> -> memref<128x64xf32, #tpu.memory_space<vmem_shared>>
      %dma_wait3A_169 = arith.constant 0 : i32
      %dma_wait3A_170 = tpu.memref_slice %arg20[%add3A_143, %dma_wait3A_169] : memref<10240x64xf32, #tpu.memory_space<vmem_shared>> -> memref<128x64xf32, #tpu.memory_space<vmem_shared>>
      tpu.wait_dma2 semaphore(%run_scoped3A_163 : memref<!tpu.dma_semaphore, #tpu.memory_space<semaphore_mem>>) src(%dma_wait3A_170 : memref<128x64xf32, #tpu.memory_space<vmem_shared>>) dst(%arg18 : memref<128x64xf32, #tpu.memory_space<vmem>>)
      tpu.yield
    }) : () -> ()
    %mul3A_144 = arith.constant 10240 : i32
    %mul3A_145 = arith.muli %arg0, %mul3A_144 : i32
    %add3A_146 = arith.addi %mul3A_145, %mul3A_0 : i32
    %add3A_147 = arith.constant 256 : i32
    %add3A_148 = arith.addi %add3A_146, %add3A_147 : i32
    "tpu.region"() ({
      %run_scoped3A_163 = tpu.sem_alloc : memref<!tpu.dma_semaphore, #tpu.memory_space<semaphore_mem>>
      %dma_start3A_164 = arith.constant 0 : i32
      %dma_start3A_165 = tpu.memref_slice %arg9[%add3A_148, %dma_start3A_164] : memref<20480x64xf32, #tpu.memory_space<hbm>> -> memref<128x64xf32, #tpu.memory_space<hbm>>
      %dma_start3A_166 = arith.constant 0 : i32
      %dma_start3A_167 = tpu.memref_slice %arg9[%add3A_148, %dma_start3A_166] : memref<20480x64xf32, #tpu.memory_space<hbm>> -> memref<128x64xf32, #tpu.memory_space<hbm>>
      tpu.enqueue_dma source(%arg18 : memref<128x64xf32, #tpu.memory_space<vmem>>) target(%dma_start3A_167 : memref<128x64xf32, #tpu.memory_space<hbm>>) target_semaphore(%run_scoped3A_163 : memref<!tpu.dma_semaphore, #tpu.memory_space<semaphore_mem>>)
      %dma_wait3A = arith.constant 0 : i32
      %dma_wait3A_168 = tpu.memref_slice %arg9[%add3A_148, %dma_wait3A] : memref<20480x64xf32, #tpu.memory_space<hbm>> -> memref<128x64xf32, #tpu.memory_space<hbm>>
      %dma_wait3A_169 = arith.constant 0 : i32
      %dma_wait3A_170 = tpu.memref_slice %arg9[%add3A_148, %dma_wait3A_169] : memref<20480x64xf32, #tpu.memory_space<hbm>> -> memref<128x64xf32, #tpu.memory_space<hbm>>
      tpu.wait_dma2 semaphore(%run_scoped3A_163 : memref<!tpu.dma_semaphore, #tpu.memory_space<semaphore_mem>>) src(%arg18 : memref<128x64xf32, #tpu.memory_space<vmem>>) dst(%dma_wait3A_170 : memref<128x64xf32, #tpu.memory_space<hbm>>)
      tpu.yield
    }) : () -> ()
    %add3A_149 = arith.constant 384 : i32
    %add3A_150 = arith.addi %mul3A_0, %add3A_149 : i32
    "tpu.region"() ({
      %run_scoped3A_163 = tpu.sem_alloc : memref<!tpu.dma_semaphore, #tpu.memory_space<semaphore_mem>>
      %dma_start3A_164 = arith.constant 0 : i32
      %dma_start3A_165 = tpu.memref_slice %arg20[%add3A_150, %dma_start3A_164] : memref<10240x64xf32, #tpu.memory_space<vmem_shared>> -> memref<128x64xf32, #tpu.memory_space<vmem_shared>>
      %dma_start3A_166 = arith.constant 0 : i32
      %dma_start3A_167 = tpu.memref_slice %arg20[%add3A_150, %dma_start3A_166] : memref<10240x64xf32, #tpu.memory_space<vmem_shared>> -> memref<128x64xf32, #tpu.memory_space<vmem_shared>>
      tpu.enqueue_dma source(%dma_start3A_167 : memref<128x64xf32, #tpu.memory_space<vmem_shared>>) target(%arg18 : memref<128x64xf32, #tpu.memory_space<vmem>>) target_semaphore(%run_scoped3A_163 : memref<!tpu.dma_semaphore, #tpu.memory_space<semaphore_mem>>)
      %dma_wait3A = arith.constant 0 : i32
      %dma_wait3A_168 = tpu.memref_slice %arg20[%add3A_150, %dma_wait3A] : memref<10240x64xf32, #tpu.memory_space<vmem_shared>> -> memref<128x64xf32, #tpu.memory_space<vmem_shared>>
      %dma_wait3A_169 = arith.constant 0 : i32
      %dma_wait3A_170 = tpu.memref_slice %arg20[%add3A_150, %dma_wait3A_169] : memref<10240x64xf32, #tpu.memory_space<vmem_shared>> -> memref<128x64xf32, #tpu.memory_space<vmem_shared>>
      tpu.wait_dma2 semaphore(%run_scoped3A_163 : memref<!tpu.dma_semaphore, #tpu.memory_space<semaphore_mem>>) src(%dma_wait3A_170 : memref<128x64xf32, #tpu.memory_space<vmem_shared>>) dst(%arg18 : memref<128x64xf32, #tpu.memory_space<vmem>>)
      tpu.yield
    }) : () -> ()
    %mul3A_151 = arith.constant 10240 : i32
    %mul3A_152 = arith.muli %arg0, %mul3A_151 : i32
    %add3A_153 = arith.addi %mul3A_152, %mul3A_0 : i32
    %add3A_154 = arith.constant 384 : i32
    %add3A_155 = arith.addi %add3A_153, %add3A_154 : i32
    "tpu.region"() ({
      %run_scoped3A_163 = tpu.sem_alloc : memref<!tpu.dma_semaphore, #tpu.memory_space<semaphore_mem>>
      %dma_start3A_164 = arith.constant 0 : i32
      %dma_start3A_165 = tpu.memref_slice %arg9[%add3A_155, %dma_start3A_164] : memref<20480x64xf32, #tpu.memory_space<hbm>> -> memref<128x64xf32, #tpu.memory_space<hbm>>
      %dma_start3A_166 = arith.constant 0 : i32
      %dma_start3A_167 = tpu.memref_slice %arg9[%add3A_155, %dma_start3A_166] : memref<20480x64xf32, #tpu.memory_space<hbm>> -> memref<128x64xf32, #tpu.memory_space<hbm>>
      tpu.enqueue_dma source(%arg18 : memref<128x64xf32, #tpu.memory_space<vmem>>) target(%dma_start3A_167 : memref<128x64xf32, #tpu.memory_space<hbm>>) target_semaphore(%run_scoped3A_163 : memref<!tpu.dma_semaphore, #tpu.memory_space<semaphore_mem>>)
      %dma_wait3A = arith.constant 0 : i32
      %dma_wait3A_168 = tpu.memref_slice %arg9[%add3A_155, %dma_wait3A] : memref<20480x64xf32, #tpu.memory_space<hbm>> -> memref<128x64xf32, #tpu.memory_space<hbm>>
      %dma_wait3A_169 = arith.constant 0 : i32
      %dma_wait3A_170 = tpu.memref_slice %arg9[%add3A_155, %dma_wait3A_169] : memref<20480x64xf32, #tpu.memory_space<hbm>> -> memref<128x64xf32, #tpu.memory_space<hbm>>
      tpu.wait_dma2 semaphore(%run_scoped3A_163 : memref<!tpu.dma_semaphore, #tpu.memory_space<semaphore_mem>>) src(%arg18 : memref<128x64xf32, #tpu.memory_space<vmem>>) dst(%dma_wait3A_170 : memref<128x64xf32, #tpu.memory_space<hbm>>)
      tpu.yield
    }) : () -> ()
    %add3A_156 = arith.constant 512 : i32
    %add3A_157 = arith.addi %mul3A_0, %add3A_156 : i32
    "tpu.region"() ({
      %run_scoped3A_163 = tpu.sem_alloc : memref<!tpu.dma_semaphore, #tpu.memory_space<semaphore_mem>>
      %dma_start3A_164 = arith.constant 0 : i32
      %dma_start3A_165 = tpu.memref_slice %arg20[%add3A_157, %dma_start3A_164] : memref<10240x64xf32, #tpu.memory_space<vmem_shared>> -> memref<128x64xf32, #tpu.memory_space<vmem_shared>>
      %dma_start3A_166 = arith.constant 0 : i32
      %dma_start3A_167 = tpu.memref_slice %arg20[%add3A_157, %dma_start3A_166] : memref<10240x64xf32, #tpu.memory_space<vmem_shared>> -> memref<128x64xf32, #tpu.memory_space<vmem_shared>>
      tpu.enqueue_dma source(%dma_start3A_167 : memref<128x64xf32, #tpu.memory_space<vmem_shared>>) target(%arg18 : memref<128x64xf32, #tpu.memory_space<vmem>>) target_semaphore(%run_scoped3A_163 : memref<!tpu.dma_semaphore, #tpu.memory_space<semaphore_mem>>)
      %dma_wait3A = arith.constant 0 : i32
      %dma_wait3A_168 = tpu.memref_slice %arg20[%add3A_157, %dma_wait3A] : memref<10240x64xf32, #tpu.memory_space<vmem_shared>> -> memref<128x64xf32, #tpu.memory_space<vmem_shared>>
      %dma_wait3A_169 = arith.constant 0 : i32
      %dma_wait3A_170 = tpu.memref_slice %arg20[%add3A_157, %dma_wait3A_169] : memref<10240x64xf32, #tpu.memory_space<vmem_shared>> -> memref<128x64xf32, #tpu.memory_space<vmem_shared>>
      tpu.wait_dma2 semaphore(%run_scoped3A_163 : memref<!tpu.dma_semaphore, #tpu.memory_space<semaphore_mem>>) src(%dma_wait3A_170 : memref<128x64xf32, #tpu.memory_space<vmem_shared>>) dst(%arg18 : memref<128x64xf32, #tpu.memory_space<vmem>>)
      tpu.yield
    }) : () -> ()
    %mul3A_158 = arith.constant 10240 : i32
    %mul3A_159 = arith.muli %arg0, %mul3A_158 : i32
    %add3A_160 = arith.addi %mul3A_159, %mul3A_0 : i32
    %add3A_161 = arith.constant 512 : i32
    %add3A_162 = arith.addi %add3A_160, %add3A_161 : i32
    "tpu.region"() ({
      %run_scoped3A_163 = tpu.sem_alloc : memref<!tpu.dma_semaphore, #tpu.memory_space<semaphore_mem>>
      %dma_start3A_164 = arith.constant 0 : i32
      %dma_start3A_165 = tpu.memref_slice %arg9[%add3A_162, %dma_start3A_164] : memref<20480x64xf32, #tpu.memory_space<hbm>> -> memref<128x64xf32, #tpu.memory_space<hbm>>
      %dma_start3A_166 = arith.constant 0 : i32
      %dma_start3A_167 = tpu.memref_slice %arg9[%add3A_162, %dma_start3A_166] : memref<20480x64xf32, #tpu.memory_space<hbm>> -> memref<128x64xf32, #tpu.memory_space<hbm>>
      tpu.enqueue_dma source(%arg18 : memref<128x64xf32, #tpu.memory_space<vmem>>) target(%dma_start3A_167 : memref<128x64xf32, #tpu.memory_space<hbm>>) target_semaphore(%run_scoped3A_163 : memref<!tpu.dma_semaphore, #tpu.memory_space<semaphore_mem>>)
      %dma_wait3A = arith.constant 0 : i32
      %dma_wait3A_168 = tpu.memref_slice %arg9[%add3A_162, %dma_wait3A] : memref<20480x64xf32, #tpu.memory_space<hbm>> -> memref<128x64xf32, #tpu.memory_space<hbm>>
      %dma_wait3A_169 = arith.constant 0 : i32
      %dma_wait3A_170 = tpu.memref_slice %arg9[%add3A_162, %dma_wait3A_169] : memref<20480x64xf32, #tpu.memory_space<hbm>> -> memref<128x64xf32, #tpu.memory_space<hbm>>
      tpu.wait_dma2 semaphore(%run_scoped3A_163 : memref<!tpu.dma_semaphore, #tpu.memory_space<semaphore_mem>>) src(%arg18 : memref<128x64xf32, #tpu.memory_space<vmem>>) dst(%dma_wait3A_170 : memref<128x64xf32, #tpu.memory_space<hbm>>)
      tpu.yield
    }) : () -> ()
    return
  }
}

#map = affine_map<(d0, d1) -> (0, 0)>
#map1 = affine_map<(d0, d1) -> (0, 0, 0, 0, 0)>
#map2 = affine_map<(d0, d1) -> (0, 0, 0, 0)>
module attributes {stable_mosaic.version = 14 : i64} {
  func.func @sc_seg_sum(%arg0: i32, %arg1: i32, %arg2: memref<40960x64xf32, #tpu.memory_space<hbm>>, %arg3: memref<2x2x16x158x128xi32, #tpu.memory_space<hbm>>, %arg4: memref<2x16x158x128xi32, #tpu.memory_space<hbm>>, %arg5: memref<128x64xf32, #tpu.memory_space<hbm>>, %arg6: memref<128x16xf32, #tpu.memory_space<hbm>>, %arg7: memref<128x16xf32, #tpu.memory_space<hbm>>, %arg8: memref<20480x64xf32, #tpu.memory_space<hbm>>, %arg9: memref<20480x64xf32, #tpu.memory_space<hbm>>, %arg10: memref<158x128xi32, #tpu.memory_space<vmem>>, %arg11: memref<158x128xi32, #tpu.memory_space<vmem>>, %arg12: memref<128x64xf32, #tpu.memory_space<vmem>>, %arg13: memref<128x64xf32, #tpu.memory_space<vmem>>, %arg14: memref<128x16xf32, #tpu.memory_space<vmem>>, %arg15: memref<128x64xf32, #tpu.memory_space<vmem>>, %arg16: memref<128x16xf32, #tpu.memory_space<vmem>>, %arg17: memref<128x64xf32, #tpu.memory_space<vmem>>, %arg18: memref<128x16xf32, #tpu.memory_space<vmem>>, %arg19: memref<10240x64xf32, #tpu.memory_space<vmem_shared>>, %arg20: memref<10240x16xf32, #tpu.memory_space<vmem_shared>>, %arg21: memref<!tpu.dma_semaphore, #tpu.memory_space<semaphore_mem>>, %arg22: memref<!tpu.dma_semaphore, #tpu.memory_space<semaphore_mem>>) attributes {dimension_semantics = [#tpu.dimension_semantics<core_parallel>, #tpu.dimension_semantics<subcore_parallel>], iteration_bounds = array<i64: 2, 16>, scalar_prefetch = 0 : i64, scratch_operands = 13 : i64, tpu.core_type = #tpu.core_type<sc_vector_subcore>, window_params = [{transform_indices = #map}, {transform_indices = #map1}, {transform_indices = #map2}, {transform_indices = #map}, {transform_indices = #map}, {transform_indices = #map}, {transform_indices = #map}, {transform_indices = #map}]} {
    %mul3A = arith.constant 640 : i32
    %mul3A_0 = arith.muli %arg1, %mul3A : i32
    "tpu.region"() ({
      %run_scoped3A_118 = tpu.sem_alloc : memref<!tpu.dma_semaphore, #tpu.memory_space<semaphore_mem>>
      %dma_start3A_119 = arith.constant 0 : i32
      %dma_start3A_120 = arith.constant 0 : i32
      %dma_start3A_121 = tpu.memref_slice %arg4[%arg0, %arg1, %dma_start3A_119, %dma_start3A_120] : memref<2x16x158x128xi32, #tpu.memory_space<hbm>> -> memref<1x1x158x128xi32, #tpu.memory_space<hbm>>
      %dma_start3A_122 = tpu.memref_squeeze %dma_start3A_121 : memref<1x1x158x128xi32, #tpu.memory_space<hbm>> -> memref<158x128xi32, #tpu.memory_space<hbm>>
      %dma_start3A_123 = arith.constant 0 : i32
      %dma_start3A_124 = arith.constant 0 : i32
      %dma_start3A_125 = tpu.memref_slice %arg4[%arg0, %arg1, %dma_start3A_123, %dma_start3A_124] : memref<2x16x158x128xi32, #tpu.memory_space<hbm>> -> memref<1x1x158x128xi32, #tpu.memory_space<hbm>>
      %dma_start3A_126 = tpu.memref_squeeze %dma_start3A_125 : memref<1x1x158x128xi32, #tpu.memory_space<hbm>> -> memref<158x128xi32, #tpu.memory_space<hbm>>
      tpu.enqueue_dma source(%dma_start3A_126 : memref<158x128xi32, #tpu.memory_space<hbm>>) target(%arg11 : memref<158x128xi32, #tpu.memory_space<vmem>>) target_semaphore(%run_scoped3A_118 : memref<!tpu.dma_semaphore, #tpu.memory_space<semaphore_mem>>)
      %dma_wait3A = arith.constant 0 : i32
      %dma_wait3A_127 = arith.constant 0 : i32
      %dma_wait3A_128 = tpu.memref_slice %arg4[%arg0, %arg1, %dma_wait3A, %dma_wait3A_127] : memref<2x16x158x128xi32, #tpu.memory_space<hbm>> -> memref<1x1x158x128xi32, #tpu.memory_space<hbm>>
      %dma_wait3A_129 = tpu.memref_squeeze %dma_wait3A_128 : memref<1x1x158x128xi32, #tpu.memory_space<hbm>> -> memref<158x128xi32, #tpu.memory_space<hbm>>
      %dma_wait3A_130 = arith.constant 0 : i32
      %dma_wait3A_131 = arith.constant 0 : i32
      %dma_wait3A_132 = tpu.memref_slice %arg4[%arg0, %arg1, %dma_wait3A_130, %dma_wait3A_131] : memref<2x16x158x128xi32, #tpu.memory_space<hbm>> -> memref<1x1x158x128xi32, #tpu.memory_space<hbm>>
      %dma_wait3A_133 = tpu.memref_squeeze %dma_wait3A_132 : memref<1x1x158x128xi32, #tpu.memory_space<hbm>> -> memref<158x128xi32, #tpu.memory_space<hbm>>
      tpu.wait_dma2 semaphore(%run_scoped3A_118 : memref<!tpu.dma_semaphore, #tpu.memory_space<semaphore_mem>>) src(%dma_wait3A_133 : memref<158x128xi32, #tpu.memory_space<hbm>>) dst(%arg11 : memref<158x128xi32, #tpu.memory_space<vmem>>)
      tpu.yield
    }) : () -> ()
    "tpu.region"() ({
      %run_scoped3A_118 = tpu.sem_alloc : memref<!tpu.dma_semaphore, #tpu.memory_space<semaphore_mem>>
      tpu.enqueue_dma source(%arg5 : memref<128x64xf32, #tpu.memory_space<hbm>>) target(%arg15 : memref<128x64xf32, #tpu.memory_space<vmem>>) target_semaphore(%run_scoped3A_118 : memref<!tpu.dma_semaphore, #tpu.memory_space<semaphore_mem>>)
      tpu.wait_dma2 semaphore(%run_scoped3A_118 : memref<!tpu.dma_semaphore, #tpu.memory_space<semaphore_mem>>) src(%arg5 : memref<128x64xf32, #tpu.memory_space<hbm>>) dst(%arg15 : memref<128x64xf32, #tpu.memory_space<vmem>>)
      tpu.yield
    }) : () -> ()
    %run_scoped3A = arith.constant 0 : i32
    "tpu.region"() ({
      %run_scoped3A_118 = tpu.sem_alloc : memref<!tpu.dma_semaphore, #tpu.memory_space<semaphore_mem>>
      %dma_start3A_119 = arith.constant 0 : i32
      %dma_start3A_120 = arith.constant 0 : i32
      %dma_start3A_121 = tpu.memref_slice %arg3[%run_scoped3A, %arg0, %arg1, %dma_start3A_119, %dma_start3A_120] : memref<2x2x16x158x128xi32, #tpu.memory_space<hbm>> -> memref<1x1x1x158x128xi32, #tpu.memory_space<hbm>>
      %dma_start3A_122 = tpu.memref_squeeze %dma_start3A_121 : memref<1x1x1x158x128xi32, #tpu.memory_space<hbm>> -> memref<158x128xi32, #tpu.memory_space<hbm>>
      %dma_start3A_123 = arith.constant 0 : i32
      %dma_start3A_124 = arith.constant 0 : i32
      %dma_start3A_125 = tpu.memref_slice %arg3[%run_scoped3A, %arg0, %arg1, %dma_start3A_123, %dma_start3A_124] : memref<2x2x16x158x128xi32, #tpu.memory_space<hbm>> -> memref<1x1x1x158x128xi32, #tpu.memory_space<hbm>>
      %dma_start3A_126 = tpu.memref_squeeze %dma_start3A_125 : memref<1x1x1x158x128xi32, #tpu.memory_space<hbm>> -> memref<158x128xi32, #tpu.memory_space<hbm>>
      tpu.enqueue_dma source(%dma_start3A_126 : memref<158x128xi32, #tpu.memory_space<hbm>>) target(%arg10 : memref<158x128xi32, #tpu.memory_space<vmem>>) target_semaphore(%run_scoped3A_118 : memref<!tpu.dma_semaphore, #tpu.memory_space<semaphore_mem>>)
      %dma_wait3A = arith.constant 0 : i32
      %dma_wait3A_127 = arith.constant 0 : i32
      %dma_wait3A_128 = tpu.memref_slice %arg3[%run_scoped3A, %arg0, %arg1, %dma_wait3A, %dma_wait3A_127] : memref<2x2x16x158x128xi32, #tpu.memory_space<hbm>> -> memref<1x1x1x158x128xi32, #tpu.memory_space<hbm>>
      %dma_wait3A_129 = tpu.memref_squeeze %dma_wait3A_128 : memref<1x1x1x158x128xi32, #tpu.memory_space<hbm>> -> memref<158x128xi32, #tpu.memory_space<hbm>>
      %dma_wait3A_130 = arith.constant 0 : i32
      %dma_wait3A_131 = arith.constant 0 : i32
      %dma_wait3A_132 = tpu.memref_slice %arg3[%run_scoped3A, %arg0, %arg1, %dma_wait3A_130, %dma_wait3A_131] : memref<2x2x16x158x128xi32, #tpu.memory_space<hbm>> -> memref<1x1x1x158x128xi32, #tpu.memory_space<hbm>>
      %dma_wait3A_133 = tpu.memref_squeeze %dma_wait3A_132 : memref<1x1x1x158x128xi32, #tpu.memory_space<hbm>> -> memref<158x128xi32, #tpu.memory_space<hbm>>
      tpu.wait_dma2 semaphore(%run_scoped3A_118 : memref<!tpu.dma_semaphore, #tpu.memory_space<semaphore_mem>>) src(%dma_wait3A_133 : memref<158x128xi32, #tpu.memory_space<hbm>>) dst(%arg10 : memref<158x128xi32, #tpu.memory_space<vmem>>)
      tpu.yield
    }) : () -> ()
    %add3A = arith.constant 0 : i32
    %add3A_1 = arith.addi %mul3A_0, %add3A : i32
    "tpu.region"() ({
      %run_scoped3A_118 = tpu.sem_alloc : memref<!tpu.dma_semaphore, #tpu.memory_space<semaphore_mem>>
      %dma_start3A_119 = arith.constant 0 : i32
      %dma_start3A_120 = tpu.memref_slice %arg19[%add3A_1, %dma_start3A_119] : memref<10240x64xf32, #tpu.memory_space<vmem_shared>> -> memref<128x64xf32, #tpu.memory_space<vmem_shared>>
      %dma_start3A_121 = arith.constant 0 : i32
      %dma_start3A_122 = tpu.memref_slice %arg19[%add3A_1, %dma_start3A_121] : memref<10240x64xf32, #tpu.memory_space<vmem_shared>> -> memref<128x64xf32, #tpu.memory_space<vmem_shared>>
      tpu.enqueue_dma source(%arg15 : memref<128x64xf32, #tpu.memory_space<vmem>>) target(%dma_start3A_122 : memref<128x64xf32, #tpu.memory_space<vmem_shared>>) target_semaphore(%run_scoped3A_118 : memref<!tpu.dma_semaphore, #tpu.memory_space<semaphore_mem>>)
      %dma_wait3A = arith.constant 0 : i32
      %dma_wait3A_123 = tpu.memref_slice %arg19[%add3A_1, %dma_wait3A] : memref<10240x64xf32, #tpu.memory_space<vmem_shared>> -> memref<128x64xf32, #tpu.memory_space<vmem_shared>>
      %dma_wait3A_124 = arith.constant 0 : i32
      %dma_wait3A_125 = tpu.memref_slice %arg19[%add3A_1, %dma_wait3A_124] : memref<10240x64xf32, #tpu.memory_space<vmem_shared>> -> memref<128x64xf32, #tpu.memory_space<vmem_shared>>
      tpu.wait_dma2 semaphore(%run_scoped3A_118 : memref<!tpu.dma_semaphore, #tpu.memory_space<semaphore_mem>>) src(%arg15 : memref<128x64xf32, #tpu.memory_space<vmem>>) dst(%dma_wait3A_125 : memref<128x64xf32, #tpu.memory_space<vmem_shared>>)
      tpu.yield
    }) : () -> ()
    %add3A_2 = arith.constant 128 : i32
    %add3A_3 = arith.addi %mul3A_0, %add3A_2 : i32
    "tpu.region"() ({
      %run_scoped3A_118 = tpu.sem_alloc : memref<!tpu.dma_semaphore, #tpu.memory_space<semaphore_mem>>
      %dma_start3A_119 = arith.constant 0 : i32
      %dma_start3A_120 = tpu.memref_slice %arg19[%add3A_3, %dma_start3A_119] : memref<10240x64xf32, #tpu.memory_space<vmem_shared>> -> memref<128x64xf32, #tpu.memory_space<vmem_shared>>
      %dma_start3A_121 = arith.constant 0 : i32
      %dma_start3A_122 = tpu.memref_slice %arg19[%add3A_3, %dma_start3A_121] : memref<10240x64xf32, #tpu.memory_space<vmem_shared>> -> memref<128x64xf32, #tpu.memory_space<vmem_shared>>
      tpu.enqueue_dma source(%arg15 : memref<128x64xf32, #tpu.memory_space<vmem>>) target(%dma_start3A_122 : memref<128x64xf32, #tpu.memory_space<vmem_shared>>) target_semaphore(%run_scoped3A_118 : memref<!tpu.dma_semaphore, #tpu.memory_space<semaphore_mem>>)
      %dma_wait3A = arith.constant 0 : i32
      %dma_wait3A_123 = tpu.memref_slice %arg19[%add3A_3, %dma_wait3A] : memref<10240x64xf32, #tpu.memory_space<vmem_shared>> -> memref<128x64xf32, #tpu.memory_space<vmem_shared>>
      %dma_wait3A_124 = arith.constant 0 : i32
      %dma_wait3A_125 = tpu.memref_slice %arg19[%add3A_3, %dma_wait3A_124] : memref<10240x64xf32, #tpu.memory_space<vmem_shared>> -> memref<128x64xf32, #tpu.memory_space<vmem_shared>>
      tpu.wait_dma2 semaphore(%run_scoped3A_118 : memref<!tpu.dma_semaphore, #tpu.memory_space<semaphore_mem>>) src(%arg15 : memref<128x64xf32, #tpu.memory_space<vmem>>) dst(%dma_wait3A_125 : memref<128x64xf32, #tpu.memory_space<vmem_shared>>)
      tpu.yield
    }) : () -> ()
    %add3A_4 = arith.constant 256 : i32
    %add3A_5 = arith.addi %mul3A_0, %add3A_4 : i32
    "tpu.region"() ({
      %run_scoped3A_118 = tpu.sem_alloc : memref<!tpu.dma_semaphore, #tpu.memory_space<semaphore_mem>>
      %dma_start3A_119 = arith.constant 0 : i32
      %dma_start3A_120 = tpu.memref_slice %arg19[%add3A_5, %dma_start3A_119] : memref<10240x64xf32, #tpu.memory_space<vmem_shared>> -> memref<128x64xf32, #tpu.memory_space<vmem_shared>>
      %dma_start3A_121 = arith.constant 0 : i32
      %dma_start3A_122 = tpu.memref_slice %arg19[%add3A_5, %dma_start3A_121] : memref<10240x64xf32, #tpu.memory_space<vmem_shared>> -> memref<128x64xf32, #tpu.memory_space<vmem_shared>>
      tpu.enqueue_dma source(%arg15 : memref<128x64xf32, #tpu.memory_space<vmem>>) target(%dma_start3A_122 : memref<128x64xf32, #tpu.memory_space<vmem_shared>>) target_semaphore(%run_scoped3A_118 : memref<!tpu.dma_semaphore, #tpu.memory_space<semaphore_mem>>)
      %dma_wait3A = arith.constant 0 : i32
      %dma_wait3A_123 = tpu.memref_slice %arg19[%add3A_5, %dma_wait3A] : memref<10240x64xf32, #tpu.memory_space<vmem_shared>> -> memref<128x64xf32, #tpu.memory_space<vmem_shared>>
      %dma_wait3A_124 = arith.constant 0 : i32
      %dma_wait3A_125 = tpu.memref_slice %arg19[%add3A_5, %dma_wait3A_124] : memref<10240x64xf32, #tpu.memory_space<vmem_shared>> -> memref<128x64xf32, #tpu.memory_space<vmem_shared>>
      tpu.wait_dma2 semaphore(%run_scoped3A_118 : memref<!tpu.dma_semaphore, #tpu.memory_space<semaphore_mem>>) src(%arg15 : memref<128x64xf32, #tpu.memory_space<vmem>>) dst(%dma_wait3A_125 : memref<128x64xf32, #tpu.memory_space<vmem_shared>>)
      tpu.yield
    }) : () -> ()
    %add3A_6 = arith.constant 384 : i32
    %add3A_7 = arith.addi %mul3A_0, %add3A_6 : i32
    "tpu.region"() ({
      %run_scoped3A_118 = tpu.sem_alloc : memref<!tpu.dma_semaphore, #tpu.memory_space<semaphore_mem>>
      %dma_start3A_119 = arith.constant 0 : i32
      %dma_start3A_120 = tpu.memref_slice %arg19[%add3A_7, %dma_start3A_119] : memref<10240x64xf32, #tpu.memory_space<vmem_shared>> -> memref<128x64xf32, #tpu.memory_space<vmem_shared>>
      %dma_start3A_121 = arith.constant 0 : i32
      %dma_start3A_122 = tpu.memref_slice %arg19[%add3A_7, %dma_start3A_121] : memref<10240x64xf32, #tpu.memory_space<vmem_shared>> -> memref<128x64xf32, #tpu.memory_space<vmem_shared>>
      tpu.enqueue_dma source(%arg15 : memref<128x64xf32, #tpu.memory_space<vmem>>) target(%dma_start3A_122 : memref<128x64xf32, #tpu.memory_space<vmem_shared>>) target_semaphore(%run_scoped3A_118 : memref<!tpu.dma_semaphore, #tpu.memory_space<semaphore_mem>>)
      %dma_wait3A = arith.constant 0 : i32
      %dma_wait3A_123 = tpu.memref_slice %arg19[%add3A_7, %dma_wait3A] : memref<10240x64xf32, #tpu.memory_space<vmem_shared>> -> memref<128x64xf32, #tpu.memory_space<vmem_shared>>
      %dma_wait3A_124 = arith.constant 0 : i32
      %dma_wait3A_125 = tpu.memref_slice %arg19[%add3A_7, %dma_wait3A_124] : memref<10240x64xf32, #tpu.memory_space<vmem_shared>> -> memref<128x64xf32, #tpu.memory_space<vmem_shared>>
      tpu.wait_dma2 semaphore(%run_scoped3A_118 : memref<!tpu.dma_semaphore, #tpu.memory_space<semaphore_mem>>) src(%arg15 : memref<128x64xf32, #tpu.memory_space<vmem>>) dst(%dma_wait3A_125 : memref<128x64xf32, #tpu.memory_space<vmem_shared>>)
      tpu.yield
    }) : () -> ()
    %add3A_8 = arith.constant 512 : i32
    %add3A_9 = arith.addi %mul3A_0, %add3A_8 : i32
    "tpu.region"() ({
      %run_scoped3A_118 = tpu.sem_alloc : memref<!tpu.dma_semaphore, #tpu.memory_space<semaphore_mem>>
      %dma_start3A_119 = arith.constant 0 : i32
      %dma_start3A_120 = tpu.memref_slice %arg19[%add3A_9, %dma_start3A_119] : memref<10240x64xf32, #tpu.memory_space<vmem_shared>> -> memref<128x64xf32, #tpu.memory_space<vmem_shared>>
      %dma_start3A_121 = arith.constant 0 : i32
      %dma_start3A_122 = tpu.memref_slice %arg19[%add3A_9, %dma_start3A_121] : memref<10240x64xf32, #tpu.memory_space<vmem_shared>> -> memref<128x64xf32, #tpu.memory_space<vmem_shared>>
      tpu.enqueue_dma source(%arg15 : memref<128x64xf32, #tpu.memory_space<vmem>>) target(%dma_start3A_122 : memref<128x64xf32, #tpu.memory_space<vmem_shared>>) target_semaphore(%run_scoped3A_118 : memref<!tpu.dma_semaphore, #tpu.memory_space<semaphore_mem>>)
      %dma_wait3A = arith.constant 0 : i32
      %dma_wait3A_123 = tpu.memref_slice %arg19[%add3A_9, %dma_wait3A] : memref<10240x64xf32, #tpu.memory_space<vmem_shared>> -> memref<128x64xf32, #tpu.memory_space<vmem_shared>>
      %dma_wait3A_124 = arith.constant 0 : i32
      %dma_wait3A_125 = tpu.memref_slice %arg19[%add3A_9, %dma_wait3A_124] : memref<10240x64xf32, #tpu.memory_space<vmem_shared>> -> memref<128x64xf32, #tpu.memory_space<vmem_shared>>
      tpu.wait_dma2 semaphore(%run_scoped3A_118 : memref<!tpu.dma_semaphore, #tpu.memory_space<semaphore_mem>>) src(%arg15 : memref<128x64xf32, #tpu.memory_space<vmem>>) dst(%dma_wait3A_125 : memref<128x64xf32, #tpu.memory_space<vmem_shared>>)
      tpu.yield
    }) : () -> ()
    %barrier3A = arith.constant 0 : index
    tpu.barrier barrier_id(%barrier3A)
    %dma_start3A = arith.constant 0 : i32
    %dma_start3A_10 = arith.constant 0 : i32
    %dma_start3A_11 = tpu.memref_slice %arg10[%dma_start3A, %dma_start3A_10] : memref<158x128xi32, #tpu.memory_space<vmem>> -> memref<1x128xi32, #tpu.memory_space<vmem>>
    %dma_start3A_12 = tpu.memref_squeeze %dma_start3A_11 : memref<1x128xi32, #tpu.memory_space<vmem>> -> memref<128xi32, #tpu.memory_space<vmem>>
    %dma_start3A_13 = arith.constant 0 : i32
    %dma_start3A_14 = arith.constant 0 : i32
    %dma_start3A_15 = tpu.memref_slice %arg2[%dma_start3A_13, %dma_start3A_14] : memref<40960x64xf32, #tpu.memory_space<hbm>> -> memref<40960x64xf32, #tpu.memory_space<hbm>>
    tpu.enqueue_indirect_dma source(%dma_start3A_15 : memref<40960x64xf32, #tpu.memory_space<hbm>>) target(%arg12 : memref<128x64xf32, #tpu.memory_space<vmem>>) offsets(%dma_start3A_12 : memref<128xi32, #tpu.memory_space<vmem>>) semaphore(%arg21 : memref<!tpu.dma_semaphore, #tpu.memory_space<semaphore_mem>>)
    %scan3A = arith.constant 0 : i32
    %scan3A_16 = arith.constant 0 : i32
    %scan3A_17 = arith.constant 79 : i32
    %scan3A_18 = arith.addi %scan3A_16, %scan3A_17 : i32
    %scan3A_19 = arith.constant 1 : i32
    scf.for %scan3A_118 = %scan3A_16 to %scan3A_18 step %scan3A_19  : i32 {
      %mul3A_119 = arith.constant 2 : i32
      %mul3A_120 = arith.muli %mul3A_119, %scan3A_118 : i32
      %add3A_121 = arith.constant 1 : i32
      %add3A_122 = arith.addi %mul3A_120, %add3A_121 : i32
      %dma_start3A_123 = arith.constant 0 : i32
      %dma_start3A_124 = tpu.memref_slice %arg10[%add3A_122, %dma_start3A_123] : memref<158x128xi32, #tpu.memory_space<vmem>> -> memref<1x128xi32, #tpu.memory_space<vmem>>
      %dma_start3A_125 = tpu.memref_squeeze %dma_start3A_124 : memref<1x128xi32, #tpu.memory_space<vmem>> -> memref<128xi32, #tpu.memory_space<vmem>>
      %dma_start3A_126 = arith.constant 0 : i32
      %dma_start3A_127 = arith.constant 0 : i32
      %dma_start3A_128 = tpu.memref_slice %arg2[%dma_start3A_126, %dma_start3A_127] : memref<40960x64xf32, #tpu.memory_space<hbm>> -> memref<40960x64xf32, #tpu.memory_space<hbm>>
      tpu.enqueue_indirect_dma source(%dma_start3A_128 : memref<40960x64xf32, #tpu.memory_space<hbm>>) target(%arg13 : memref<128x64xf32, #tpu.memory_space<vmem>>) offsets(%dma_start3A_125 : memref<128xi32, #tpu.memory_space<vmem>>) semaphore(%arg22 : memref<!tpu.dma_semaphore, #tpu.memory_space<semaphore_mem>>)
      %dma_wait3A = arith.constant 0 : i32
      %dma_wait3A_129 = arith.constant 0 : i32
      %dma_wait3A_130 = tpu.memref_slice %arg2[%dma_wait3A, %dma_wait3A_129] : memref<40960x64xf32, #tpu.memory_space<hbm>> -> memref<128x64xf32, #tpu.memory_space<hbm>>
      %dma_wait3A_131 = arith.constant 0 : i32
      %dma_wait3A_132 = arith.constant 0 : i32
      %dma_wait3A_133 = tpu.memref_slice %arg2[%dma_wait3A_131, %dma_wait3A_132] : memref<40960x64xf32, #tpu.memory_space<hbm>> -> memref<128x64xf32, #tpu.memory_space<hbm>>
      tpu.wait_dma2 semaphore(%arg21 : memref<!tpu.dma_semaphore, #tpu.memory_space<semaphore_mem>>) src(%dma_wait3A_133 : memref<128x64xf32, #tpu.memory_space<hbm>>) dst(%arg12 : memref<128x64xf32, #tpu.memory_space<vmem>>)
      "tpu.region"() ({
        %run_scoped3A_146 = tpu.sem_alloc : memref<!tpu.dma_semaphore, #tpu.memory_space<semaphore_mem>>
        %dma_start3A_147 = arith.constant 0 : i32
        %dma_start3A_148 = tpu.memref_slice %arg11[%mul3A_120, %dma_start3A_147] : memref<158x128xi32, #tpu.memory_space<vmem>> -> memref<1x128xi32, #tpu.memory_space<vmem>>
        %dma_start3A_149 = tpu.memref_squeeze %dma_start3A_148 : memref<1x128xi32, #tpu.memory_space<vmem>> -> memref<128xi32, #tpu.memory_space<vmem>>
        %dma_start3A_150 = arith.constant 0 : i32
        %dma_start3A_151 = arith.constant 0 : i32
        %dma_start3A_152 = tpu.memref_slice %arg19[%dma_start3A_150, %dma_start3A_151] : memref<10240x64xf32, #tpu.memory_space<vmem_shared>> -> memref<10240x64xf32, #tpu.memory_space<vmem_shared>>
        tpu.enqueue_indirect_dma source(%arg12 : memref<128x64xf32, #tpu.memory_space<vmem>>) target(%dma_start3A_152 : memref<10240x64xf32, #tpu.memory_space<vmem_shared>>) offsets(%dma_start3A_149 : memref<128xi32, #tpu.memory_space<vmem>>) semaphore(%run_scoped3A_146 : memref<!tpu.dma_semaphore, #tpu.memory_space<semaphore_mem>>) {add = true}
        %dma_wait3A_153 = arith.constant 0 : i32
        %dma_wait3A_154 = tpu.memref_slice %arg11[%mul3A_120, %dma_wait3A_153] : memref<158x128xi32, #tpu.memory_space<vmem>> -> memref<1x128xi32, #tpu.memory_space<vmem>>
        %dma_wait3A_155 = tpu.memref_squeeze %dma_wait3A_154 : memref<1x128xi32, #tpu.memory_space<vmem>> -> memref<128xi32, #tpu.memory_space<vmem>>
        %dma_wait3A_156 = arith.constant 0 : i32
        %dma_wait3A_157 = arith.constant 0 : i32
        %dma_wait3A_158 = tpu.memref_slice %arg19[%dma_wait3A_156, %dma_wait3A_157] : memref<10240x64xf32, #tpu.memory_space<vmem_shared>> -> memref<10240x64xf32, #tpu.memory_space<vmem_shared>>
        tpu.wait_indirect_dma semaphore(%run_scoped3A_146 : memref<!tpu.dma_semaphore, #tpu.memory_space<semaphore_mem>>) src(%arg12 : memref<128x64xf32, #tpu.memory_space<vmem>>) dst(%dma_wait3A_158 : memref<10240x64xf32, #tpu.memory_space<vmem_shared>>)
        tpu.yield
      }) : () -> ()
      %add3A_134 = arith.constant 2 : i32
      %add3A_135 = arith.addi %mul3A_120, %add3A_134 : i32
      %lt3A = arith.constant 158 : i32
      %lt3A_136 = arith.cmpi slt, %add3A_135, %lt3A : i32
      %convert_element_type3A = arith.extui %lt3A_136 : i1 to i32
      %cond3A = arith.constant 0 : i32
      %cond3A_137 = arith.cmpi ne, %convert_element_type3A, %cond3A : i32
      scf.if %cond3A_137 {
        %add3A_146 = arith.constant 2 : i32
        %add3A_147 = arith.addi %mul3A_120, %add3A_146 : i32
        %dma_start3A_148 = arith.constant 0 : i32
        %dma_start3A_149 = tpu.memref_slice %arg10[%add3A_147, %dma_start3A_148] : memref<158x128xi32, #tpu.memory_space<vmem>> -> memref<1x128xi32, #tpu.memory_space<vmem>>
        %dma_start3A_150 = tpu.memref_squeeze %dma_start3A_149 : memref<1x128xi32, #tpu.memory_space<vmem>> -> memref<128xi32, #tpu.memory_space<vmem>>
        %dma_start3A_151 = arith.constant 0 : i32
        %dma_start3A_152 = arith.constant 0 : i32
        %dma_start3A_153 = tpu.memref_slice %arg2[%dma_start3A_151, %dma_start3A_152] : memref<40960x64xf32, #tpu.memory_space<hbm>> -> memref<40960x64xf32, #tpu.memory_space<hbm>>
        tpu.enqueue_indirect_dma source(%dma_start3A_153 : memref<40960x64xf32, #tpu.memory_space<hbm>>) target(%arg12 : memref<128x64xf32, #tpu.memory_space<vmem>>) offsets(%dma_start3A_150 : memref<128xi32, #tpu.memory_space<vmem>>) semaphore(%arg21 : memref<!tpu.dma_semaphore, #tpu.memory_space<semaphore_mem>>)
      } else {
      }
      %dma_wait3A_138 = arith.constant 0 : i32
      %dma_wait3A_139 = arith.constant 0 : i32
      %dma_wait3A_140 = tpu.memref_slice %arg2[%dma_wait3A_138, %dma_wait3A_139] : memref<40960x64xf32, #tpu.memory_space<hbm>> -> memref<128x64xf32, #tpu.memory_space<hbm>>
      %dma_wait3A_141 = arith.constant 0 : i32
      %dma_wait3A_142 = arith.constant 0 : i32
      %dma_wait3A_143 = tpu.memref_slice %arg2[%dma_wait3A_141, %dma_wait3A_142] : memref<40960x64xf32, #tpu.memory_space<hbm>> -> memref<128x64xf32, #tpu.memory_space<hbm>>
      tpu.wait_dma2 semaphore(%arg22 : memref<!tpu.dma_semaphore, #tpu.memory_space<semaphore_mem>>) src(%dma_wait3A_143 : memref<128x64xf32, #tpu.memory_space<hbm>>) dst(%arg13 : memref<128x64xf32, #tpu.memory_space<vmem>>)
      %add3A_144 = arith.constant 1 : i32
      %add3A_145 = arith.addi %mul3A_120, %add3A_144 : i32
      "tpu.region"() ({
        %run_scoped3A_146 = tpu.sem_alloc : memref<!tpu.dma_semaphore, #tpu.memory_space<semaphore_mem>>
        %dma_start3A_147 = arith.constant 0 : i32
        %dma_start3A_148 = tpu.memref_slice %arg11[%add3A_145, %dma_start3A_147] : memref<158x128xi32, #tpu.memory_space<vmem>> -> memref<1x128xi32, #tpu.memory_space<vmem>>
        %dma_start3A_149 = tpu.memref_squeeze %dma_start3A_148 : memref<1x128xi32, #tpu.memory_space<vmem>> -> memref<128xi32, #tpu.memory_space<vmem>>
        %dma_start3A_150 = arith.constant 0 : i32
        %dma_start3A_151 = arith.constant 0 : i32
        %dma_start3A_152 = tpu.memref_slice %arg19[%dma_start3A_150, %dma_start3A_151] : memref<10240x64xf32, #tpu.memory_space<vmem_shared>> -> memref<10240x64xf32, #tpu.memory_space<vmem_shared>>
        tpu.enqueue_indirect_dma source(%arg13 : memref<128x64xf32, #tpu.memory_space<vmem>>) target(%dma_start3A_152 : memref<10240x64xf32, #tpu.memory_space<vmem_shared>>) offsets(%dma_start3A_149 : memref<128xi32, #tpu.memory_space<vmem>>) semaphore(%run_scoped3A_146 : memref<!tpu.dma_semaphore, #tpu.memory_space<semaphore_mem>>) {add = true}
        %dma_wait3A_153 = arith.constant 0 : i32
        %dma_wait3A_154 = tpu.memref_slice %arg11[%add3A_145, %dma_wait3A_153] : memref<158x128xi32, #tpu.memory_space<vmem>> -> memref<1x128xi32, #tpu.memory_space<vmem>>
        %dma_wait3A_155 = tpu.memref_squeeze %dma_wait3A_154 : memref<1x128xi32, #tpu.memory_space<vmem>> -> memref<128xi32, #tpu.memory_space<vmem>>
        %dma_wait3A_156 = arith.constant 0 : i32
        %dma_wait3A_157 = arith.constant 0 : i32
        %dma_wait3A_158 = tpu.memref_slice %arg19[%dma_wait3A_156, %dma_wait3A_157] : memref<10240x64xf32, #tpu.memory_space<vmem_shared>> -> memref<10240x64xf32, #tpu.memory_space<vmem_shared>>
        tpu.wait_indirect_dma semaphore(%run_scoped3A_146 : memref<!tpu.dma_semaphore, #tpu.memory_space<semaphore_mem>>) src(%arg13 : memref<128x64xf32, #tpu.memory_space<vmem>>) dst(%dma_wait3A_158 : memref<10240x64xf32, #tpu.memory_space<vmem_shared>>)
        tpu.yield
      }) : () -> ()
    }
    %scan3A_20 = arith.constant 79 : i32
    %barrier3A_21 = arith.constant 0 : index
    tpu.barrier barrier_id(%barrier3A_21)
    %add3A_22 = arith.constant 0 : i32
    %add3A_23 = arith.addi %mul3A_0, %add3A_22 : i32
    "tpu.region"() ({
      %run_scoped3A_118 = tpu.sem_alloc : memref<!tpu.dma_semaphore, #tpu.memory_space<semaphore_mem>>
      %dma_start3A_119 = arith.constant 0 : i32
      %dma_start3A_120 = tpu.memref_slice %arg19[%add3A_23, %dma_start3A_119] : memref<10240x64xf32, #tpu.memory_space<vmem_shared>> -> memref<128x64xf32, #tpu.memory_space<vmem_shared>>
      %dma_start3A_121 = arith.constant 0 : i32
      %dma_start3A_122 = tpu.memref_slice %arg19[%add3A_23, %dma_start3A_121] : memref<10240x64xf32, #tpu.memory_space<vmem_shared>> -> memref<128x64xf32, #tpu.memory_space<vmem_shared>>
      tpu.enqueue_dma source(%dma_start3A_122 : memref<128x64xf32, #tpu.memory_space<vmem_shared>>) target(%arg17 : memref<128x64xf32, #tpu.memory_space<vmem>>) target_semaphore(%run_scoped3A_118 : memref<!tpu.dma_semaphore, #tpu.memory_space<semaphore_mem>>)
      %dma_wait3A = arith.constant 0 : i32
      %dma_wait3A_123 = tpu.memref_slice %arg19[%add3A_23, %dma_wait3A] : memref<10240x64xf32, #tpu.memory_space<vmem_shared>> -> memref<128x64xf32, #tpu.memory_space<vmem_shared>>
      %dma_wait3A_124 = arith.constant 0 : i32
      %dma_wait3A_125 = tpu.memref_slice %arg19[%add3A_23, %dma_wait3A_124] : memref<10240x64xf32, #tpu.memory_space<vmem_shared>> -> memref<128x64xf32, #tpu.memory_space<vmem_shared>>
      tpu.wait_dma2 semaphore(%run_scoped3A_118 : memref<!tpu.dma_semaphore, #tpu.memory_space<semaphore_mem>>) src(%dma_wait3A_125 : memref<128x64xf32, #tpu.memory_space<vmem_shared>>) dst(%arg17 : memref<128x64xf32, #tpu.memory_space<vmem>>)
      tpu.yield
    }) : () -> ()
    %mul3A_24 = arith.constant 10240 : i32
    %mul3A_25 = arith.muli %arg0, %mul3A_24 : i32
    %add3A_26 = arith.addi %mul3A_25, %mul3A_0 : i32
    %add3A_27 = arith.constant 0 : i32
    %add3A_28 = arith.addi %add3A_26, %add3A_27 : i32
    "tpu.region"() ({
      %run_scoped3A_118 = tpu.sem_alloc : memref<!tpu.dma_semaphore, #tpu.memory_space<semaphore_mem>>
      %dma_start3A_119 = arith.constant 0 : i32
      %dma_start3A_120 = tpu.memref_slice %arg8[%add3A_28, %dma_start3A_119] : memref<20480x64xf32, #tpu.memory_space<hbm>> -> memref<128x64xf32, #tpu.memory_space<hbm>>
      %dma_start3A_121 = arith.constant 0 : i32
      %dma_start3A_122 = tpu.memref_slice %arg8[%add3A_28, %dma_start3A_121] : memref<20480x64xf32, #tpu.memory_space<hbm>> -> memref<128x64xf32, #tpu.memory_space<hbm>>
      tpu.enqueue_dma source(%arg17 : memref<128x64xf32, #tpu.memory_space<vmem>>) target(%dma_start3A_122 : memref<128x64xf32, #tpu.memory_space<hbm>>) target_semaphore(%run_scoped3A_118 : memref<!tpu.dma_semaphore, #tpu.memory_space<semaphore_mem>>)
      %dma_wait3A = arith.constant 0 : i32
      %dma_wait3A_123 = tpu.memref_slice %arg8[%add3A_28, %dma_wait3A] : memref<20480x64xf32, #tpu.memory_space<hbm>> -> memref<128x64xf32, #tpu.memory_space<hbm>>
      %dma_wait3A_124 = arith.constant 0 : i32
      %dma_wait3A_125 = tpu.memref_slice %arg8[%add3A_28, %dma_wait3A_124] : memref<20480x64xf32, #tpu.memory_space<hbm>> -> memref<128x64xf32, #tpu.memory_space<hbm>>
      tpu.wait_dma2 semaphore(%run_scoped3A_118 : memref<!tpu.dma_semaphore, #tpu.memory_space<semaphore_mem>>) src(%arg17 : memref<128x64xf32, #tpu.memory_space<vmem>>) dst(%dma_wait3A_125 : memref<128x64xf32, #tpu.memory_space<hbm>>)
      tpu.yield
    }) : () -> ()
    %add3A_29 = arith.constant 128 : i32
    %add3A_30 = arith.addi %mul3A_0, %add3A_29 : i32
    "tpu.region"() ({
      %run_scoped3A_118 = tpu.sem_alloc : memref<!tpu.dma_semaphore, #tpu.memory_space<semaphore_mem>>
      %dma_start3A_119 = arith.constant 0 : i32
      %dma_start3A_120 = tpu.memref_slice %arg19[%add3A_30, %dma_start3A_119] : memref<10240x64xf32, #tpu.memory_space<vmem_shared>> -> memref<128x64xf32, #tpu.memory_space<vmem_shared>>
      %dma_start3A_121 = arith.constant 0 : i32
      %dma_start3A_122 = tpu.memref_slice %arg19[%add3A_30, %dma_start3A_121] : memref<10240x64xf32, #tpu.memory_space<vmem_shared>> -> memref<128x64xf32, #tpu.memory_space<vmem_shared>>
      tpu.enqueue_dma source(%dma_start3A_122 : memref<128x64xf32, #tpu.memory_space<vmem_shared>>) target(%arg17 : memref<128x64xf32, #tpu.memory_space<vmem>>) target_semaphore(%run_scoped3A_118 : memref<!tpu.dma_semaphore, #tpu.memory_space<semaphore_mem>>)
      %dma_wait3A = arith.constant 0 : i32
      %dma_wait3A_123 = tpu.memref_slice %arg19[%add3A_30, %dma_wait3A] : memref<10240x64xf32, #tpu.memory_space<vmem_shared>> -> memref<128x64xf32, #tpu.memory_space<vmem_shared>>
      %dma_wait3A_124 = arith.constant 0 : i32
      %dma_wait3A_125 = tpu.memref_slice %arg19[%add3A_30, %dma_wait3A_124] : memref<10240x64xf32, #tpu.memory_space<vmem_shared>> -> memref<128x64xf32, #tpu.memory_space<vmem_shared>>
      tpu.wait_dma2 semaphore(%run_scoped3A_118 : memref<!tpu.dma_semaphore, #tpu.memory_space<semaphore_mem>>) src(%dma_wait3A_125 : memref<128x64xf32, #tpu.memory_space<vmem_shared>>) dst(%arg17 : memref<128x64xf32, #tpu.memory_space<vmem>>)
      tpu.yield
    }) : () -> ()
    %mul3A_31 = arith.constant 10240 : i32
    %mul3A_32 = arith.muli %arg0, %mul3A_31 : i32
    %add3A_33 = arith.addi %mul3A_32, %mul3A_0 : i32
    %add3A_34 = arith.constant 128 : i32
    %add3A_35 = arith.addi %add3A_33, %add3A_34 : i32
    "tpu.region"() ({
      %run_scoped3A_118 = tpu.sem_alloc : memref<!tpu.dma_semaphore, #tpu.memory_space<semaphore_mem>>
      %dma_start3A_119 = arith.constant 0 : i32
      %dma_start3A_120 = tpu.memref_slice %arg8[%add3A_35, %dma_start3A_119] : memref<20480x64xf32, #tpu.memory_space<hbm>> -> memref<128x64xf32, #tpu.memory_space<hbm>>
      %dma_start3A_121 = arith.constant 0 : i32
      %dma_start3A_122 = tpu.memref_slice %arg8[%add3A_35, %dma_start3A_121] : memref<20480x64xf32, #tpu.memory_space<hbm>> -> memref<128x64xf32, #tpu.memory_space<hbm>>
      tpu.enqueue_dma source(%arg17 : memref<128x64xf32, #tpu.memory_space<vmem>>) target(%dma_start3A_122 : memref<128x64xf32, #tpu.memory_space<hbm>>) target_semaphore(%run_scoped3A_118 : memref<!tpu.dma_semaphore, #tpu.memory_space<semaphore_mem>>)
      %dma_wait3A = arith.constant 0 : i32
      %dma_wait3A_123 = tpu.memref_slice %arg8[%add3A_35, %dma_wait3A] : memref<20480x64xf32, #tpu.memory_space<hbm>> -> memref<128x64xf32, #tpu.memory_space<hbm>>
      %dma_wait3A_124 = arith.constant 0 : i32
      %dma_wait3A_125 = tpu.memref_slice %arg8[%add3A_35, %dma_wait3A_124] : memref<20480x64xf32, #tpu.memory_space<hbm>> -> memref<128x64xf32, #tpu.memory_space<hbm>>
      tpu.wait_dma2 semaphore(%run_scoped3A_118 : memref<!tpu.dma_semaphore, #tpu.memory_space<semaphore_mem>>) src(%arg17 : memref<128x64xf32, #tpu.memory_space<vmem>>) dst(%dma_wait3A_125 : memref<128x64xf32, #tpu.memory_space<hbm>>)
      tpu.yield
    }) : () -> ()
    %add3A_36 = arith.constant 256 : i32
    %add3A_37 = arith.addi %mul3A_0, %add3A_36 : i32
    "tpu.region"() ({
      %run_scoped3A_118 = tpu.sem_alloc : memref<!tpu.dma_semaphore, #tpu.memory_space<semaphore_mem>>
      %dma_start3A_119 = arith.constant 0 : i32
      %dma_start3A_120 = tpu.memref_slice %arg19[%add3A_37, %dma_start3A_119] : memref<10240x64xf32, #tpu.memory_space<vmem_shared>> -> memref<128x64xf32, #tpu.memory_space<vmem_shared>>
      %dma_start3A_121 = arith.constant 0 : i32
      %dma_start3A_122 = tpu.memref_slice %arg19[%add3A_37, %dma_start3A_121] : memref<10240x64xf32, #tpu.memory_space<vmem_shared>> -> memref<128x64xf32, #tpu.memory_space<vmem_shared>>
      tpu.enqueue_dma source(%dma_start3A_122 : memref<128x64xf32, #tpu.memory_space<vmem_shared>>) target(%arg17 : memref<128x64xf32, #tpu.memory_space<vmem>>) target_semaphore(%run_scoped3A_118 : memref<!tpu.dma_semaphore, #tpu.memory_space<semaphore_mem>>)
      %dma_wait3A = arith.constant 0 : i32
      %dma_wait3A_123 = tpu.memref_slice %arg19[%add3A_37, %dma_wait3A] : memref<10240x64xf32, #tpu.memory_space<vmem_shared>> -> memref<128x64xf32, #tpu.memory_space<vmem_shared>>
      %dma_wait3A_124 = arith.constant 0 : i32
      %dma_wait3A_125 = tpu.memref_slice %arg19[%add3A_37, %dma_wait3A_124] : memref<10240x64xf32, #tpu.memory_space<vmem_shared>> -> memref<128x64xf32, #tpu.memory_space<vmem_shared>>
      tpu.wait_dma2 semaphore(%run_scoped3A_118 : memref<!tpu.dma_semaphore, #tpu.memory_space<semaphore_mem>>) src(%dma_wait3A_125 : memref<128x64xf32, #tpu.memory_space<vmem_shared>>) dst(%arg17 : memref<128x64xf32, #tpu.memory_space<vmem>>)
      tpu.yield
    }) : () -> ()
    %mul3A_38 = arith.constant 10240 : i32
    %mul3A_39 = arith.muli %arg0, %mul3A_38 : i32
    %add3A_40 = arith.addi %mul3A_39, %mul3A_0 : i32
    %add3A_41 = arith.constant 256 : i32
    %add3A_42 = arith.addi %add3A_40, %add3A_41 : i32
    "tpu.region"() ({
      %run_scoped3A_118 = tpu.sem_alloc : memref<!tpu.dma_semaphore, #tpu.memory_space<semaphore_mem>>
      %dma_start3A_119 = arith.constant 0 : i32
      %dma_start3A_120 = tpu.memref_slice %arg8[%add3A_42, %dma_start3A_119] : memref<20480x64xf32, #tpu.memory_space<hbm>> -> memref<128x64xf32, #tpu.memory_space<hbm>>
      %dma_start3A_121 = arith.constant 0 : i32
      %dma_start3A_122 = tpu.memref_slice %arg8[%add3A_42, %dma_start3A_121] : memref<20480x64xf32, #tpu.memory_space<hbm>> -> memref<128x64xf32, #tpu.memory_space<hbm>>
      tpu.enqueue_dma source(%arg17 : memref<128x64xf32, #tpu.memory_space<vmem>>) target(%dma_start3A_122 : memref<128x64xf32, #tpu.memory_space<hbm>>) target_semaphore(%run_scoped3A_118 : memref<!tpu.dma_semaphore, #tpu.memory_space<semaphore_mem>>)
      %dma_wait3A = arith.constant 0 : i32
      %dma_wait3A_123 = tpu.memref_slice %arg8[%add3A_42, %dma_wait3A] : memref<20480x64xf32, #tpu.memory_space<hbm>> -> memref<128x64xf32, #tpu.memory_space<hbm>>
      %dma_wait3A_124 = arith.constant 0 : i32
      %dma_wait3A_125 = tpu.memref_slice %arg8[%add3A_42, %dma_wait3A_124] : memref<20480x64xf32, #tpu.memory_space<hbm>> -> memref<128x64xf32, #tpu.memory_space<hbm>>
      tpu.wait_dma2 semaphore(%run_scoped3A_118 : memref<!tpu.dma_semaphore, #tpu.memory_space<semaphore_mem>>) src(%arg17 : memref<128x64xf32, #tpu.memory_space<vmem>>) dst(%dma_wait3A_125 : memref<128x64xf32, #tpu.memory_space<hbm>>)
      tpu.yield
    }) : () -> ()
    %add3A_43 = arith.constant 384 : i32
    %add3A_44 = arith.addi %mul3A_0, %add3A_43 : i32
    "tpu.region"() ({
      %run_scoped3A_118 = tpu.sem_alloc : memref<!tpu.dma_semaphore, #tpu.memory_space<semaphore_mem>>
      %dma_start3A_119 = arith.constant 0 : i32
      %dma_start3A_120 = tpu.memref_slice %arg19[%add3A_44, %dma_start3A_119] : memref<10240x64xf32, #tpu.memory_space<vmem_shared>> -> memref<128x64xf32, #tpu.memory_space<vmem_shared>>
      %dma_start3A_121 = arith.constant 0 : i32
      %dma_start3A_122 = tpu.memref_slice %arg19[%add3A_44, %dma_start3A_121] : memref<10240x64xf32, #tpu.memory_space<vmem_shared>> -> memref<128x64xf32, #tpu.memory_space<vmem_shared>>
      tpu.enqueue_dma source(%dma_start3A_122 : memref<128x64xf32, #tpu.memory_space<vmem_shared>>) target(%arg17 : memref<128x64xf32, #tpu.memory_space<vmem>>) target_semaphore(%run_scoped3A_118 : memref<!tpu.dma_semaphore, #tpu.memory_space<semaphore_mem>>)
      %dma_wait3A = arith.constant 0 : i32
      %dma_wait3A_123 = tpu.memref_slice %arg19[%add3A_44, %dma_wait3A] : memref<10240x64xf32, #tpu.memory_space<vmem_shared>> -> memref<128x64xf32, #tpu.memory_space<vmem_shared>>
      %dma_wait3A_124 = arith.constant 0 : i32
      %dma_wait3A_125 = tpu.memref_slice %arg19[%add3A_44, %dma_wait3A_124] : memref<10240x64xf32, #tpu.memory_space<vmem_shared>> -> memref<128x64xf32, #tpu.memory_space<vmem_shared>>
      tpu.wait_dma2 semaphore(%run_scoped3A_118 : memref<!tpu.dma_semaphore, #tpu.memory_space<semaphore_mem>>) src(%dma_wait3A_125 : memref<128x64xf32, #tpu.memory_space<vmem_shared>>) dst(%arg17 : memref<128x64xf32, #tpu.memory_space<vmem>>)
      tpu.yield
    }) : () -> ()
    %mul3A_45 = arith.constant 10240 : i32
    %mul3A_46 = arith.muli %arg0, %mul3A_45 : i32
    %add3A_47 = arith.addi %mul3A_46, %mul3A_0 : i32
    %add3A_48 = arith.constant 384 : i32
    %add3A_49 = arith.addi %add3A_47, %add3A_48 : i32
    "tpu.region"() ({
      %run_scoped3A_118 = tpu.sem_alloc : memref<!tpu.dma_semaphore, #tpu.memory_space<semaphore_mem>>
      %dma_start3A_119 = arith.constant 0 : i32
      %dma_start3A_120 = tpu.memref_slice %arg8[%add3A_49, %dma_start3A_119] : memref<20480x64xf32, #tpu.memory_space<hbm>> -> memref<128x64xf32, #tpu.memory_space<hbm>>
      %dma_start3A_121 = arith.constant 0 : i32
      %dma_start3A_122 = tpu.memref_slice %arg8[%add3A_49, %dma_start3A_121] : memref<20480x64xf32, #tpu.memory_space<hbm>> -> memref<128x64xf32, #tpu.memory_space<hbm>>
      tpu.enqueue_dma source(%arg17 : memref<128x64xf32, #tpu.memory_space<vmem>>) target(%dma_start3A_122 : memref<128x64xf32, #tpu.memory_space<hbm>>) target_semaphore(%run_scoped3A_118 : memref<!tpu.dma_semaphore, #tpu.memory_space<semaphore_mem>>)
      %dma_wait3A = arith.constant 0 : i32
      %dma_wait3A_123 = tpu.memref_slice %arg8[%add3A_49, %dma_wait3A] : memref<20480x64xf32, #tpu.memory_space<hbm>> -> memref<128x64xf32, #tpu.memory_space<hbm>>
      %dma_wait3A_124 = arith.constant 0 : i32
      %dma_wait3A_125 = tpu.memref_slice %arg8[%add3A_49, %dma_wait3A_124] : memref<20480x64xf32, #tpu.memory_space<hbm>> -> memref<128x64xf32, #tpu.memory_space<hbm>>
      tpu.wait_dma2 semaphore(%run_scoped3A_118 : memref<!tpu.dma_semaphore, #tpu.memory_space<semaphore_mem>>) src(%arg17 : memref<128x64xf32, #tpu.memory_space<vmem>>) dst(%dma_wait3A_125 : memref<128x64xf32, #tpu.memory_space<hbm>>)
      tpu.yield
    }) : () -> ()
    %add3A_50 = arith.constant 512 : i32
    %add3A_51 = arith.addi %mul3A_0, %add3A_50 : i32
    "tpu.region"() ({
      %run_scoped3A_118 = tpu.sem_alloc : memref<!tpu.dma_semaphore, #tpu.memory_space<semaphore_mem>>
      %dma_start3A_119 = arith.constant 0 : i32
      %dma_start3A_120 = tpu.memref_slice %arg19[%add3A_51, %dma_start3A_119] : memref<10240x64xf32, #tpu.memory_space<vmem_shared>> -> memref<128x64xf32, #tpu.memory_space<vmem_shared>>
      %dma_start3A_121 = arith.constant 0 : i32
      %dma_start3A_122 = tpu.memref_slice %arg19[%add3A_51, %dma_start3A_121] : memref<10240x64xf32, #tpu.memory_space<vmem_shared>> -> memref<128x64xf32, #tpu.memory_space<vmem_shared>>
      tpu.enqueue_dma source(%dma_start3A_122 : memref<128x64xf32, #tpu.memory_space<vmem_shared>>) target(%arg17 : memref<128x64xf32, #tpu.memory_space<vmem>>) target_semaphore(%run_scoped3A_118 : memref<!tpu.dma_semaphore, #tpu.memory_space<semaphore_mem>>)
      %dma_wait3A = arith.constant 0 : i32
      %dma_wait3A_123 = tpu.memref_slice %arg19[%add3A_51, %dma_wait3A] : memref<10240x64xf32, #tpu.memory_space<vmem_shared>> -> memref<128x64xf32, #tpu.memory_space<vmem_shared>>
      %dma_wait3A_124 = arith.constant 0 : i32
      %dma_wait3A_125 = tpu.memref_slice %arg19[%add3A_51, %dma_wait3A_124] : memref<10240x64xf32, #tpu.memory_space<vmem_shared>> -> memref<128x64xf32, #tpu.memory_space<vmem_shared>>
      tpu.wait_dma2 semaphore(%run_scoped3A_118 : memref<!tpu.dma_semaphore, #tpu.memory_space<semaphore_mem>>) src(%dma_wait3A_125 : memref<128x64xf32, #tpu.memory_space<vmem_shared>>) dst(%arg17 : memref<128x64xf32, #tpu.memory_space<vmem>>)
      tpu.yield
    }) : () -> ()
    %mul3A_52 = arith.constant 10240 : i32
    %mul3A_53 = arith.muli %arg0, %mul3A_52 : i32
    %add3A_54 = arith.addi %mul3A_53, %mul3A_0 : i32
    %add3A_55 = arith.constant 512 : i32
    %add3A_56 = arith.addi %add3A_54, %add3A_55 : i32
    "tpu.region"() ({
      %run_scoped3A_118 = tpu.sem_alloc : memref<!tpu.dma_semaphore, #tpu.memory_space<semaphore_mem>>
      %dma_start3A_119 = arith.constant 0 : i32
      %dma_start3A_120 = tpu.memref_slice %arg8[%add3A_56, %dma_start3A_119] : memref<20480x64xf32, #tpu.memory_space<hbm>> -> memref<128x64xf32, #tpu.memory_space<hbm>>
      %dma_start3A_121 = arith.constant 0 : i32
      %dma_start3A_122 = tpu.memref_slice %arg8[%add3A_56, %dma_start3A_121] : memref<20480x64xf32, #tpu.memory_space<hbm>> -> memref<128x64xf32, #tpu.memory_space<hbm>>
      tpu.enqueue_dma source(%arg17 : memref<128x64xf32, #tpu.memory_space<vmem>>) target(%dma_start3A_122 : memref<128x64xf32, #tpu.memory_space<hbm>>) target_semaphore(%run_scoped3A_118 : memref<!tpu.dma_semaphore, #tpu.memory_space<semaphore_mem>>)
      %dma_wait3A = arith.constant 0 : i32
      %dma_wait3A_123 = tpu.memref_slice %arg8[%add3A_56, %dma_wait3A] : memref<20480x64xf32, #tpu.memory_space<hbm>> -> memref<128x64xf32, #tpu.memory_space<hbm>>
      %dma_wait3A_124 = arith.constant 0 : i32
      %dma_wait3A_125 = tpu.memref_slice %arg8[%add3A_56, %dma_wait3A_124] : memref<20480x64xf32, #tpu.memory_space<hbm>> -> memref<128x64xf32, #tpu.memory_space<hbm>>
      tpu.wait_dma2 semaphore(%run_scoped3A_118 : memref<!tpu.dma_semaphore, #tpu.memory_space<semaphore_mem>>) src(%arg17 : memref<128x64xf32, #tpu.memory_space<vmem>>) dst(%dma_wait3A_125 : memref<128x64xf32, #tpu.memory_space<hbm>>)
      tpu.yield
    }) : () -> ()
    %run_scoped3A_57 = arith.constant 1 : i32
    "tpu.region"() ({
      %run_scoped3A_118 = tpu.sem_alloc : memref<!tpu.dma_semaphore, #tpu.memory_space<semaphore_mem>>
      %dma_start3A_119 = arith.constant 0 : i32
      %dma_start3A_120 = arith.constant 0 : i32
      %dma_start3A_121 = tpu.memref_slice %arg3[%run_scoped3A_57, %arg0, %arg1, %dma_start3A_119, %dma_start3A_120] : memref<2x2x16x158x128xi32, #tpu.memory_space<hbm>> -> memref<1x1x1x158x128xi32, #tpu.memory_space<hbm>>
      %dma_start3A_122 = tpu.memref_squeeze %dma_start3A_121 : memref<1x1x1x158x128xi32, #tpu.memory_space<hbm>> -> memref<158x128xi32, #tpu.memory_space<hbm>>
      %dma_start3A_123 = arith.constant 0 : i32
      %dma_start3A_124 = arith.constant 0 : i32
      %dma_start3A_125 = tpu.memref_slice %arg3[%run_scoped3A_57, %arg0, %arg1, %dma_start3A_123, %dma_start3A_124] : memref<2x2x16x158x128xi32, #tpu.memory_space<hbm>> -> memref<1x1x1x158x128xi32, #tpu.memory_space<hbm>>
      %dma_start3A_126 = tpu.memref_squeeze %dma_start3A_125 : memref<1x1x1x158x128xi32, #tpu.memory_space<hbm>> -> memref<158x128xi32, #tpu.memory_space<hbm>>
      tpu.enqueue_dma source(%dma_start3A_126 : memref<158x128xi32, #tpu.memory_space<hbm>>) target(%arg10 : memref<158x128xi32, #tpu.memory_space<vmem>>) target_semaphore(%run_scoped3A_118 : memref<!tpu.dma_semaphore, #tpu.memory_space<semaphore_mem>>)
      %dma_wait3A = arith.constant 0 : i32
      %dma_wait3A_127 = arith.constant 0 : i32
      %dma_wait3A_128 = tpu.memref_slice %arg3[%run_scoped3A_57, %arg0, %arg1, %dma_wait3A, %dma_wait3A_127] : memref<2x2x16x158x128xi32, #tpu.memory_space<hbm>> -> memref<1x1x1x158x128xi32, #tpu.memory_space<hbm>>
      %dma_wait3A_129 = tpu.memref_squeeze %dma_wait3A_128 : memref<1x1x1x158x128xi32, #tpu.memory_space<hbm>> -> memref<158x128xi32, #tpu.memory_space<hbm>>
      %dma_wait3A_130 = arith.constant 0 : i32
      %dma_wait3A_131 = arith.constant 0 : i32
      %dma_wait3A_132 = tpu.memref_slice %arg3[%run_scoped3A_57, %arg0, %arg1, %dma_wait3A_130, %dma_wait3A_131] : memref<2x2x16x158x128xi32, #tpu.memory_space<hbm>> -> memref<1x1x1x158x128xi32, #tpu.memory_space<hbm>>
      %dma_wait3A_133 = tpu.memref_squeeze %dma_wait3A_132 : memref<1x1x1x158x128xi32, #tpu.memory_space<hbm>> -> memref<158x128xi32, #tpu.memory_space<hbm>>
      tpu.wait_dma2 semaphore(%run_scoped3A_118 : memref<!tpu.dma_semaphore, #tpu.memory_space<semaphore_mem>>) src(%dma_wait3A_133 : memref<158x128xi32, #tpu.memory_space<hbm>>) dst(%arg10 : memref<158x128xi32, #tpu.memory_space<vmem>>)
      tpu.yield
    }) : () -> ()
    %add3A_58 = arith.constant 0 : i32
    %add3A_59 = arith.addi %mul3A_0, %add3A_58 : i32
    "tpu.region"() ({
      %run_scoped3A_118 = tpu.sem_alloc : memref<!tpu.dma_semaphore, #tpu.memory_space<semaphore_mem>>
      %dma_start3A_119 = arith.constant 0 : i32
      %dma_start3A_120 = tpu.memref_slice %arg19[%add3A_59, %dma_start3A_119] : memref<10240x64xf32, #tpu.memory_space<vmem_shared>> -> memref<128x64xf32, #tpu.memory_space<vmem_shared>>
      %dma_start3A_121 = arith.constant 0 : i32
      %dma_start3A_122 = tpu.memref_slice %arg19[%add3A_59, %dma_start3A_121] : memref<10240x64xf32, #tpu.memory_space<vmem_shared>> -> memref<128x64xf32, #tpu.memory_space<vmem_shared>>
      tpu.enqueue_dma source(%arg15 : memref<128x64xf32, #tpu.memory_space<vmem>>) target(%dma_start3A_122 : memref<128x64xf32, #tpu.memory_space<vmem_shared>>) target_semaphore(%run_scoped3A_118 : memref<!tpu.dma_semaphore, #tpu.memory_space<semaphore_mem>>)
      %dma_wait3A = arith.constant 0 : i32
      %dma_wait3A_123 = tpu.memref_slice %arg19[%add3A_59, %dma_wait3A] : memref<10240x64xf32, #tpu.memory_space<vmem_shared>> -> memref<128x64xf32, #tpu.memory_space<vmem_shared>>
      %dma_wait3A_124 = arith.constant 0 : i32
      %dma_wait3A_125 = tpu.memref_slice %arg19[%add3A_59, %dma_wait3A_124] : memref<10240x64xf32, #tpu.memory_space<vmem_shared>> -> memref<128x64xf32, #tpu.memory_space<vmem_shared>>
      tpu.wait_dma2 semaphore(%run_scoped3A_118 : memref<!tpu.dma_semaphore, #tpu.memory_space<semaphore_mem>>) src(%arg15 : memref<128x64xf32, #tpu.memory_space<vmem>>) dst(%dma_wait3A_125 : memref<128x64xf32, #tpu.memory_space<vmem_shared>>)
      tpu.yield
    }) : () -> ()
    %add3A_60 = arith.constant 128 : i32
    %add3A_61 = arith.addi %mul3A_0, %add3A_60 : i32
    "tpu.region"() ({
      %run_scoped3A_118 = tpu.sem_alloc : memref<!tpu.dma_semaphore, #tpu.memory_space<semaphore_mem>>
      %dma_start3A_119 = arith.constant 0 : i32
      %dma_start3A_120 = tpu.memref_slice %arg19[%add3A_61, %dma_start3A_119] : memref<10240x64xf32, #tpu.memory_space<vmem_shared>> -> memref<128x64xf32, #tpu.memory_space<vmem_shared>>
      %dma_start3A_121 = arith.constant 0 : i32
      %dma_start3A_122 = tpu.memref_slice %arg19[%add3A_61, %dma_start3A_121] : memref<10240x64xf32, #tpu.memory_space<vmem_shared>> -> memref<128x64xf32, #tpu.memory_space<vmem_shared>>
      tpu.enqueue_dma source(%arg15 : memref<128x64xf32, #tpu.memory_space<vmem>>) target(%dma_start3A_122 : memref<128x64xf32, #tpu.memory_space<vmem_shared>>) target_semaphore(%run_scoped3A_118 : memref<!tpu.dma_semaphore, #tpu.memory_space<semaphore_mem>>)
      %dma_wait3A = arith.constant 0 : i32
      %dma_wait3A_123 = tpu.memref_slice %arg19[%add3A_61, %dma_wait3A] : memref<10240x64xf32, #tpu.memory_space<vmem_shared>> -> memref<128x64xf32, #tpu.memory_space<vmem_shared>>
      %dma_wait3A_124 = arith.constant 0 : i32
      %dma_wait3A_125 = tpu.memref_slice %arg19[%add3A_61, %dma_wait3A_124] : memref<10240x64xf32, #tpu.memory_space<vmem_shared>> -> memref<128x64xf32, #tpu.memory_space<vmem_shared>>
      tpu.wait_dma2 semaphore(%run_scoped3A_118 : memref<!tpu.dma_semaphore, #tpu.memory_space<semaphore_mem>>) src(%arg15 : memref<128x64xf32, #tpu.memory_space<vmem>>) dst(%dma_wait3A_125 : memref<128x64xf32, #tpu.memory_space<vmem_shared>>)
      tpu.yield
    }) : () -> ()
    %add3A_62 = arith.constant 256 : i32
    %add3A_63 = arith.addi %mul3A_0, %add3A_62 : i32
    "tpu.region"() ({
      %run_scoped3A_118 = tpu.sem_alloc : memref<!tpu.dma_semaphore, #tpu.memory_space<semaphore_mem>>
      %dma_start3A_119 = arith.constant 0 : i32
      %dma_start3A_120 = tpu.memref_slice %arg19[%add3A_63, %dma_start3A_119] : memref<10240x64xf32, #tpu.memory_space<vmem_shared>> -> memref<128x64xf32, #tpu.memory_space<vmem_shared>>
      %dma_start3A_121 = arith.constant 0 : i32
      %dma_start3A_122 = tpu.memref_slice %arg19[%add3A_63, %dma_start3A_121] : memref<10240x64xf32, #tpu.memory_space<vmem_shared>> -> memref<128x64xf32, #tpu.memory_space<vmem_shared>>
      tpu.enqueue_dma source(%arg15 : memref<128x64xf32, #tpu.memory_space<vmem>>) target(%dma_start3A_122 : memref<128x64xf32, #tpu.memory_space<vmem_shared>>) target_semaphore(%run_scoped3A_118 : memref<!tpu.dma_semaphore, #tpu.memory_space<semaphore_mem>>)
      %dma_wait3A = arith.constant 0 : i32
      %dma_wait3A_123 = tpu.memref_slice %arg19[%add3A_63, %dma_wait3A] : memref<10240x64xf32, #tpu.memory_space<vmem_shared>> -> memref<128x64xf32, #tpu.memory_space<vmem_shared>>
      %dma_wait3A_124 = arith.constant 0 : i32
      %dma_wait3A_125 = tpu.memref_slice %arg19[%add3A_63, %dma_wait3A_124] : memref<10240x64xf32, #tpu.memory_space<vmem_shared>> -> memref<128x64xf32, #tpu.memory_space<vmem_shared>>
      tpu.wait_dma2 semaphore(%run_scoped3A_118 : memref<!tpu.dma_semaphore, #tpu.memory_space<semaphore_mem>>) src(%arg15 : memref<128x64xf32, #tpu.memory_space<vmem>>) dst(%dma_wait3A_125 : memref<128x64xf32, #tpu.memory_space<vmem_shared>>)
      tpu.yield
    }) : () -> ()
    %add3A_64 = arith.constant 384 : i32
    %add3A_65 = arith.addi %mul3A_0, %add3A_64 : i32
    "tpu.region"() ({
      %run_scoped3A_118 = tpu.sem_alloc : memref<!tpu.dma_semaphore, #tpu.memory_space<semaphore_mem>>
      %dma_start3A_119 = arith.constant 0 : i32
      %dma_start3A_120 = tpu.memref_slice %arg19[%add3A_65, %dma_start3A_119] : memref<10240x64xf32, #tpu.memory_space<vmem_shared>> -> memref<128x64xf32, #tpu.memory_space<vmem_shared>>
      %dma_start3A_121 = arith.constant 0 : i32
      %dma_start3A_122 = tpu.memref_slice %arg19[%add3A_65, %dma_start3A_121] : memref<10240x64xf32, #tpu.memory_space<vmem_shared>> -> memref<128x64xf32, #tpu.memory_space<vmem_shared>>
      tpu.enqueue_dma source(%arg15 : memref<128x64xf32, #tpu.memory_space<vmem>>) target(%dma_start3A_122 : memref<128x64xf32, #tpu.memory_space<vmem_shared>>) target_semaphore(%run_scoped3A_118 : memref<!tpu.dma_semaphore, #tpu.memory_space<semaphore_mem>>)
      %dma_wait3A = arith.constant 0 : i32
      %dma_wait3A_123 = tpu.memref_slice %arg19[%add3A_65, %dma_wait3A] : memref<10240x64xf32, #tpu.memory_space<vmem_shared>> -> memref<128x64xf32, #tpu.memory_space<vmem_shared>>
      %dma_wait3A_124 = arith.constant 0 : i32
      %dma_wait3A_125 = tpu.memref_slice %arg19[%add3A_65, %dma_wait3A_124] : memref<10240x64xf32, #tpu.memory_space<vmem_shared>> -> memref<128x64xf32, #tpu.memory_space<vmem_shared>>
      tpu.wait_dma2 semaphore(%run_scoped3A_118 : memref<!tpu.dma_semaphore, #tpu.memory_space<semaphore_mem>>) src(%arg15 : memref<128x64xf32, #tpu.memory_space<vmem>>) dst(%dma_wait3A_125 : memref<128x64xf32, #tpu.memory_space<vmem_shared>>)
      tpu.yield
    }) : () -> ()
    %add3A_66 = arith.constant 512 : i32
    %add3A_67 = arith.addi %mul3A_0, %add3A_66 : i32
    "tpu.region"() ({
      %run_scoped3A_118 = tpu.sem_alloc : memref<!tpu.dma_semaphore, #tpu.memory_space<semaphore_mem>>
      %dma_start3A_119 = arith.constant 0 : i32
      %dma_start3A_120 = tpu.memref_slice %arg19[%add3A_67, %dma_start3A_119] : memref<10240x64xf32, #tpu.memory_space<vmem_shared>> -> memref<128x64xf32, #tpu.memory_space<vmem_shared>>
      %dma_start3A_121 = arith.constant 0 : i32
      %dma_start3A_122 = tpu.memref_slice %arg19[%add3A_67, %dma_start3A_121] : memref<10240x64xf32, #tpu.memory_space<vmem_shared>> -> memref<128x64xf32, #tpu.memory_space<vmem_shared>>
      tpu.enqueue_dma source(%arg15 : memref<128x64xf32, #tpu.memory_space<vmem>>) target(%dma_start3A_122 : memref<128x64xf32, #tpu.memory_space<vmem_shared>>) target_semaphore(%run_scoped3A_118 : memref<!tpu.dma_semaphore, #tpu.memory_space<semaphore_mem>>)
      %dma_wait3A = arith.constant 0 : i32
      %dma_wait3A_123 = tpu.memref_slice %arg19[%add3A_67, %dma_wait3A] : memref<10240x64xf32, #tpu.memory_space<vmem_shared>> -> memref<128x64xf32, #tpu.memory_space<vmem_shared>>
      %dma_wait3A_124 = arith.constant 0 : i32
      %dma_wait3A_125 = tpu.memref_slice %arg19[%add3A_67, %dma_wait3A_124] : memref<10240x64xf32, #tpu.memory_space<vmem_shared>> -> memref<128x64xf32, #tpu.memory_space<vmem_shared>>
      tpu.wait_dma2 semaphore(%run_scoped3A_118 : memref<!tpu.dma_semaphore, #tpu.memory_space<semaphore_mem>>) src(%arg15 : memref<128x64xf32, #tpu.memory_space<vmem>>) dst(%dma_wait3A_125 : memref<128x64xf32, #tpu.memory_space<vmem_shared>>)
      tpu.yield
    }) : () -> ()
    %barrier3A_68 = arith.constant 0 : index
    tpu.barrier barrier_id(%barrier3A_68)
    %dma_start3A_69 = arith.constant 0 : i32
    %dma_start3A_70 = arith.constant 0 : i32
    %dma_start3A_71 = tpu.memref_slice %arg10[%dma_start3A_69, %dma_start3A_70] : memref<158x128xi32, #tpu.memory_space<vmem>> -> memref<1x128xi32, #tpu.memory_space<vmem>>
    %dma_start3A_72 = tpu.memref_squeeze %dma_start3A_71 : memref<1x128xi32, #tpu.memory_space<vmem>> -> memref<128xi32, #tpu.memory_space<vmem>>
    %dma_start3A_73 = arith.constant 0 : i32
    %dma_start3A_74 = arith.constant 0 : i32
    %dma_start3A_75 = tpu.memref_slice %arg2[%dma_start3A_73, %dma_start3A_74] : memref<40960x64xf32, #tpu.memory_space<hbm>> -> memref<40960x64xf32, #tpu.memory_space<hbm>>
    tpu.enqueue_indirect_dma source(%dma_start3A_75 : memref<40960x64xf32, #tpu.memory_space<hbm>>) target(%arg12 : memref<128x64xf32, #tpu.memory_space<vmem>>) offsets(%dma_start3A_72 : memref<128xi32, #tpu.memory_space<vmem>>) semaphore(%arg21 : memref<!tpu.dma_semaphore, #tpu.memory_space<semaphore_mem>>)
    %scan3A_76 = arith.constant 0 : i32
    %scan3A_77 = arith.constant 0 : i32
    %scan3A_78 = arith.constant 79 : i32
    %scan3A_79 = arith.addi %scan3A_77, %scan3A_78 : i32
    %scan3A_80 = arith.constant 1 : i32
    scf.for %scan3A_118 = %scan3A_77 to %scan3A_79 step %scan3A_80  : i32 {
      %mul3A_119 = arith.constant 2 : i32
      %mul3A_120 = arith.muli %mul3A_119, %scan3A_118 : i32
      %add3A_121 = arith.constant 1 : i32
      %add3A_122 = arith.addi %mul3A_120, %add3A_121 : i32
      %dma_start3A_123 = arith.constant 0 : i32
      %dma_start3A_124 = tpu.memref_slice %arg10[%add3A_122, %dma_start3A_123] : memref<158x128xi32, #tpu.memory_space<vmem>> -> memref<1x128xi32, #tpu.memory_space<vmem>>
      %dma_start3A_125 = tpu.memref_squeeze %dma_start3A_124 : memref<1x128xi32, #tpu.memory_space<vmem>> -> memref<128xi32, #tpu.memory_space<vmem>>
      %dma_start3A_126 = arith.constant 0 : i32
      %dma_start3A_127 = arith.constant 0 : i32
      %dma_start3A_128 = tpu.memref_slice %arg2[%dma_start3A_126, %dma_start3A_127] : memref<40960x64xf32, #tpu.memory_space<hbm>> -> memref<40960x64xf32, #tpu.memory_space<hbm>>
      tpu.enqueue_indirect_dma source(%dma_start3A_128 : memref<40960x64xf32, #tpu.memory_space<hbm>>) target(%arg13 : memref<128x64xf32, #tpu.memory_space<vmem>>) offsets(%dma_start3A_125 : memref<128xi32, #tpu.memory_space<vmem>>) semaphore(%arg22 : memref<!tpu.dma_semaphore, #tpu.memory_space<semaphore_mem>>)
      %dma_wait3A = arith.constant 0 : i32
      %dma_wait3A_129 = arith.constant 0 : i32
      %dma_wait3A_130 = tpu.memref_slice %arg2[%dma_wait3A, %dma_wait3A_129] : memref<40960x64xf32, #tpu.memory_space<hbm>> -> memref<128x64xf32, #tpu.memory_space<hbm>>
      %dma_wait3A_131 = arith.constant 0 : i32
      %dma_wait3A_132 = arith.constant 0 : i32
      %dma_wait3A_133 = tpu.memref_slice %arg2[%dma_wait3A_131, %dma_wait3A_132] : memref<40960x64xf32, #tpu.memory_space<hbm>> -> memref<128x64xf32, #tpu.memory_space<hbm>>
      tpu.wait_dma2 semaphore(%arg21 : memref<!tpu.dma_semaphore, #tpu.memory_space<semaphore_mem>>) src(%dma_wait3A_133 : memref<128x64xf32, #tpu.memory_space<hbm>>) dst(%arg12 : memref<128x64xf32, #tpu.memory_space<vmem>>)
      "tpu.region"() ({
        %run_scoped3A_146 = tpu.sem_alloc : memref<!tpu.dma_semaphore, #tpu.memory_space<semaphore_mem>>
        %dma_start3A_147 = arith.constant 0 : i32
        %dma_start3A_148 = tpu.memref_slice %arg11[%mul3A_120, %dma_start3A_147] : memref<158x128xi32, #tpu.memory_space<vmem>> -> memref<1x128xi32, #tpu.memory_space<vmem>>
        %dma_start3A_149 = tpu.memref_squeeze %dma_start3A_148 : memref<1x128xi32, #tpu.memory_space<vmem>> -> memref<128xi32, #tpu.memory_space<vmem>>
        %dma_start3A_150 = arith.constant 0 : i32
        %dma_start3A_151 = arith.constant 0 : i32
        %dma_start3A_152 = tpu.memref_slice %arg19[%dma_start3A_150, %dma_start3A_151] : memref<10240x64xf32, #tpu.memory_space<vmem_shared>> -> memref<10240x64xf32, #tpu.memory_space<vmem_shared>>
        tpu.enqueue_indirect_dma source(%arg12 : memref<128x64xf32, #tpu.memory_space<vmem>>) target(%dma_start3A_152 : memref<10240x64xf32, #tpu.memory_space<vmem_shared>>) offsets(%dma_start3A_149 : memref<128xi32, #tpu.memory_space<vmem>>) semaphore(%run_scoped3A_146 : memref<!tpu.dma_semaphore, #tpu.memory_space<semaphore_mem>>) {add = true}
        %dma_wait3A_153 = arith.constant 0 : i32
        %dma_wait3A_154 = tpu.memref_slice %arg11[%mul3A_120, %dma_wait3A_153] : memref<158x128xi32, #tpu.memory_space<vmem>> -> memref<1x128xi32, #tpu.memory_space<vmem>>
        %dma_wait3A_155 = tpu.memref_squeeze %dma_wait3A_154 : memref<1x128xi32, #tpu.memory_space<vmem>> -> memref<128xi32, #tpu.memory_space<vmem>>
        %dma_wait3A_156 = arith.constant 0 : i32
        %dma_wait3A_157 = arith.constant 0 : i32
        %dma_wait3A_158 = tpu.memref_slice %arg19[%dma_wait3A_156, %dma_wait3A_157] : memref<10240x64xf32, #tpu.memory_space<vmem_shared>> -> memref<10240x64xf32, #tpu.memory_space<vmem_shared>>
        tpu.wait_indirect_dma semaphore(%run_scoped3A_146 : memref<!tpu.dma_semaphore, #tpu.memory_space<semaphore_mem>>) src(%arg12 : memref<128x64xf32, #tpu.memory_space<vmem>>) dst(%dma_wait3A_158 : memref<10240x64xf32, #tpu.memory_space<vmem_shared>>)
        tpu.yield
      }) : () -> ()
      %add3A_134 = arith.constant 2 : i32
      %add3A_135 = arith.addi %mul3A_120, %add3A_134 : i32
      %lt3A = arith.constant 158 : i32
      %lt3A_136 = arith.cmpi slt, %add3A_135, %lt3A : i32
      %convert_element_type3A = arith.extui %lt3A_136 : i1 to i32
      %cond3A = arith.constant 0 : i32
      %cond3A_137 = arith.cmpi ne, %convert_element_type3A, %cond3A : i32
      scf.if %cond3A_137 {
        %add3A_146 = arith.constant 2 : i32
        %add3A_147 = arith.addi %mul3A_120, %add3A_146 : i32
        %dma_start3A_148 = arith.constant 0 : i32
        %dma_start3A_149 = tpu.memref_slice %arg10[%add3A_147, %dma_start3A_148] : memref<158x128xi32, #tpu.memory_space<vmem>> -> memref<1x128xi32, #tpu.memory_space<vmem>>
        %dma_start3A_150 = tpu.memref_squeeze %dma_start3A_149 : memref<1x128xi32, #tpu.memory_space<vmem>> -> memref<128xi32, #tpu.memory_space<vmem>>
        %dma_start3A_151 = arith.constant 0 : i32
        %dma_start3A_152 = arith.constant 0 : i32
        %dma_start3A_153 = tpu.memref_slice %arg2[%dma_start3A_151, %dma_start3A_152] : memref<40960x64xf32, #tpu.memory_space<hbm>> -> memref<40960x64xf32, #tpu.memory_space<hbm>>
        tpu.enqueue_indirect_dma source(%dma_start3A_153 : memref<40960x64xf32, #tpu.memory_space<hbm>>) target(%arg12 : memref<128x64xf32, #tpu.memory_space<vmem>>) offsets(%dma_start3A_150 : memref<128xi32, #tpu.memory_space<vmem>>) semaphore(%arg21 : memref<!tpu.dma_semaphore, #tpu.memory_space<semaphore_mem>>)
      } else {
      }
      %dma_wait3A_138 = arith.constant 0 : i32
      %dma_wait3A_139 = arith.constant 0 : i32
      %dma_wait3A_140 = tpu.memref_slice %arg2[%dma_wait3A_138, %dma_wait3A_139] : memref<40960x64xf32, #tpu.memory_space<hbm>> -> memref<128x64xf32, #tpu.memory_space<hbm>>
      %dma_wait3A_141 = arith.constant 0 : i32
      %dma_wait3A_142 = arith.constant 0 : i32
      %dma_wait3A_143 = tpu.memref_slice %arg2[%dma_wait3A_141, %dma_wait3A_142] : memref<40960x64xf32, #tpu.memory_space<hbm>> -> memref<128x64xf32, #tpu.memory_space<hbm>>
      tpu.wait_dma2 semaphore(%arg22 : memref<!tpu.dma_semaphore, #tpu.memory_space<semaphore_mem>>) src(%dma_wait3A_143 : memref<128x64xf32, #tpu.memory_space<hbm>>) dst(%arg13 : memref<128x64xf32, #tpu.memory_space<vmem>>)
      %add3A_144 = arith.constant 1 : i32
      %add3A_145 = arith.addi %mul3A_120, %add3A_144 : i32
      "tpu.region"() ({
        %run_scoped3A_146 = tpu.sem_alloc : memref<!tpu.dma_semaphore, #tpu.memory_space<semaphore_mem>>
        %dma_start3A_147 = arith.constant 0 : i32
        %dma_start3A_148 = tpu.memref_slice %arg11[%add3A_145, %dma_start3A_147] : memref<158x128xi32, #tpu.memory_space<vmem>> -> memref<1x128xi32, #tpu.memory_space<vmem>>
        %dma_start3A_149 = tpu.memref_squeeze %dma_start3A_148 : memref<1x128xi32, #tpu.memory_space<vmem>> -> memref<128xi32, #tpu.memory_space<vmem>>
        %dma_start3A_150 = arith.constant 0 : i32
        %dma_start3A_151 = arith.constant 0 : i32
        %dma_start3A_152 = tpu.memref_slice %arg19[%dma_start3A_150, %dma_start3A_151] : memref<10240x64xf32, #tpu.memory_space<vmem_shared>> -> memref<10240x64xf32, #tpu.memory_space<vmem_shared>>
        tpu.enqueue_indirect_dma source(%arg13 : memref<128x64xf32, #tpu.memory_space<vmem>>) target(%dma_start3A_152 : memref<10240x64xf32, #tpu.memory_space<vmem_shared>>) offsets(%dma_start3A_149 : memref<128xi32, #tpu.memory_space<vmem>>) semaphore(%run_scoped3A_146 : memref<!tpu.dma_semaphore, #tpu.memory_space<semaphore_mem>>) {add = true}
        %dma_wait3A_153 = arith.constant 0 : i32
        %dma_wait3A_154 = tpu.memref_slice %arg11[%add3A_145, %dma_wait3A_153] : memref<158x128xi32, #tpu.memory_space<vmem>> -> memref<1x128xi32, #tpu.memory_space<vmem>>
        %dma_wait3A_155 = tpu.memref_squeeze %dma_wait3A_154 : memref<1x128xi32, #tpu.memory_space<vmem>> -> memref<128xi32, #tpu.memory_space<vmem>>
        %dma_wait3A_156 = arith.constant 0 : i32
        %dma_wait3A_157 = arith.constant 0 : i32
        %dma_wait3A_158 = tpu.memref_slice %arg19[%dma_wait3A_156, %dma_wait3A_157] : memref<10240x64xf32, #tpu.memory_space<vmem_shared>> -> memref<10240x64xf32, #tpu.memory_space<vmem_shared>>
        tpu.wait_indirect_dma semaphore(%run_scoped3A_146 : memref<!tpu.dma_semaphore, #tpu.memory_space<semaphore_mem>>) src(%arg13 : memref<128x64xf32, #tpu.memory_space<vmem>>) dst(%dma_wait3A_158 : memref<10240x64xf32, #tpu.memory_space<vmem_shared>>)
        tpu.yield
      }) : () -> ()
    }
    %scan3A_81 = arith.constant 79 : i32
    %barrier3A_82 = arith.constant 0 : index
    tpu.barrier barrier_id(%barrier3A_82)
    %add3A_83 = arith.constant 0 : i32
    %add3A_84 = arith.addi %mul3A_0, %add3A_83 : i32
    "tpu.region"() ({
      %run_scoped3A_118 = tpu.sem_alloc : memref<!tpu.dma_semaphore, #tpu.memory_space<semaphore_mem>>
      %dma_start3A_119 = arith.constant 0 : i32
      %dma_start3A_120 = tpu.memref_slice %arg19[%add3A_84, %dma_start3A_119] : memref<10240x64xf32, #tpu.memory_space<vmem_shared>> -> memref<128x64xf32, #tpu.memory_space<vmem_shared>>
      %dma_start3A_121 = arith.constant 0 : i32
      %dma_start3A_122 = tpu.memref_slice %arg19[%add3A_84, %dma_start3A_121] : memref<10240x64xf32, #tpu.memory_space<vmem_shared>> -> memref<128x64xf32, #tpu.memory_space<vmem_shared>>
      tpu.enqueue_dma source(%dma_start3A_122 : memref<128x64xf32, #tpu.memory_space<vmem_shared>>) target(%arg17 : memref<128x64xf32, #tpu.memory_space<vmem>>) target_semaphore(%run_scoped3A_118 : memref<!tpu.dma_semaphore, #tpu.memory_space<semaphore_mem>>)
      %dma_wait3A = arith.constant 0 : i32
      %dma_wait3A_123 = tpu.memref_slice %arg19[%add3A_84, %dma_wait3A] : memref<10240x64xf32, #tpu.memory_space<vmem_shared>> -> memref<128x64xf32, #tpu.memory_space<vmem_shared>>
      %dma_wait3A_124 = arith.constant 0 : i32
      %dma_wait3A_125 = tpu.memref_slice %arg19[%add3A_84, %dma_wait3A_124] : memref<10240x64xf32, #tpu.memory_space<vmem_shared>> -> memref<128x64xf32, #tpu.memory_space<vmem_shared>>
      tpu.wait_dma2 semaphore(%run_scoped3A_118 : memref<!tpu.dma_semaphore, #tpu.memory_space<semaphore_mem>>) src(%dma_wait3A_125 : memref<128x64xf32, #tpu.memory_space<vmem_shared>>) dst(%arg17 : memref<128x64xf32, #tpu.memory_space<vmem>>)
      tpu.yield
    }) : () -> ()
    %mul3A_85 = arith.constant 10240 : i32
    %mul3A_86 = arith.muli %arg0, %mul3A_85 : i32
    %add3A_87 = arith.addi %mul3A_86, %mul3A_0 : i32
    %add3A_88 = arith.constant 0 : i32
    %add3A_89 = arith.addi %add3A_87, %add3A_88 : i32
    "tpu.region"() ({
      %run_scoped3A_118 = tpu.sem_alloc : memref<!tpu.dma_semaphore, #tpu.memory_space<semaphore_mem>>
      %dma_start3A_119 = arith.constant 0 : i32
      %dma_start3A_120 = tpu.memref_slice %arg9[%add3A_89, %dma_start3A_119] : memref<20480x64xf32, #tpu.memory_space<hbm>> -> memref<128x64xf32, #tpu.memory_space<hbm>>
      %dma_start3A_121 = arith.constant 0 : i32
      %dma_start3A_122 = tpu.memref_slice %arg9[%add3A_89, %dma_start3A_121] : memref<20480x64xf32, #tpu.memory_space<hbm>> -> memref<128x64xf32, #tpu.memory_space<hbm>>
      tpu.enqueue_dma source(%arg17 : memref<128x64xf32, #tpu.memory_space<vmem>>) target(%dma_start3A_122 : memref<128x64xf32, #tpu.memory_space<hbm>>) target_semaphore(%run_scoped3A_118 : memref<!tpu.dma_semaphore, #tpu.memory_space<semaphore_mem>>)
      %dma_wait3A = arith.constant 0 : i32
      %dma_wait3A_123 = tpu.memref_slice %arg9[%add3A_89, %dma_wait3A] : memref<20480x64xf32, #tpu.memory_space<hbm>> -> memref<128x64xf32, #tpu.memory_space<hbm>>
      %dma_wait3A_124 = arith.constant 0 : i32
      %dma_wait3A_125 = tpu.memref_slice %arg9[%add3A_89, %dma_wait3A_124] : memref<20480x64xf32, #tpu.memory_space<hbm>> -> memref<128x64xf32, #tpu.memory_space<hbm>>
      tpu.wait_dma2 semaphore(%run_scoped3A_118 : memref<!tpu.dma_semaphore, #tpu.memory_space<semaphore_mem>>) src(%arg17 : memref<128x64xf32, #tpu.memory_space<vmem>>) dst(%dma_wait3A_125 : memref<128x64xf32, #tpu.memory_space<hbm>>)
      tpu.yield
    }) : () -> ()
    %add3A_90 = arith.constant 128 : i32
    %add3A_91 = arith.addi %mul3A_0, %add3A_90 : i32
    "tpu.region"() ({
      %run_scoped3A_118 = tpu.sem_alloc : memref<!tpu.dma_semaphore, #tpu.memory_space<semaphore_mem>>
      %dma_start3A_119 = arith.constant 0 : i32
      %dma_start3A_120 = tpu.memref_slice %arg19[%add3A_91, %dma_start3A_119] : memref<10240x64xf32, #tpu.memory_space<vmem_shared>> -> memref<128x64xf32, #tpu.memory_space<vmem_shared>>
      %dma_start3A_121 = arith.constant 0 : i32
      %dma_start3A_122 = tpu.memref_slice %arg19[%add3A_91, %dma_start3A_121] : memref<10240x64xf32, #tpu.memory_space<vmem_shared>> -> memref<128x64xf32, #tpu.memory_space<vmem_shared>>
      tpu.enqueue_dma source(%dma_start3A_122 : memref<128x64xf32, #tpu.memory_space<vmem_shared>>) target(%arg17 : memref<128x64xf32, #tpu.memory_space<vmem>>) target_semaphore(%run_scoped3A_118 : memref<!tpu.dma_semaphore, #tpu.memory_space<semaphore_mem>>)
      %dma_wait3A = arith.constant 0 : i32
      %dma_wait3A_123 = tpu.memref_slice %arg19[%add3A_91, %dma_wait3A] : memref<10240x64xf32, #tpu.memory_space<vmem_shared>> -> memref<128x64xf32, #tpu.memory_space<vmem_shared>>
      %dma_wait3A_124 = arith.constant 0 : i32
      %dma_wait3A_125 = tpu.memref_slice %arg19[%add3A_91, %dma_wait3A_124] : memref<10240x64xf32, #tpu.memory_space<vmem_shared>> -> memref<128x64xf32, #tpu.memory_space<vmem_shared>>
      tpu.wait_dma2 semaphore(%run_scoped3A_118 : memref<!tpu.dma_semaphore, #tpu.memory_space<semaphore_mem>>) src(%dma_wait3A_125 : memref<128x64xf32, #tpu.memory_space<vmem_shared>>) dst(%arg17 : memref<128x64xf32, #tpu.memory_space<vmem>>)
      tpu.yield
    }) : () -> ()
    %mul3A_92 = arith.constant 10240 : i32
    %mul3A_93 = arith.muli %arg0, %mul3A_92 : i32
    %add3A_94 = arith.addi %mul3A_93, %mul3A_0 : i32
    %add3A_95 = arith.constant 128 : i32
    %add3A_96 = arith.addi %add3A_94, %add3A_95 : i32
    "tpu.region"() ({
      %run_scoped3A_118 = tpu.sem_alloc : memref<!tpu.dma_semaphore, #tpu.memory_space<semaphore_mem>>
      %dma_start3A_119 = arith.constant 0 : i32
      %dma_start3A_120 = tpu.memref_slice %arg9[%add3A_96, %dma_start3A_119] : memref<20480x64xf32, #tpu.memory_space<hbm>> -> memref<128x64xf32, #tpu.memory_space<hbm>>
      %dma_start3A_121 = arith.constant 0 : i32
      %dma_start3A_122 = tpu.memref_slice %arg9[%add3A_96, %dma_start3A_121] : memref<20480x64xf32, #tpu.memory_space<hbm>> -> memref<128x64xf32, #tpu.memory_space<hbm>>
      tpu.enqueue_dma source(%arg17 : memref<128x64xf32, #tpu.memory_space<vmem>>) target(%dma_start3A_122 : memref<128x64xf32, #tpu.memory_space<hbm>>) target_semaphore(%run_scoped3A_118 : memref<!tpu.dma_semaphore, #tpu.memory_space<semaphore_mem>>)
      %dma_wait3A = arith.constant 0 : i32
      %dma_wait3A_123 = tpu.memref_slice %arg9[%add3A_96, %dma_wait3A] : memref<20480x64xf32, #tpu.memory_space<hbm>> -> memref<128x64xf32, #tpu.memory_space<hbm>>
      %dma_wait3A_124 = arith.constant 0 : i32
      %dma_wait3A_125 = tpu.memref_slice %arg9[%add3A_96, %dma_wait3A_124] : memref<20480x64xf32, #tpu.memory_space<hbm>> -> memref<128x64xf32, #tpu.memory_space<hbm>>
      tpu.wait_dma2 semaphore(%run_scoped3A_118 : memref<!tpu.dma_semaphore, #tpu.memory_space<semaphore_mem>>) src(%arg17 : memref<128x64xf32, #tpu.memory_space<vmem>>) dst(%dma_wait3A_125 : memref<128x64xf32, #tpu.memory_space<hbm>>)
      tpu.yield
    }) : () -> ()
    %add3A_97 = arith.constant 256 : i32
    %add3A_98 = arith.addi %mul3A_0, %add3A_97 : i32
    "tpu.region"() ({
      %run_scoped3A_118 = tpu.sem_alloc : memref<!tpu.dma_semaphore, #tpu.memory_space<semaphore_mem>>
      %dma_start3A_119 = arith.constant 0 : i32
      %dma_start3A_120 = tpu.memref_slice %arg19[%add3A_98, %dma_start3A_119] : memref<10240x64xf32, #tpu.memory_space<vmem_shared>> -> memref<128x64xf32, #tpu.memory_space<vmem_shared>>
      %dma_start3A_121 = arith.constant 0 : i32
      %dma_start3A_122 = tpu.memref_slice %arg19[%add3A_98, %dma_start3A_121] : memref<10240x64xf32, #tpu.memory_space<vmem_shared>> -> memref<128x64xf32, #tpu.memory_space<vmem_shared>>
      tpu.enqueue_dma source(%dma_start3A_122 : memref<128x64xf32, #tpu.memory_space<vmem_shared>>) target(%arg17 : memref<128x64xf32, #tpu.memory_space<vmem>>) target_semaphore(%run_scoped3A_118 : memref<!tpu.dma_semaphore, #tpu.memory_space<semaphore_mem>>)
      %dma_wait3A = arith.constant 0 : i32
      %dma_wait3A_123 = tpu.memref_slice %arg19[%add3A_98, %dma_wait3A] : memref<10240x64xf32, #tpu.memory_space<vmem_shared>> -> memref<128x64xf32, #tpu.memory_space<vmem_shared>>
      %dma_wait3A_124 = arith.constant 0 : i32
      %dma_wait3A_125 = tpu.memref_slice %arg19[%add3A_98, %dma_wait3A_124] : memref<10240x64xf32, #tpu.memory_space<vmem_shared>> -> memref<128x64xf32, #tpu.memory_space<vmem_shared>>
      tpu.wait_dma2 semaphore(%run_scoped3A_118 : memref<!tpu.dma_semaphore, #tpu.memory_space<semaphore_mem>>) src(%dma_wait3A_125 : memref<128x64xf32, #tpu.memory_space<vmem_shared>>) dst(%arg17 : memref<128x64xf32, #tpu.memory_space<vmem>>)
      tpu.yield
    }) : () -> ()
    %mul3A_99 = arith.constant 10240 : i32
    %mul3A_100 = arith.muli %arg0, %mul3A_99 : i32
    %add3A_101 = arith.addi %mul3A_100, %mul3A_0 : i32
    %add3A_102 = arith.constant 256 : i32
    %add3A_103 = arith.addi %add3A_101, %add3A_102 : i32
    "tpu.region"() ({
      %run_scoped3A_118 = tpu.sem_alloc : memref<!tpu.dma_semaphore, #tpu.memory_space<semaphore_mem>>
      %dma_start3A_119 = arith.constant 0 : i32
      %dma_start3A_120 = tpu.memref_slice %arg9[%add3A_103, %dma_start3A_119] : memref<20480x64xf32, #tpu.memory_space<hbm>> -> memref<128x64xf32, #tpu.memory_space<hbm>>
      %dma_start3A_121 = arith.constant 0 : i32
      %dma_start3A_122 = tpu.memref_slice %arg9[%add3A_103, %dma_start3A_121] : memref<20480x64xf32, #tpu.memory_space<hbm>> -> memref<128x64xf32, #tpu.memory_space<hbm>>
      tpu.enqueue_dma source(%arg17 : memref<128x64xf32, #tpu.memory_space<vmem>>) target(%dma_start3A_122 : memref<128x64xf32, #tpu.memory_space<hbm>>) target_semaphore(%run_scoped3A_118 : memref<!tpu.dma_semaphore, #tpu.memory_space<semaphore_mem>>)
      %dma_wait3A = arith.constant 0 : i32
      %dma_wait3A_123 = tpu.memref_slice %arg9[%add3A_103, %dma_wait3A] : memref<20480x64xf32, #tpu.memory_space<hbm>> -> memref<128x64xf32, #tpu.memory_space<hbm>>
      %dma_wait3A_124 = arith.constant 0 : i32
      %dma_wait3A_125 = tpu.memref_slice %arg9[%add3A_103, %dma_wait3A_124] : memref<20480x64xf32, #tpu.memory_space<hbm>> -> memref<128x64xf32, #tpu.memory_space<hbm>>
      tpu.wait_dma2 semaphore(%run_scoped3A_118 : memref<!tpu.dma_semaphore, #tpu.memory_space<semaphore_mem>>) src(%arg17 : memref<128x64xf32, #tpu.memory_space<vmem>>) dst(%dma_wait3A_125 : memref<128x64xf32, #tpu.memory_space<hbm>>)
      tpu.yield
    }) : () -> ()
    %add3A_104 = arith.constant 384 : i32
    %add3A_105 = arith.addi %mul3A_0, %add3A_104 : i32
    "tpu.region"() ({
      %run_scoped3A_118 = tpu.sem_alloc : memref<!tpu.dma_semaphore, #tpu.memory_space<semaphore_mem>>
      %dma_start3A_119 = arith.constant 0 : i32
      %dma_start3A_120 = tpu.memref_slice %arg19[%add3A_105, %dma_start3A_119] : memref<10240x64xf32, #tpu.memory_space<vmem_shared>> -> memref<128x64xf32, #tpu.memory_space<vmem_shared>>
      %dma_start3A_121 = arith.constant 0 : i32
      %dma_start3A_122 = tpu.memref_slice %arg19[%add3A_105, %dma_start3A_121] : memref<10240x64xf32, #tpu.memory_space<vmem_shared>> -> memref<128x64xf32, #tpu.memory_space<vmem_shared>>
      tpu.enqueue_dma source(%dma_start3A_122 : memref<128x64xf32, #tpu.memory_space<vmem_shared>>) target(%arg17 : memref<128x64xf32, #tpu.memory_space<vmem>>) target_semaphore(%run_scoped3A_118 : memref<!tpu.dma_semaphore, #tpu.memory_space<semaphore_mem>>)
      %dma_wait3A = arith.constant 0 : i32
      %dma_wait3A_123 = tpu.memref_slice %arg19[%add3A_105, %dma_wait3A] : memref<10240x64xf32, #tpu.memory_space<vmem_shared>> -> memref<128x64xf32, #tpu.memory_space<vmem_shared>>
      %dma_wait3A_124 = arith.constant 0 : i32
      %dma_wait3A_125 = tpu.memref_slice %arg19[%add3A_105, %dma_wait3A_124] : memref<10240x64xf32, #tpu.memory_space<vmem_shared>> -> memref<128x64xf32, #tpu.memory_space<vmem_shared>>
      tpu.wait_dma2 semaphore(%run_scoped3A_118 : memref<!tpu.dma_semaphore, #tpu.memory_space<semaphore_mem>>) src(%dma_wait3A_125 : memref<128x64xf32, #tpu.memory_space<vmem_shared>>) dst(%arg17 : memref<128x64xf32, #tpu.memory_space<vmem>>)
      tpu.yield
    }) : () -> ()
    %mul3A_106 = arith.constant 10240 : i32
    %mul3A_107 = arith.muli %arg0, %mul3A_106 : i32
    %add3A_108 = arith.addi %mul3A_107, %mul3A_0 : i32
    %add3A_109 = arith.constant 384 : i32
    %add3A_110 = arith.addi %add3A_108, %add3A_109 : i32
    "tpu.region"() ({
      %run_scoped3A_118 = tpu.sem_alloc : memref<!tpu.dma_semaphore, #tpu.memory_space<semaphore_mem>>
      %dma_start3A_119 = arith.constant 0 : i32
      %dma_start3A_120 = tpu.memref_slice %arg9[%add3A_110, %dma_start3A_119] : memref<20480x64xf32, #tpu.memory_space<hbm>> -> memref<128x64xf32, #tpu.memory_space<hbm>>
      %dma_start3A_121 = arith.constant 0 : i32
      %dma_start3A_122 = tpu.memref_slice %arg9[%add3A_110, %dma_start3A_121] : memref<20480x64xf32, #tpu.memory_space<hbm>> -> memref<128x64xf32, #tpu.memory_space<hbm>>
      tpu.enqueue_dma source(%arg17 : memref<128x64xf32, #tpu.memory_space<vmem>>) target(%dma_start3A_122 : memref<128x64xf32, #tpu.memory_space<hbm>>) target_semaphore(%run_scoped3A_118 : memref<!tpu.dma_semaphore, #tpu.memory_space<semaphore_mem>>)
      %dma_wait3A = arith.constant 0 : i32
      %dma_wait3A_123 = tpu.memref_slice %arg9[%add3A_110, %dma_wait3A] : memref<20480x64xf32, #tpu.memory_space<hbm>> -> memref<128x64xf32, #tpu.memory_space<hbm>>
      %dma_wait3A_124 = arith.constant 0 : i32
      %dma_wait3A_125 = tpu.memref_slice %arg9[%add3A_110, %dma_wait3A_124] : memref<20480x64xf32, #tpu.memory_space<hbm>> -> memref<128x64xf32, #tpu.memory_space<hbm>>
      tpu.wait_dma2 semaphore(%run_scoped3A_118 : memref<!tpu.dma_semaphore, #tpu.memory_space<semaphore_mem>>) src(%arg17 : memref<128x64xf32, #tpu.memory_space<vmem>>) dst(%dma_wait3A_125 : memref<128x64xf32, #tpu.memory_space<hbm>>)
      tpu.yield
    }) : () -> ()
    %add3A_111 = arith.constant 512 : i32
    %add3A_112 = arith.addi %mul3A_0, %add3A_111 : i32
    "tpu.region"() ({
      %run_scoped3A_118 = tpu.sem_alloc : memref<!tpu.dma_semaphore, #tpu.memory_space<semaphore_mem>>
      %dma_start3A_119 = arith.constant 0 : i32
      %dma_start3A_120 = tpu.memref_slice %arg19[%add3A_112, %dma_start3A_119] : memref<10240x64xf32, #tpu.memory_space<vmem_shared>> -> memref<128x64xf32, #tpu.memory_space<vmem_shared>>
      %dma_start3A_121 = arith.constant 0 : i32
      %dma_start3A_122 = tpu.memref_slice %arg19[%add3A_112, %dma_start3A_121] : memref<10240x64xf32, #tpu.memory_space<vmem_shared>> -> memref<128x64xf32, #tpu.memory_space<vmem_shared>>
      tpu.enqueue_dma source(%dma_start3A_122 : memref<128x64xf32, #tpu.memory_space<vmem_shared>>) target(%arg17 : memref<128x64xf32, #tpu.memory_space<vmem>>) target_semaphore(%run_scoped3A_118 : memref<!tpu.dma_semaphore, #tpu.memory_space<semaphore_mem>>)
      %dma_wait3A = arith.constant 0 : i32
      %dma_wait3A_123 = tpu.memref_slice %arg19[%add3A_112, %dma_wait3A] : memref<10240x64xf32, #tpu.memory_space<vmem_shared>> -> memref<128x64xf32, #tpu.memory_space<vmem_shared>>
      %dma_wait3A_124 = arith.constant 0 : i32
      %dma_wait3A_125 = tpu.memref_slice %arg19[%add3A_112, %dma_wait3A_124] : memref<10240x64xf32, #tpu.memory_space<vmem_shared>> -> memref<128x64xf32, #tpu.memory_space<vmem_shared>>
      tpu.wait_dma2 semaphore(%run_scoped3A_118 : memref<!tpu.dma_semaphore, #tpu.memory_space<semaphore_mem>>) src(%dma_wait3A_125 : memref<128x64xf32, #tpu.memory_space<vmem_shared>>) dst(%arg17 : memref<128x64xf32, #tpu.memory_space<vmem>>)
      tpu.yield
    }) : () -> ()
    %mul3A_113 = arith.constant 10240 : i32
    %mul3A_114 = arith.muli %arg0, %mul3A_113 : i32
    %add3A_115 = arith.addi %mul3A_114, %mul3A_0 : i32
    %add3A_116 = arith.constant 512 : i32
    %add3A_117 = arith.addi %add3A_115, %add3A_116 : i32
    "tpu.region"() ({
      %run_scoped3A_118 = tpu.sem_alloc : memref<!tpu.dma_semaphore, #tpu.memory_space<semaphore_mem>>
      %dma_start3A_119 = arith.constant 0 : i32
      %dma_start3A_120 = tpu.memref_slice %arg9[%add3A_117, %dma_start3A_119] : memref<20480x64xf32, #tpu.memory_space<hbm>> -> memref<128x64xf32, #tpu.memory_space<hbm>>
      %dma_start3A_121 = arith.constant 0 : i32
      %dma_start3A_122 = tpu.memref_slice %arg9[%add3A_117, %dma_start3A_121] : memref<20480x64xf32, #tpu.memory_space<hbm>> -> memref<128x64xf32, #tpu.memory_space<hbm>>
      tpu.enqueue_dma source(%arg17 : memref<128x64xf32, #tpu.memory_space<vmem>>) target(%dma_start3A_122 : memref<128x64xf32, #tpu.memory_space<hbm>>) target_semaphore(%run_scoped3A_118 : memref<!tpu.dma_semaphore, #tpu.memory_space<semaphore_mem>>)
      %dma_wait3A = arith.constant 0 : i32
      %dma_wait3A_123 = tpu.memref_slice %arg9[%add3A_117, %dma_wait3A] : memref<20480x64xf32, #tpu.memory_space<hbm>> -> memref<128x64xf32, #tpu.memory_space<hbm>>
      %dma_wait3A_124 = arith.constant 0 : i32
      %dma_wait3A_125 = tpu.memref_slice %arg9[%add3A_117, %dma_wait3A_124] : memref<20480x64xf32, #tpu.memory_space<hbm>> -> memref<128x64xf32, #tpu.memory_space<hbm>>
      tpu.wait_dma2 semaphore(%run_scoped3A_118 : memref<!tpu.dma_semaphore, #tpu.memory_space<semaphore_mem>>) src(%arg17 : memref<128x64xf32, #tpu.memory_space<vmem>>) dst(%dma_wait3A_125 : memref<128x64xf32, #tpu.memory_space<hbm>>)
      tpu.yield
    }) : () -> ()
    return
  }
}

module attributes {stable_mosaic.version = 14 : i64} {
  func.func @body(%arg0: i32, %arg1: i32, %arg2: memref<1024x64xf32, #tpu.memory_space<vmem>>, %arg3: memref<1024x64xf32, #tpu.memory_space<vmem>>, %arg4: memref<1024x16xf32, #tpu.memory_space<vmem>>, %arg5: memref<1024x128xf32, #tpu.memory_space<vmem>>, %arg6: memref<1x128x128xf32, #tpu.memory_space<vmem>>, %arg7: memref<1x1x128xf32, #tpu.memory_space<vmem>>, %arg8: memref<1x128x128xf32, #tpu.memory_space<vmem>>, %arg9: memref<1024x128xf32, #tpu.memory_space<vmem>>) attributes {dimension_semantics = [#tpu.dimension_semantics<arbitrary>, #tpu.dimension_semantics<arbitrary>], iteration_bounds = array<i64: 2, 10>, scalar_prefetch = 0 : i64, scratch_operands = 0 : i64, tpu.core_type = #tpu.core_type<tc>, window_params = [{transform_indices = @transform_0, window_bounds = array<i64: 1024, 64>}, {transform_indices = @transform_1, window_bounds = array<i64: 1024, 64>}, {transform_indices = @transform_2, window_bounds = array<i64: 1024, 16>}, {transform_indices = @transform_3, window_bounds = array<i64: 1024, 128>}, {transform_indices = @transform_4, window_bounds = array<i64: 1, 128, 128>}, {transform_indices = @transform_5, window_bounds = array<i64: 1, 1, 128>}, {transform_indices = @transform_6, window_bounds = array<i64: 1, 128, 128>}, {transform_indices = @transform_7, window_bounds = array<i64: 1024, 128>}]} {
    %get3A = arith.constant 0 : index
    %get3A_0 = arith.constant 0 : index
    %get3A_1 = vector.load %arg4[%get3A, %get3A_0] : memref<1024x16xf32, #tpu.memory_space<vmem>>, vector<1024x1xf32>
    %max3A = arith.constant 1.000000e+00 : f32
    %max3A_2 = vector.broadcast %max3A : f32 to vector<1024x1xf32>
    %max3A_3 = arith.maximumf %get3A_1, %max3A_2 : vector<1024x1xf32>
    %div3A = arith.constant 1.000000e+00 : f32
    %div3A_4 = vector.broadcast %div3A : f32 to vector<1024x1xf32>
    %div3A_5 = arith.divf %div3A_4, %max3A_3 : vector<1024x1xf32>
    %get3A_6 = arith.constant 0 : index
    %get3A_7 = arith.constant 0 : index
    %get3A_8 = vector.load %arg2[%get3A_6, %get3A_7] : memref<1024x64xf32, #tpu.memory_space<vmem>>, vector<1024x64xf32>
    %get3A_9 = arith.constant 0 : index
    %get3A_10 = arith.constant 0 : index
    %get3A_11 = arith.constant 0 : index
    %get3A_12 = vector.load %arg6[%get3A_9, %get3A_10, %get3A_11] : memref<1x128x128xf32, #tpu.memory_space<vmem>>, vector<1x64x128xf32>
    %get3A_13 = vector.shape_cast %get3A_12 : vector<1x64x128xf32> to vector<64x128xf32>
    %dot_general3A = arith.constant dense<0.000000e+00> : vector<1024x128xf32>
    %dot_general3A_14 = tpu.matmul %get3A_8, %get3A_13, %dot_general3A {dimension_numbers = #tpu.dot_dimension_numbers<[1], [0], [0], [1], [0, 0, 1, 1], [], []>, transpose_lhs_hint = false} : vector<1024x64xf32>, vector<64x128xf32>, vector<1024x128xf32> -> vector<1024x128xf32>
    %get3A_15 = arith.constant 0 : index
    %get3A_16 = arith.constant 0 : index
    %get3A_17 = vector.load %arg3[%get3A_15, %get3A_16] : memref<1024x64xf32, #tpu.memory_space<vmem>>, vector<1024x64xf32>
    %get3A_18 = arith.constant 0 : index
    %get3A_19 = arith.constant 64 : index
    %get3A_20 = arith.constant 0 : index
    %get3A_21 = vector.load %arg6[%get3A_18, %get3A_19, %get3A_20] : memref<1x128x128xf32, #tpu.memory_space<vmem>>, vector<1x64x128xf32>
    %get3A_22 = vector.shape_cast %get3A_21 : vector<1x64x128xf32> to vector<64x128xf32>
    %dot_general3A_23 = arith.constant dense<0.000000e+00> : vector<1024x128xf32>
    %dot_general3A_24 = tpu.matmul %get3A_17, %get3A_22, %dot_general3A_23 {dimension_numbers = #tpu.dot_dimension_numbers<[1], [0], [0], [1], [0, 0, 1, 1], [], []>, transpose_lhs_hint = false} : vector<1024x64xf32>, vector<64x128xf32>, vector<1024x128xf32> -> vector<1024x128xf32>
    %add3A = arith.addf %dot_general3A_14, %dot_general3A_24 : vector<1024x128xf32>
    %get3A_25 = arith.constant 0 : index
    %get3A_26 = arith.constant 0 : index
    %get3A_27 = vector.load %arg5[%get3A_25, %get3A_26] : memref<1024x128xf32, #tpu.memory_space<vmem>>, vector<1024x128xf32>
    %get3A_28 = arith.constant 0 : index
    %get3A_29 = arith.constant 0 : index
    %get3A_30 = arith.constant 0 : index
    %get3A_31 = vector.load %arg8[%get3A_28, %get3A_29, %get3A_30] : memref<1x128x128xf32, #tpu.memory_space<vmem>>, vector<1x128x128xf32>
    %get3A_32 = vector.shape_cast %get3A_31 : vector<1x128x128xf32> to vector<128x128xf32>
    %dot_general3A_33 = arith.constant dense<0.000000e+00> : vector<1024x128xf32>
    %dot_general3A_34 = tpu.matmul %get3A_27, %get3A_32, %dot_general3A_33 {dimension_numbers = #tpu.dot_dimension_numbers<[1], [0], [0], [1], [0, 0, 1, 1], [], []>, transpose_lhs_hint = false} : vector<1024x128xf32>, vector<128x128xf32>, vector<1024x128xf32> -> vector<1024x128xf32>
    %mul3A = vector.broadcast %div3A_5 : vector<1024x1xf32> to vector<1024x128xf32>
    %mul3A_35 = arith.mulf %add3A, %mul3A : vector<1024x128xf32>
    %get3A_36 = arith.constant 0 : index
    %get3A_37 = arith.constant 0 : index
    %get3A_38 = arith.constant 0 : index
    %get3A_39 = vector.load %arg7[%get3A_36, %get3A_37, %get3A_38] : memref<1x1x128xf32, #tpu.memory_space<vmem>>, vector<1x1x128xf32>
    %get3A_40 = vector.shape_cast %get3A_39 : vector<1x1x128xf32> to vector<1x128xf32>
    %add3A_41 = vector.broadcast %get3A_40 : vector<1x128xf32> to vector<1024x128xf32>
    %add3A_42 = arith.addf %mul3A_35, %add3A_41 : vector<1024x128xf32>
    %add3A_43 = arith.addf %add3A_42, %dot_general3A_34 : vector<1024x128xf32>
    %tanh3A = math.tanh %add3A_43 : vector<1024x128xf32>
    %swap3A = arith.constant 0 : index
    %swap3A_44 = arith.constant 0 : index
    %swap3A_45 = vector.load %arg9[%swap3A, %swap3A_44] : memref<1024x128xf32, #tpu.memory_space<vmem>>, vector<1024x128xf32>
    tpu.vector_store %arg9[%swap3A, %swap3A_44], %tanh3A {strides = array<i32>} : memref<1024x128xf32, #tpu.memory_space<vmem>>, vector<1024x128xf32>,
    return
  }
  func.func @transform_0(%arg0: i32, %arg1: i32) -> (i32, i32) {
    %mul3A = arith.constant 10 : i32
    %mul3A_0 = arith.muli %arg0, %mul3A : i32
    %add3A = arith.addi %mul3A_0, %arg1 : i32
    %c0_i32 = arith.constant 0 : i32
    %c0_i32_1 = arith.constant 0 : i32
    return %add3A, %c0_i32 : i32, i32
  }
  func.func @transform_1(%arg0: i32, %arg1: i32) -> (i32, i32) {
    %mul3A = arith.constant 10 : i32
    %mul3A_0 = arith.muli %arg0, %mul3A : i32
    %add3A = arith.addi %mul3A_0, %arg1 : i32
    %c0_i32 = arith.constant 0 : i32
    %c0_i32_1 = arith.constant 0 : i32
    return %add3A, %c0_i32 : i32, i32
  }
  func.func @transform_2(%arg0: i32, %arg1: i32) -> (i32, i32) {
    %mul3A = arith.constant 10 : i32
    %mul3A_0 = arith.muli %arg0, %mul3A : i32
    %add3A = arith.addi %mul3A_0, %arg1 : i32
    %c0_i32 = arith.constant 0 : i32
    %c0_i32_1 = arith.constant 0 : i32
    return %add3A, %c0_i32 : i32, i32
  }
  func.func @transform_3(%arg0: i32, %arg1: i32) -> (i32, i32) {
    %mul3A = arith.constant 10 : i32
    %mul3A_0 = arith.muli %arg0, %mul3A : i32
    %add3A = arith.addi %mul3A_0, %arg1 : i32
    %c0_i32 = arith.constant 0 : i32
    %c0_i32_1 = arith.constant 0 : i32
    return %add3A, %c0_i32 : i32, i32
  }
  func.func @transform_4(%arg0: i32, %arg1: i32) -> (i32, i32, i32) {
    %c0_i32 = arith.constant 0 : i32
    %c0_i32_0 = arith.constant 0 : i32
    %c0_i32_1 = arith.constant 0 : i32
    return %arg0, %c0_i32, %c0_i32_0 : i32, i32, i32
  }
  func.func @transform_5(%arg0: i32, %arg1: i32) -> (i32, i32, i32) {
    %c0_i32 = arith.constant 0 : i32
    %c0_i32_0 = arith.constant 0 : i32
    %c0_i32_1 = arith.constant 0 : i32
    return %arg0, %c0_i32, %c0_i32_0 : i32, i32, i32
  }
  func.func @transform_6(%arg0: i32, %arg1: i32) -> (i32, i32, i32) {
    %c0_i32 = arith.constant 0 : i32
    %c0_i32_0 = arith.constant 0 : i32
    %c0_i32_1 = arith.constant 0 : i32
    return %arg0, %c0_i32, %c0_i32_0 : i32, i32, i32
  }
  func.func @transform_7(%arg0: i32, %arg1: i32) -> (i32, i32) {
    %mul3A = arith.constant 10 : i32
    %mul3A_0 = arith.muli %arg0, %mul3A : i32
    %add3A = arith.addi %mul3A_0, %arg1 : i32
    %c0_i32 = arith.constant 0 : i32
    %c0_i32_1 = arith.constant 0 : i32
    return %add3A, %c0_i32 : i32, i32
  }
}

</mosaic_0001>

<sc_bundles>
// kernel: sc_seg_sum.4.cloned.1.call-start
scs
__scs_entry_jumppad:
0x0: {  	(pc) =	sbr.rel $0x88, $3  }
0x1: {  	(tag) =	ssettag $0x0;
	lr =	simm.s32 $0x1  }
0x2: {  	[smem:$0x3F91] =	sst lr;
	_ =	strace $0xD0000000  }
0x3: {  	_ = 	snop  }
0x4: {  	_ = 	snop  }
0x5: {  	_ = 	snop  }
0x6: {  	_ = 	snop  }
0x7: {  	_ = 	snop  }
__scs_overlays_trampoline_lowered:
0x8: {  	[smem:$0x3FA0] =	sst s0  }
0x9: {  	[smem:$0x3FA1] =	sst s1  }
0xa: {  	[smem:$0x3FA2] =	sst s2  }
0xb: {  	[smem:$0x3FA3] =	sst s3  }
0xc: {  	[smem:$0x3FA4] =	sst s4  }
0xd: {  	[smem:$0x3FA5] =	sst s5  }
0xe: {  	[smem:$0x3FA6] =	sst s6  }
0xf: {  	[smem:$0x3FA7] =	sst s7  }
0x10: {  	[smem:$0x3FA8] =	sst s8  }
0x11: {  	[smem:$0x3FA9] =	sst s9;
	s0 =	simm.s32 @!p0 $0x0  }
0x12: {  	s1 =	sld [smem:$0x3F8F];
	s0 =	simm.s32 @p0 $0x1  }
0x13: {  	[smem:$0x3FAA] =	sst s0;
	s0 =	simm.s32 @!p1 $0x0  }
0x14: {  	s2 =	sld [smem:$0x3F8E];
	s0 =	simm.s32 @p1 $0x1  }
0x15: {  	[smem:$0x3FAB] =	sst s0;
	s0 =	simm.s32 @!p2 $0x0  }
0x16: {  	s3 =	sld [smem:$0x3FDB];
	s0 =	simm.s32 @p2 $0x1  }
0x17: {  	s4 =	simm.s32 $0x1BF5;
	[smem:$0x3FAD] =	sst s0  }
0x18: {  	s0 =	sld [smem:$0x3F90];
	_ =	swait.ge [sflag:s4], $0x0  }
0x19: {  	s7 =	sld [smem:$0x3F91]  }
0x1a: {  	s8 =	sadd.s32 $0xFFFFE003, lr  }
0x1b: {  	s9 =	sadd.s32 $0xFFFFFEF7, lr;
	s5 =	simm.s32 $0xFFFFFFFF;
	p2 =	slt.u32 s8, $0xFFFFF086  }
0x1c: {  	p1 =	slt.u32 s9, $0xF7A;
	s5 =	simm.s32 @!p2 $0x0  }
0x1d: {  	s5 =	simm.s32 @p1 $0x1;
	p0 =	seq.s32 s7, s2  }
0x1e: {  	s7 =	smul.u32 @!p0 $0xF7A, s2;
	p2 =	seq.s32 @!p0 s5, $0x0  }
0x1f: {  	s9 =	smul.u32 $0xF7A, s1;
	s8 =	simm.s32 @!p0 $0x1BF5;
	p2 =	por !p2, p0  }
0x20: {  	[sflag:s8] =	ssyncset.s32 @!p0 $0xFFFFF086;
	s6 =	sadd.s32 @!p0 s3, s7;
	s7 =	simm.s32 @!p0 $0x108  }
0x21: {  	s3 =	sadd.s32 s3, s9;
	s6 =	sadd.s32 @!p0 $0x88, s6;
	s7 =	simm.s32 @p2 $0x1082  }
0x22: {  	[simem:s7], [sflag:s8] =	dma.local @!p0 [hbm:s6], $0xF7A  }
0x23: {  	s9 =	sor.u32 $0xD0000000, s2;
	s6 =	simm.s32 $0x108;
	_ =	swait.ge @!p0 [sflag:s8], $0x0  }
0x24: {  	s3 =	sadd.s32 $0x88, s3;
	s6 =	simm.s32 @!p1 $0x1082;
	[sflag:s4] =	ssyncset.s32 $0xFFFFF086  }
0x25: {  	[simem:s6], [sflag:s4] =	dma.local [hbm:s3], $0xF7A  }
0x26: {  	[smem:$0x3F91] =	sst s1;
	(tag) =	ssettag s2;
	_ =	strace s9  }
0x27: {  	s1 =	sld [smem:$0x3FA1]  }
0x28: {  	s2 =	sld [smem:$0x3FA2]  }
0x29: {  	s4 =	sld [smem:$0x3FA4]  }
0x2a: {  	p0 =	seq.s32 s5, $0x0;
	s5 =	sld [smem:$0x3FA5]  }
0x2b: {  	s6 =	sld [smem:$0x3FA6]  }
0x2c: {  	s7 =	sld [smem:$0x3FA7]  }
0x2d: {  	s3 =	simm.s32 $0x108;
	s8 =	sld [smem:$0x3FA8]  }
0x2e: {  	s3 =	simm.s32 @!p0 $0x1082;
	s9 =	sld [smem:$0x3FA9]  }
0x2f: {  	lr =	sadd.s32 s0, s3;
	s0 =	sld [smem:$0x3FA0]  }
0x30: {  	s3 =	sld [smem:$0x3FA3]  }
0x31: {  	[smem:$0x3FAC] =	sst s10  }
0x32: {  	s10 =	sld [smem:$0x3FAA];
	_ =	sdelay $0x3  }
0x33: {  	p0 =	seq.s32 s10, $0x1;
	s10 =	sld [smem:$0x3FAC];
	_ =	sdelay $0x3  }
0x34: {  	[smem:$0x3FAC] =	sst s10  }
0x35: {  	s10 =	sld [smem:$0x3FAB];
	_ =	sdelay $0x3  }
0x36: {  	p1 =	seq.s32 s10, $0x1;
	s10 =	sld [smem:$0x3FAC];
	_ =	sdelay $0x3  }
0x37: {  	[smem:$0x3FAC] =	sst s10  }
0x38: {  	s10 =	sld [smem:$0x3FAD]  }
0x39: {  	_ = 	snop;
	(pc) =	sbr.ind lr, $3  }
0x3a: {  	_ = 	snop  }
0x3b: {  	_ = 	snop  }
0x3c: {  	p2 =	seq.s32 s10, $0x1;
	s10 =	sld [smem:$0x3FAC]  }
0x3d: {  	_ =	shalt  }
0x3e: {  	_ =	shalt  }
0x3f: {  	_ =	shalt  }
0x40: {  	_ =	shalt  }
0x41: {  	_ =	shalt  }
0x42: {  	_ =	shalt  }
0x43: {  	_ =	shalt  }
0x44: {  	_ =	shalt  }
0x45: {  	_ =	shalt  }
0x46: {  	_ =	shalt  }
0x47: {  	_ =	shalt  }
0x48: {  	_ =	shalt  }
0x49: {  	_ =	shalt  }
0x4a: {  	_ =	shalt  }
0x4b: {  	_ =	shalt  }
0x4c: {  	_ =	shalt  }
0x4d: {  	_ =	shalt  }
0x4e: {  	_ =	shalt  }
0x4f: {  	_ =	shalt  }
0x50: {  	_ =	shalt  }
0x51: {  	_ =	shalt  }
0x52: {  	_ =	shalt  }
0x53: {  	_ =	shalt  }
0x54: {  	_ =	shalt  }
0x55: {  	_ =	shalt  }
0x56: {  	_ =	shalt  }
0x57: {  	_ =	shalt  }
0x58: {  	_ =	shalt  }
0x59: {  	_ =	shalt  }
0x5a: {  	_ =	shalt  }
0x5b: {  	_ =	shalt  }
0x5c: {  	_ =	shalt  }
0x5d: {  	_ =	shalt  }
0x5e: {  	_ =	shalt  }
0x5f: {  	_ =	shalt  }
0x60: {  	_ =	shalt  }
0x61: {  	_ =	shalt  }
0x62: {  	_ =	shalt  }
0x63: {  	_ =	shalt  }
0x64: {  	_ =	shalt  }
0x65: {  	_ =	shalt  }
0x66: {  	_ =	shalt  }
0x67: {  	_ =	shalt  }
0x68: {  	_ =	shalt  }
0x69: {  	_ =	shalt  }
0x6a: {  	_ =	shalt  }
0x6b: {  	_ =	shalt  }
0x6c: {  	_ =	shalt  }
0x6d: {  	_ =	shalt  }
0x6e: {  	_ =	shalt  }
0x6f: {  	_ =	shalt  }
0x70: {  	_ =	shalt  }
0x71: {  	_ =	shalt  }
0x72: {  	_ =	shalt  }
0x73: {  	_ =	shalt  }
0x74: {  	_ =	shalt  }
0x75: {  	_ =	shalt  }
0x76: {  	_ =	shalt  }
0x77: {  	_ =	shalt  }
0x78: {  	_ =	shalt  }
0x79: {  	_ =	shalt  }
0x7a: {  	_ =	shalt  }
0x7b: {  	_ =	shalt  }
0x7c: {  	_ =	shalt  }
0x7d: {  	_ =	shalt  }
0x7e: {  	_ =	shalt  }
0x7f: {  	_ =	shalt  }
0x80: {  	_ =	shalt  }
0x81: {  	_ =	shalt  }
0x82: {  	_ =	shalt  }
0x83: {  	_ =	shalt  }
0x84: {  	_ =	shalt  }
0x85: {  	_ =	shalt  }
0x86: {  	_ =	shalt  }
0x87: {  	_ =	shalt  }
.Lfunc_end0:
.L_simem_size_0:
called_computation_lowered:
.L_overlay_start_0:
0x88: {  	s2 =	sld [smem:$0x3FD9]  }
0x89: {  	s3 =	sld [smem:$0x3FFE];
	_ =	sdelay $0x1  }
0x8a: {  	s1 =	srdreg.scid  }
0x8b: {  	s0 =	sand.u32 $0x1, s1  }
0x8c: {  	s17 =	sshll.u32 s0, $0xA;
	s2 =	sadd.s32 s3, s2  }
0x8d: {  	s2 =	sadd.s32 s2, s17  }
0x8e: {  	[smem:$0x3FB8] =	sst s2  }
0x8f: {  	_ = 	snop  }
0x90: {  	s2 =	sld [smem:$0x3FD0];
	(tm) =	ssettm $0x1  }
0x91: {  	s18 =	sld [smem:$0x3FFB];
	_ =	sdelay $0x3  }
0x92: {  	_ =	strace s18  }
0x93: {  	s3 =	sld [smem:$0x3FFC];
	_ =	sdelay $0x3  }
0x94: {  	_ =	strace s3  }
0x95: {  	s3 =	sld [smem:$0x3FFD];
	_ =	sdelay $0x3  }
0x96: {  	_ =	strace s3  }
0x97: {  	_ =	strace $0x8FFFFFFF  }
0x98: {  	s19 =	sld [smem:$0x3FDB];
	_ =	sdelay $0x1  }
0x99: {  	s4 =	simm.s32 $_scs_section_size  }
0x9a: {  	s5 =	simm.s32 $_size__tile_overlayer_lowered;
	s6 =	simm.s32 $_tile_overlayer_lowered  }
0x9b: {  	s22 =	simm.s32 $0x1BFF;
	s21 =	sshll.u32 s6, $0x1;
	s3 =	sadd.s32 s4, s19  }
0x9c: {  	s7 =	simm.s32 $0x0;
	s20 =	sshll.u32 s5, $0x1;
	s5 =	sadd.s32 s21, s3  }
0x9d: {  	[timem:s7], [sflag:s22] =	dma.local [hbm:s5], s20  }
0x9e: {  	_ =	swait.ge [sflag:s22], s20  }
0x9f: {  	s4 =	ssub.s32 $0x0, s20;
	[sflag:s22] =	ssyncset.done $0x0  }
0xa0: {  	[sflag:s22] =	ssyncadd.s32 s4;
	_ =	sdelay $0x1  }
0xa1: {  	s23 =	simm.s32 $0x1B8B  }
0xa2: {  	_ =	swait.ge [sflag:s23], $0x1  }
0xa3: {  	[sflag:s23] =	ssyncset.done $0x0  }
0xa4: {  	s25 =	simm.s32 $0x1B8E;
	s24 =	sld [smem:$0x3FFE];
	[sflag:s23] =	ssyncadd.s32 $0xFFFFFFFF  }
0xa5: {  	s26 =	simm.s32 $execute0_lowered;
	[smem:$0x3FD2] =	sst s25  }
0xa6: {  	s5 =	sshll.u32 s26, $0x1;
	_ =	strace $0x80000046;
	[dreg:$0x1] =	wrdreg $0xFFFFFFFF  }
0xa7: {  	s28 =	simm.s32 $_size_execute0_lowered;
	s3 =	sadd.s32 s3, s5;
	[dreg:$0x0] =	wrdreg $0x0  }
0xa8: {  	s5 =	sshll.u32 s28, $0x1;
	[dreg:$0x2] =	wrdreg s3  }
0xa9: {  	[dreg:$0x3] =	wrdreg s5  }
0xaa: {  	[dreg:$0x4] =	wrdreg $0xC0  }
0xab: {  	_ =	task [dreg:s7], $0x5FFFF  }
0xac: {  	[dreg:$0x1] =	wrdreg $0xFFFFFFFF  }
0xad: {  	[dreg:$0x0] =	wrdreg $0x60  }
0xae: {  	[dreg:$0x2] =	wrdreg s24  }
0xaf: {  	[dreg:$0x3] =	wrdreg s2  }
0xb0: {  	[dreg:$0x4] =	wrdreg $0x136000  }
0xb1: {  	[dreg:$0x5] =	wrdreg $0x1D6000  }
0xb2: {  	[dreg:$0x6] =	wrdreg $0x9  }
0xb3: {  	_ =	task.clear_ibuf [dreg:s7], $0x7FFFF;
	_ =	strace $0x90000046  }
0xb4: {  	s29 =	simm.s32 $0x9;
	_ =	strace $0x80000048  }
0xb5: {  	_ =	swait.ge [sflag:s29], $0x1  }
0xb6: {  	[sflag:s29] =	ssyncadd.s32 $0xFFFFFFFF  }
0xb7: {  	_ =	strace $0x90000048  }
0xb8: {  	_ =	sfence  }
0xb9: {  	s30 =	sld [smem:$0x0];
	_ =	sdelay $0x2  }
0xba: {  	s31 =	sshll.u32 s1, $0xD;
	s1 =	sshrl.u32 s1, $0x2  }
0xbb: {  	s3 =	sand.u32 $0x4000, s31;
	s1 =	sadd.s32 s1, s30  }
0xbc: {  	s0 =	sor.u32 s3, s0;
	s1 =	sshll.u32 s1, $0x11  }
0xbd: {  	s0 =	sor.u32 s1, s0  }
0xbe: {  	s0 =	sadd.s32 $0x8F2B, s0  }
0xbf: {  	[sflag:s0] =	ssyncadd.remote.s32 $0x1  }
0xc0: {  	_ =	sfence.sel $0xFFFF  }
0xc1: {  	[dreg:$0x0] =	wrdreg $0xFFFFFFFF;
	(pc) =	sbr.abs _section_cstart, $3  }
0xc2: {  	[dreg:$0x1] =	wrdreg $0xFFFFFFFF  }
0xc3: {  	_ =	task.clear_ibuf [dreg:s7], $0x2FFFF;
	_ =	strace $0x9FFFFFFF  }
0xc4: {  	(tm) =	ssettm $0x7FFFFFFF  }
0xc5: {  	_ =	shalt  }
tec
execute0_lowered:
.L_overlay_start_1:
0x0: {  	(tag) =	ssettag $0x1  }
0x1: {  	s0 =	rddreg [dreg:$0x0]  }
0x2: {  	s1 =	rddreg [dreg:$0x1]  }
0x3: {  	s3 =	srdreg.scid;
	s17 =	stileid.u32  }
0x4: {  	s2 =	rddreg [dreg:$0x2];
	s4 =	simm.s32 $0x0;
	s7 =	smul.u32 $0x4F00, s17  }
0x5: {  	s5 =	sand.u32 $0x1, s3;
	s3 =	rddreg [dreg:$0x3];
	s8 =	smul.u32 $0x280, s17  }
0x6: {  	s28 =	simm.s32 $0x9D80;
	[smem:$0x7FF] =	sst s4;
	s6 =	smul.u32 $0x4F000, s5  }
0x7: {  	s9 =	sadd.s32 $0x99200, s0;
	s20 =	ssub.s32 $0x2, s5;
	s5 =	smul.u32 $0x2800, s5  }
0x8: {  	s10 =	sadd.s32 $0x8F200, s0;
	_ =	strace $0x80000047;
	s11 =	sshrl.u32 s20, $0x1  }
0x9: {  	s6 =	sadd.s32 s7, s6;
	s7 =	ssub.s32 s20, s11;
	s5 =	sadd.s32 s8, s5  }
0xa: {  	s11 =	smul.u32 $0x28000, s17;
	s6 =	sshrl.u32 s6, $0x3;
	s12 =	sshll.u32 s5, $0x3  }
0xb: {  	s13 =	sshll.u32 s5, $0x1;
	s14 =	sadd.s32 $0x80, s5;
	s23 =	sadd.s32 $0x100, s5  }
0xc: {  	s25 =	sadd.s32 $0x180, s5;
	s5 =	sadd.s32 $0x200, s5;
	s15 =	sadd.s32 s1, s12  }
0xd: {  	s13 =	sadd.s32 s10, s13;
	s21 =	sshll.u32 s14, $0x3;
	[dreg:$0x5] =	wrdreg s15  }
0xe: {  	s14 =	sshll.u32 s14, $0x1;
	s20 =	sadd.s32 s9, s12;
	[dreg:$0x6] =	wrdreg s13  }
0xf: {  	s24 =	sshll.u32 s23, $0x3;
	s22 =	sadd.s32 s1, s21;
	[dreg:$0xf] =	wrdreg s20  }
0x10: {  	s18 =	sshll.u32 s5, $0x3;
	s14 =	sadd.s32 s10, s14;
	[dreg:$0x7] =	wrdreg s22  }
0x11: {  	s5 =	sshll.u32 s5, $0x1;
	s16 =	sadd.s32 s1, s24;
	[dreg:$0x8] =	wrdreg s14  }
0x12: {  	s26 =	sshll.u32 s25, $0x3;
	s5 =	sadd.s32 s10, s5;
	[dreg:$0x9] =	wrdreg s16  }
0x13: {  	s6 =	sadd.s32 s6, s0;
	s19 =	sadd.s32 s1, s26;
	[dreg:$0xc] =	wrdreg s5  }
0x14: {  	s12 =	sadd.s32 $0x80, s8;
	s1 =	sadd.s32 s1, s18;
	[dreg:$0xd] =	wrdreg s19  }
0x15: {  	s15 =	sshll.u32 s23, $0x1;
	s21 =	sadd.s32 s9, s21;
	[dreg:$0xe] =	wrdreg s1  }
0x16: {  	s23 =	sadd.s32 s9, s26;
	s20 =	sadd.s32 $0x3EA00, s0;
	[dreg:$0x10] =	wrdreg s21  }
0x17: {  	s26 =	sadd.s32 $0x8EA00, s0;
	s13 =	sshll.u32 s12, $0x6;
	[dreg:$0x12] =	wrdreg s23  }
0x18: {  	s15 =	sadd.s32 s10, s15;
	s22 =	sadd.s32 s9, s24;
	[dreg:$0x14] =	wrdreg s26  }
0x19: {  	s24 =	sadd.s32 s9, s18;
	s9 =	sadd.s32 $0x8F000, s0;
	[dreg:$0xa] =	wrdreg s15  }
0x1a: {  	s0 =	sadd.s32 $0x8EE00, s0;
	s14 =	sadd.s32 $0x100, s8;
	[dreg:$0x11] =	wrdreg s22  }
0x1b: {  	s26 =	sadd.s32 s13, s2;
	s18 =	sadd.s32 $0x200, s8;
	[dreg:$0x13] =	wrdreg s24  }
0x1c: {  	s23 =	sadd.s32 $0x3600, s6;
	s13 =	simm.s32 $0xDE00;
	[dreg:$0x15] =	wrdreg s9  }
0x1d: {  	s15 =	sshll.u32 s25, $0x1;
	s25 =	smul.u32 $0xA000, s17;
	[dreg:$0x16] =	wrdreg s0  }
0x1e: {  	s0 =	sshll.u32 s12, $0x4;
	s16 =	sshll.u32 s14, $0x4;
	s17 =	sadd.s32 $0x180, s8  }
0x1f: {  	s8 =	sshll.u32 s18, $0x6;
	s5 =	sshll.u32 s18, $0x4;
	s22 =	sadd.s32 $0x2AE00, s6  }
0x20: {  	[dreg:$0x18] =	wrdreg s23;
	s6 =	sadd.s32 $0x17200, s6;
	s12 =	simm.s32 $0x10600  }
0x21: {  	s18 =	simm.s32 $0x2;
	s23 =	simm.s32 $0x10E00;
	s15 =	sadd.s32 s10, s15  }
0x22: {  	s10 =	sshrl.u32 s11, $0x2;
	s0 =	sadd.s32 s0, s3;
	s30 =	sadd.s32 s16, s3  }
0x23: {  	s19 =	sshll.u32 s17, $0x6;
	s21 =	sshll.u32 s17, $0x4;
	[dreg:$0x17] =	wrdreg s22  }
0x24: {  	s5 =	sadd.s32 s5, s3;
	[dreg:$0x19] =	wrdreg s6;
	s16 =	simm.s32 $0xBE00  }
0x25: {  	s17 =	simm.s32 $0x1;
	s6 =	simm.s32 $0x12E00;
	[dreg:$0xb] =	wrdreg s15  }
0x26: {  	s1 =	sshrl.u32 s25, $0x2;
	s24 =	sadd.s32 s10, s2;
	[dreg:$0x1c] =	wrdreg s0  }
0x27: {  	s15 =	sshll.u32 s14, $0x6;
	s31 =	sadd.s32 s19, s2;
	s0 =	sadd.s32 s8, s2  }
0x28: {  	s25 =	smax.u32 s7, $0x1;
	s10 =	simm.s32 $0x3;
	s14 =	simm.s32 $0x80  }
0x29: {  	s7 =	simm.s32 $0x0;
	s11 =	sadd.s32 s1, s3;
	s29 =	sadd.s32 s15, s2  }
0x2a: {  	s1 =	sadd.s32 s21, s3;
	[dreg:$0x1a] =	wrdreg s25;
	s15 =	simm.s32 $0x9E00  }
0x2b: {  	s25 =	simm.s32 $0x9D00;
	[dreg:$0x1b] =	wrdreg s11;
	s11 =	simm.s32 $0xE600  }
.LBB2_1:
0x2c: {  	s8 =	rddreg [dreg:$0x17];
	s9 =	simm.s32 $0x4F00  }
0x2d: {  	[tilespmem:s9], [sflag:$0x3] =	stream.linear.gather [hbm4b:s8+s4], $0x4F00, $0x38;
	[tilespmem:$0x1FE00] =	vst v63  }
0x2e: {  	_ =	swait.ge [sflag:s10], $0x4F00  }
0x2f: {  	[sflag:s10] =	ssyncset.done $0x0  }
0x30: {  	s21 =	rddreg [dreg:$0x14];
	[sflag:s10] =	ssyncadd.s32 $0xFFFFB100  }
0x31: {  	[tilespmem:s11], [sflag:$0x3] =	stream.linear.gather [hbm4b:s21+s4], $0x2000, $0x38;
	[tilespmem:$0x1FE00] =	vst v63  }
0x32: {  	_ =	swait.ge [sflag:s10], $0x2000  }
0x33: {  	[sflag:s10] =	ssyncset.done $0x0  }
0x34: {  	s22 =	rddreg [dreg:$0x15];
	[sflag:s10] =	ssyncadd.s32 $0xFFFFE000  }
0x35: {  	[tilespmem:s12], [sflag:$0x3] =	stream.linear.gather [hbm4b:s22+s4], $0x800, $0x38;
	[tilespmem:$0x1FE00] =	vst v63  }
0x36: {  	_ =	swait.ge [sflag:s10], $0x800  }
0x37: {  	[sflag:s10] =	ssyncset.done $0x0  }
0x38: {  	s9 =	rddreg [dreg:$0x16];
	[sflag:s10] =	ssyncadd.s32 $0xFFFFF800  }
0x39: {  	[tilespmem:s13], [sflag:$0x3] =	stream.linear.gather [hbm4b:s9+s4], $0x800, $0x38;
	[tilespmem:$0x1FE00] =	vst v63  }
0x3a: {  	_ =	swait.ge [sflag:s10], $0x800  }
0x3b: {  	[sflag:s10] =	ssyncset.done $0x0  }
0x3c: {  	s19 =	rddreg [dreg:$0x18];
	[sflag:s10] =	ssyncadd.s32 $0xFFFFF800  }
0x3d: {  	[tilespmem:s4], [sflag:$0x3] =	stream.linear.gather [hbm4b:s19+s4], $0x4F00, $0x38;
	[tilespmem:$0x1FE00] =	vst v63  }
0x3e: {  	_ =	swait.ge [sflag:s10], $0x4F00  }
0x3f: {  	[sflag:s10] =	ssyncset.done $0x0  }
0x40: {  	[sflag:s10] =	ssyncadd.s32 $0xFFFFB100  }
0x41: {  	[spmem:s24] =	stream.linear.scatter [tilespmem:s11], [sflag:$0x3], $0x2000, $0x38;
	[tilespmem:$0x1FE00] =	vst v63  }
0x42: {  	_ =	swait.ge [sflag:s10], $0x2000  }
0x43: {  	[sflag:s10] =	ssyncset.done $0x0  }
0x44: {  	s21 =	rddreg [dreg:$0x1b];
	[sflag:s10] =	ssyncadd.s32 $0xFFFFE000  }
0x45: {  	[spmem:s21] =	stream.linear.scatter [tilespmem:s12], [sflag:$0x3], $0x800, $0x38;
	[tilespmem:$0x1FE00] =	vst v63  }
0x46: {  	_ =	swait.ge [sflag:s10], $0x800  }
0x47: {  	[sflag:s10] =	ssyncset.done $0x0  }
0x48: {  	[sflag:s10] =	ssyncadd.s32 $0xFFFFF800  }
0x49: {  	[spmem:s26] =	stream.linear.scatter [tilespmem:s11], [sflag:$0x3], $0x2000, $0x38;
	[tilespmem:$0x1FE00] =	vst v63  }
0x4a: {  	_ =	swait.ge [sflag:s10], $0x2000  }
0x4b: {  	[sflag:s10] =	ssyncset.done $0x0  }
0x4c: {  	s22 =	rddreg [dreg:$0x1c];
	[sflag:s10] =	ssyncadd.s32 $0xFFFFE000  }
0x4d: {  	[spmem:s22] =	stream.linear.scatter [tilespmem:s12], [sflag:$0x3], $0x800, $0x38;
	[tilespmem:$0x1FE00] =	vst v63  }
0x4e: {  	_ =	swait.ge [sflag:s10], $0x800  }
0x4f: {  	[sflag:s10] =	ssyncset.done $0x0  }
0x50: {  	[sflag:s10] =	ssyncadd.s32 $0xFFFFF800  }
0x51: {  	[spmem:s29] =	stream.linear.scatter [tilespmem:s11], [sflag:$0x3], $0x2000, $0x38;
	[tilespmem:$0x1FE00] =	vst v63  }
0x52: {  	_ =	swait.ge [sflag:s10], $0x2000  }
0x53: {  	[sflag:s10] =	ssyncset.done $0x0  }
0x54: {  	[sflag:s10] =	ssyncadd.s32 $0xFFFFE000  }
0x55: {  	[spmem:s30] =	stream.linear.scatter [tilespmem:s12], [sflag:$0x3], $0x800, $0x38;
	[tilespmem:$0x1FE00] =	vst v63  }
0x56: {  	_ =	swait.ge [sflag:s10], $0x800  }
0x57: {  	[sflag:s10] =	ssyncset.done $0x0  }
0x58: {  	[sflag:s10] =	ssyncadd.s32 $0xFFFFF800  }
0x59: {  	[spmem:s31] =	stream.linear.scatter [tilespmem:s11], [sflag:$0x3], $0x2000, $0x38;
	[tilespmem:$0x1FE00] =	vst v63  }
0x5a: {  	_ =	swait.ge [sflag:s10], $0x2000  }
0x5b: {  	[sflag:s10] =	ssyncset.done $0x0  }
0x5c: {  	[sflag:s10] =	ssyncadd.s32 $0xFFFFE000  }
0x5d: {  	[spmem:s1] =	stream.linear.scatter [tilespmem:s12], [sflag:$0x3], $0x800, $0x38;
	[tilespmem:$0x1FE00] =	vst v63  }
0x5e: {  	_ =	swait.ge [sflag:s10], $0x800  }
0x5f: {  	[sflag:s10] =	ssyncset.done $0x0  }
0x60: {  	[sflag:s10] =	ssyncadd.s32 $0xFFFFF800  }
0x61: {  	[spmem:s0] =	stream.linear.scatter [tilespmem:s11], [sflag:$0x3], $0x2000, $0x38;
	[tilespmem:$0x1FE00] =	vst v63  }
0x62: {  	_ =	swait.ge [sflag:s10], $0x2000  }
0x63: {  	[sflag:s10] =	ssyncset.done $0x0  }
0x64: {  	[sflag:s10] =	ssyncadd.s32 $0xFFFFE000  }
0x65: {  	[spmem:s5] =	stream.linear.scatter [tilespmem:s12], [sflag:$0x3], $0x800, $0x38;
	[tilespmem:$0x1FE00] =	vst v63  }
0x66: {  	_ =	swait.ge [sflag:s10], $0x800  }
0x67: {  	[sflag:s10] =	ssyncset.done $0x0  }
0x68: {  	[sflag:s10] =	ssyncadd.s32 $0xFFFFF800  }
0x69: {  	[bflag:$0x0] =	sbarrier.arrive $0xFFFF  }
0x6a: {  	[tilespmem:s15], [sflag:$0x1] =	stream.indirect.gather [hbm4b:s20+s14], $0x40, s4, s14, $0xb8;
	[tilespmem:$0x1FE00] =	vst v63  }
0x6b: {  	s9 =	simm.s32 $0x80  }
0x6c: {  	[tilespmem:s16], [sflag:$0x2] =	stream.indirect.gather [hbm4b:s20+s14], $0x40, s9, s14, $0xb8;
	[tilespmem:$0x1FE00] =	vst v63  }
0x6d: {  	_ =	swait.ge [sflag:s17], $0x2000  }
0x6e: {  	[sflag:s17] =	ssyncset.done $0x0  }
0x6f: {  	s19 =	simm.s32 $0x4F00;
	[sflag:s17] =	ssyncadd.s32 $0xFFFFE000  }
0x70: {  	[spmem:s2] =	stream.indirect.scatter.add.f32 [tilespmem:s15], [sflag:$0x3], $0x40, s19, s14, $0xb8;
	[tilespmem:$0x1FE00] =	vst v63  }
0x71: {  	_ =	swait.ge [sflag:s10], $0x2000  }
0x72: {  	[sflag:s10] =	ssyncset.done $0x0  }
0x73: {  	[sflag:s10] =	ssyncadd.s32 $0xFFFFE000  }
0x74: {  	[spmem:s3] =	stream.indirect.scatter.add.f32 [tilespmem:s13], [sflag:$0x3], $0x10, s19, s14, $0xb8;
	[tilespmem:$0x1FE00] =	vst v63  }
0x75: {  	_ =	swait.ge [sflag:s10], $0x800  }
0x76: {  	[sflag:s10] =	ssyncset.done $0x0  }
0x77: {  	s21 =	simm.s32 $0x100;
	[sflag:s10] =	ssyncadd.s32 $0xFFFFF800  }
0x78: {  	[tilespmem:s15], [sflag:$0x1] =	stream.indirect.gather [hbm4b:s20+s14], $0x40, s21, s14, $0xb8;
	[tilespmem:$0x1FE00] =	vst v63  }
0x79: {  	_ =	swait.ge [sflag:s18], $0x2000  }
0x7a: {  	[sflag:s18] =	ssyncset.done $0x0  }
0x7b: {  	s22 =	simm.s32 $0x4F80;
	[sflag:s18] =	ssyncadd.s32 $0xFFFFE000  }
0x7c: {  	[spmem:s2] =	stream.indirect.scatter.add.f32 [tilespmem:s16], [sflag:$0x3], $0x40, s22, s14, $0xb8;
	[tilespmem:$0x1FE00] =	vst v63  }
0x7d: {  	_ =	swait.ge [sflag:s10], $0x2000  }
0x7e: {  	[sflag:s10] =	ssyncset.done $0x0  }
0x7f: {  	[sflag:s10] =	ssyncadd.s32 $0xFFFFE000  }
0x80: {  	[spmem:s3] =	stream.indirect.scatter.add.f32 [tilespmem:s13], [sflag:$0x3], $0x10, s22, s14, $0xb8;
	[tilespmem:$0x1FE00] =	vst v63  }
0x81: {  	_ =	swait.ge [sflag:s10], $0x800  }
0x82: {  	s8 =	simm.s32 $0x100;
	s9 =	simm.s32 $0x800;
	[sflag:s10] =	ssyncset.done $0x0  }
.LBB2_2:
0x83: {  	s19 =	sadd.s32 $0x80, s8  }
0x84: {  	[sflag:s10] =	ssyncadd.s32 $0xFFFFF800;
	s21 =	smov.u32 s9;
	s22 =	sadd.s32 $0x400, s9  }
0x85: {  	[tilespmem:s16], [sflag:$0x2] =	stream.indirect.gather [hbm4b:s20+s14], $0x40, s19, s14, $0xb8;
	[tilespmem:$0x1FE00] =	vst v63  }
0x86: {  	p0 =	sne.s32 s9, $0x13400;
	_ =	swait.ge [sflag:s17], $0x2000  }
0x87: {  	[sflag:s17] =	ssyncset.done $0x0  }
0x88: {  	s9 =	sadd.s32 $0x4F00, s8;
	[sflag:s17] =	ssyncadd.s32 $0xFFFFE000  }
0x89: {  	[spmem:s2] =	stream.indirect.scatter.add.f32 [tilespmem:s15], [sflag:$0x3], $0x40, s9, s14, $0xb8;
	[tilespmem:$0x1FE00] =	vst v63  }
0x8a: {  	_ =	swait.ge [sflag:s10], $0x2000  }
0x8b: {  	[sflag:s10] =	ssyncset.done $0x0  }
0x8c: {  	[sflag:s10] =	ssyncadd.s32 $0xFFFFE000  }
0x8d: {  	[spmem:s3] =	stream.indirect.scatter.add.f32 [tilespmem:s13], [sflag:$0x3], $0x10, s9, s14, $0xb8;
	[tilespmem:$0x1FE00] =	vst v63  }
0x8e: {  	_ =	swait.ge [sflag:s10], $0x800  }
0x8f: {  	[sflag:s10] =	ssyncset.done $0x0  }
0x90: {  	s9 =	sadd.s32 $0x100, s8;
	[sflag:s10] =	ssyncadd.s32 $0xFFFFF800  }
0x91: {  	[tilespmem:s15], [sflag:$0x1] =	stream.indirect.gather [hbm4b:s20+s14], $0x40, s9, s14, $0xb8;
	[tilespmem:$0x1FE00] =	vst v63  }
0x92: {  	_ =	swait.ge [sflag:s18], $0x2000  }
0x93: {  	[sflag:s18] =	ssyncset.done $0x0  }
0x94: {  	s8 =	sadd.s32 $0x4F80, s8;
	[sflag:s18] =	ssyncadd.s32 $0xFFFFE000  }
0x95: {  	[spmem:s2] =	stream.indirect.scatter.add.f32 [tilespmem:s16], [sflag:$0x3], $0x40, s8, s14, $0xb8;
	[tilespmem:$0x1FE00] =	vst v63  }
0x96: {  	_ =	swait.ge [sflag:s10], $0x2000  }
.Ltmp0:
0x97: {  	[sflag:s10] =	ssyncset.done $0x0;
	(pc) =	sbr.rel @p0 .LBB2_2-.Ltmp0, $4  }
0x98: {  	[sflag:s10] =	ssyncadd.s32 $0xFFFFE000  }
0x99: {  	[spmem:s3] =	stream.indirect.scatter.add.f32 [tilespmem:s13], [sflag:$0x3], $0x10, s8, s14, $0xb8;
	[tilespmem:$0x1FE00] =	vst v63  }
0x9a: {  	_ =	swait.ge [sflag:s10], $0x800  }
0x9b: {  	s9 =	smov.u32 s22;
	s8 =	sshra.s32 s21, $0x2;
	[sflag:s10] =	ssyncset.done $0x0  }
0x9c: {  	s9 =	sadd.s32 $0x80, s8;
	[sflag:s10] =	ssyncadd.s32 $0xFFFFF800  }
0x9d: {  	[tilespmem:s16], [sflag:$0x2] =	stream.indirect.gather [hbm4b:s20+s14], $0x40, s9, s14, $0xb8;
	[tilespmem:$0x1FE00] =	vst v63  }
0x9e: {  	_ =	swait.ge [sflag:s17], $0x2000  }
0x9f: {  	[sflag:s17] =	ssyncset.done $0x0  }
0xa0: {  	s19 =	sadd.s32 $0x4F00, s8;
	[sflag:s17] =	ssyncadd.s32 $0xFFFFE000  }
0xa1: {  	[spmem:s2] =	stream.indirect.scatter.add.f32 [tilespmem:s15], [sflag:$0x3], $0x40, s19, s14, $0xb8;
	[tilespmem:$0x1FE00] =	vst v63  }
0xa2: {  	_ =	swait.ge [sflag:s10], $0x2000  }
0xa3: {  	[sflag:s10] =	ssyncset.done $0x0  }
0xa4: {  	[sflag:s10] =	ssyncadd.s32 $0xFFFFE000  }
0xa5: {  	[spmem:s3] =	stream.indirect.scatter.add.f32 [tilespmem:s13], [sflag:$0x3], $0x10, s19, s14, $0xb8;
	[tilespmem:$0x1FE00] =	vst v63  }
0xa6: {  	_ =	swait.ge [sflag:s10], $0x800  }
0xa7: {  	[sflag:s10] =	ssyncset.done $0x0  }
0xa8: {  	s21 =	sadd.s32 $0x100, s8;
	[sflag:s10] =	ssyncadd.s32 $0xFFFFF800  }
0xa9: {  	[tilespmem:s15], [sflag:$0x1] =	stream.indirect.gather [hbm4b:s20+s14], $0x40, s21, s14, $0xb8;
	[tilespmem:$0x1FE00] =	vst v63  }
0xaa: {  	_ =	swait.ge [sflag:s18], $0x2000  }
0xab: {  	[sflag:s18] =	ssyncset.done $0x0  }
0xac: {  	s22 =	sadd.s32 $0x4F80, s8;
	[sflag:s18] =	ssyncadd.s32 $0xFFFFE000  }
0xad: {  	[spmem:s2] =	stream.indirect.scatter.add.f32 [tilespmem:s16], [sflag:$0x3], $0x40, s22, s14, $0xb8;
	[tilespmem:$0x1FE00] =	vst v63  }
0xae: {  	_ =	swait.ge [sflag:s10], $0x2000  }
0xaf: {  	[sflag:s10] =	ssyncset.done $0x0  }
0xb0: {  	[sflag:s10] =	ssyncadd.s32 $0xFFFFE000  }
0xb1: {  	[spmem:s3] =	stream.indirect.scatter.add.f32 [tilespmem:s13], [sflag:$0x3], $0x10, s22, s14, $0xb8;
	[tilespmem:$0x1FE00] =	vst v63  }
0xb2: {  	_ =	swait.ge [sflag:s10], $0x800  }
0xb3: {  	[sflag:s10] =	ssyncset.done $0x0  }
0xb4: {  	s9 =	simm.s32 $0x4E80;
	[sflag:s10] =	ssyncadd.s32 $0xFFFFF800  }
0xb5: {  	[tilespmem:s16], [sflag:$0x2] =	stream.indirect.gather [hbm4b:s20+s14], $0x40, s9, s14, $0xb8;
	[tilespmem:$0x1FE00] =	vst v63  }
0xb6: {  	_ =	swait.ge [sflag:s17], $0x2000  }
0xb7: {  	[sflag:s17] =	ssyncset.done $0x0  }
0xb8: {  	s19 =	simm.s32 $0x9D00;
	[sflag:s17] =	ssyncadd.s32 $0xFFFFE000  }
0xb9: {  	[spmem:s2] =	stream.indirect.scatter.add.f32 [tilespmem:s15], [sflag:$0x3], $0x40, s19, s14, $0xb8;
	[tilespmem:$0x1FE00] =	vst v63  }
0xba: {  	_ =	swait.ge [sflag:s10], $0x2000  }
0xbb: {  	[sflag:s10] =	ssyncset.done $0x0  }
0xbc: {  	[sflag:s10] =	ssyncadd.s32 $0xFFFFE000  }
0xbd: {  	[spmem:s3] =	stream.indirect.scatter.add.f32 [tilespmem:s13], [sflag:$0x3], $0x10, s19, s14, $0xb8;
	[tilespmem:$0x1FE00] =	vst v63  }
0xbe: {  	_ =	swait.ge [sflag:s10], $0x800  }
0xbf: {  	[sflag:s10] =	ssyncset.done $0x0  }
0xc0: {  	[sflag:s10] =	ssyncadd.s32 $0xFFFFF800  }
0xc1: {  	_ =	swait.ge [sflag:s18], $0x2000  }
0xc2: {  	[sflag:s18] =	ssyncset.done $0x0  }
0xc3: {  	s21 =	simm.s32 $0x9D80;
	[sflag:s18] =	ssyncadd.s32 $0xFFFFE000  }
0xc4: {  	[spmem:s2] =	stream.indirect.scatter.add.f32 [tilespmem:s16], [sflag:$0x3], $0x40, s21, s14, $0xb8;
	[tilespmem:$0x1FE00] =	vst v63  }
0xc5: {  	_ =	swait.ge [sflag:s10], $0x2000  }
0xc6: {  	[sflag:s10] =	ssyncset.done $0x0  }
0xc7: {  	[sflag:s10] =	ssyncadd.s32 $0xFFFFE000  }
0xc8: {  	[spmem:s3] =	stream.indirect.scatter.add.f32 [tilespmem:s13], [sflag:$0x3], $0x10, s21, s14, $0xb8;
	[tilespmem:$0x1FE00] =	vst v63  }
0xc9: {  	_ =	swait.ge [sflag:s10], $0x800  }
0xca: {  	[sflag:s10] =	ssyncset.done $0x0  }
0xcb: {  	[sflag:s10] =	ssyncadd.s32 $0xFFFFF800  }
0xcc: {  	[bflag:$0x0] =	sbarrier.arrive $0xFFFF  }
0xcd: {  	[tilespmem:s23], [sflag:$0x3] =	stream.linear.gather [spmem:s24], $0x2000, $0x38;
	[tilespmem:$0x1FE00] =	vst v63  }
0xce: {  	_ =	swait.ge [sflag:s10], $0x2000  }
0xcf: {  	[sflag:s10] =	ssyncset.done $0x0  }
0xd0: {  	s8 =	simm.s32 $0x0;
	s22 =	rddreg [dreg:$0x5];
	[sflag:s10] =	ssyncadd.s32 $0xFFFFE000  }
0xd1: {  	[hbm4b:s22+s8] =	stream.linear.scatter [tilespmem:s23], [sflag:$0x3], $0x2000, $0x38;
	[tilespmem:$0x1FE00] =	vst v63  }
0xd2: {  	_ =	swait.ge [sflag:s10], $0x2000  }
0xd3: {  	[sflag:s10] =	ssyncset.done $0x0  }
0xd4: {  	s19 =	rddreg [dreg:$0x1b];
	[sflag:s10] =	ssyncadd.s32 $0xFFFFE000  }
0xd5: {  	[tilespmem:s6], [sflag:$0x3] =	stream.linear.gather [spmem:s19], $0x800, $0x38;
	[tilespmem:$0x1FE00] =	vst v63  }
0xd6: {  	_ =	swait.ge [sflag:s10], $0x800  }
0xd7: {  	[sflag:s10] =	ssyncset.done $0x0  }
0xd8: {  	s21 =	rddreg [dreg:$0x6];
	[sflag:s10] =	ssyncadd.s32 $0xFFFFF800  }
0xd9: {  	[hbm4b:s21+s8] =	stream.linear.scatter [tilespmem:s6], [sflag:$0x3], $0x800, $0x38;
	[tilespmem:$0x1FE00] =	vst v63  }
0xda: {  	_ =	swait.ge [sflag:s10], $0x800  }
0xdb: {  	[sflag:s10] =	ssyncset.done $0x0  }
0xdc: {  	[sflag:s10] =	ssyncadd.s32 $0xFFFFF800  }
0xdd: {  	[tilespmem:s23], [sflag:$0x3] =	stream.linear.gather [spmem:s26], $0x2000, $0x38;
	[tilespmem:$0x1FE00] =	vst v63  }
0xde: {  	_ =	swait.ge [sflag:s10], $0x2000  }
0xdf: {  	[sflag:s10] =	ssyncset.done $0x0  }
0xe0: {  	s22 =	rddreg [dreg:$0x7];
	[sflag:s10] =	ssyncadd.s32 $0xFFFFE000  }
0xe1: {  	[hbm4b:s22+s8] =	stream.linear.scatter [tilespmem:s23], [sflag:$0x3], $0x2000, $0x38;
	[tilespmem:$0x1FE00] =	vst v63  }
0xe2: {  	_ =	swait.ge [sflag:s10], $0x2000  }
0xe3: {  	[sflag:s10] =	ssyncset.done $0x0  }
0xe4: {  	s19 =	rddreg [dreg:$0x1c];
	[sflag:s10] =	ssyncadd.s32 $0xFFFFE000  }
0xe5: {  	[tilespmem:s6], [sflag:$0x3] =	stream.linear.gather [spmem:s19], $0x800, $0x38;
	[tilespmem:$0x1FE00] =	vst v63  }
0xe6: {  	_ =	swait.ge [sflag:s10], $0x800  }
0xe7: {  	[sflag:s10] =	ssyncset.done $0x0  }
0xe8: {  	s21 =	rddreg [dreg:$0x8];
	[sflag:s10] =	ssyncadd.s32 $0xFFFFF800  }
0xe9: {  	[hbm4b:s21+s8] =	stream.linear.scatter [tilespmem:s6], [sflag:$0x3], $0x800, $0x38;
	[tilespmem:$0x1FE00] =	vst v63  }
0xea: {  	_ =	swait.ge [sflag:s10], $0x800  }
0xeb: {  	[sflag:s10] =	ssyncset.done $0x0  }
0xec: {  	[sflag:s10] =	ssyncadd.s32 $0xFFFFF800  }
0xed: {  	[tilespmem:s23], [sflag:$0x3] =	stream.linear.gather [spmem:s29], $0x2000, $0x38;
	[tilespmem:$0x1FE00] =	vst v63  }
0xee: {  	_ =	swait.ge [sflag:s10], $0x2000  }
0xef: {  	[sflag:s10] =	ssyncset.done $0x0  }
0xf0: {  	s22 =	rddreg [dreg:$0x9];
	[sflag:s10] =	ssyncadd.s32 $0xFFFFE000  }
0xf1: {  	[hbm4b:s22+s8] =	stream.linear.scatter [tilespmem:s23], [sflag:$0x3], $0x2000, $0x38;
	[tilespmem:$0x1FE00] =	vst v63  }
0xf2: {  	_ =	swait.ge [sflag:s10], $0x2000  }
0xf3: {  	[sflag:s10] =	ssyncset.done $0x0  }
0xf4: {  	[sflag:s10] =	ssyncadd.s32 $0xFFFFE000  }
0xf5: {  	[tilespmem:s6], [sflag:$0x3] =	stream.linear.gather [spmem:s30], $0x800, $0x38;
	[tilespmem:$0x1FE00] =	vst v63  }
0xf6: {  	_ =	swait.ge [sflag:s10], $0x800  }
0xf7: {  	[sflag:s10] =	ssyncset.done $0x0  }
0xf8: {  	s19 =	rddreg [dreg:$0xa];
	[sflag:s10] =	ssyncadd.s32 $0xFFFFF800  }
0xf9: {  	[hbm4b:s19+s8] =	stream.linear.scatter [tilespmem:s6], [sflag:$0x3], $0x800, $0x38;
	[tilespmem:$0x1FE00] =	vst v63  }
0xfa: {  	_ =	swait.ge [sflag:s10], $0x800  }
0xfb: {  	[sflag:s10] =	ssyncset.done $0x0  }
0xfc: {  	[sflag:s10] =	ssyncadd.s32 $0xFFFFF800  }
0xfd: {  	[tilespmem:s23], [sflag:$0x3] =	stream.linear.gather [spmem:s31], $0x2000, $0x38;
	[tilespmem:$0x1FE00] =	vst v63  }
0xfe: {  	_ =	swait.ge [sflag:s10], $0x2000  }
0xff: {  	[sflag:s10] =	ssyncset.done $0x0  }
0x100: {  	s21 =	rddreg [dreg:$0xd];
	[sflag:s10] =	ssyncadd.s32 $0xFFFFE000  }
0x101: {  	[hbm4b:s21+s8] =	stream.linear.scatter [tilespmem:s23], [sflag:$0x3], $0x2000, $0x38;
	[tilespmem:$0x1FE00] =	vst v63  }
0x102: {  	_ =	swait.ge [sflag:s10], $0x2000  }
0x103: {  	[sflag:s10] =	ssyncset.done $0x0  }
0x104: {  	[sflag:s10] =	ssyncadd.s32 $0xFFFFE000  }
0x105: {  	[tilespmem:s6], [sflag:$0x3] =	stream.linear.gather [spmem:s1], $0x800, $0x38;
	[tilespmem:$0x1FE00] =	vst v63  }
0x106: {  	_ =	swait.ge [sflag:s10], $0x800  }
0x107: {  	[sflag:s10] =	ssyncset.done $0x0  }
0x108: {  	s22 =	rddreg [dreg:$0xb];
	[sflag:s10] =	ssyncadd.s32 $0xFFFFF800  }
0x109: {  	[hbm4b:s22+s8] =	stream.linear.scatter [tilespmem:s6], [sflag:$0x3], $0x800, $0x38;
	[tilespmem:$0x1FE00] =	vst v63  }
0x10a: {  	_ =	swait.ge [sflag:s10], $0x800  }
0x10b: {  	[sflag:s10] =	ssyncset.done $0x0  }
0x10c: {  	[sflag:s10] =	ssyncadd.s32 $0xFFFFF800  }
0x10d: {  	[tilespmem:s23], [sflag:$0x3] =	stream.linear.gather [spmem:s0], $0x2000, $0x38;
	[tilespmem:$0x1FE00] =	vst v63  }
0x10e: {  	_ =	swait.ge [sflag:s10], $0x2000  }
0x10f: {  	[sflag:s10] =	ssyncset.done $0x0  }
0x110: {  	s19 =	rddreg [dreg:$0xe];
	[sflag:s10] =	ssyncadd.s32 $0xFFFFE000  }
0x111: {  	[hbm4b:s19+s8] =	stream.linear.scatter [tilespmem:s23], [sflag:$0x3], $0x2000, $0x38;
	[tilespmem:$0x1FE00] =	vst v63  }
0x112: {  	_ =	swait.ge [sflag:s10], $0x2000  }
0x113: {  	[sflag:s10] =	ssyncset.done $0x0  }
0x114: {  	[sflag:s10] =	ssyncadd.s32 $0xFFFFE000  }
0x115: {  	[tilespmem:s6], [sflag:$0x3] =	stream.linear.gather [spmem:s5], $0x800, $0x38;
	[tilespmem:$0x1FE00] =	vst v63  }
0x116: {  	_ =	swait.ge [sflag:s10], $0x800  }
0x117: {  	[sflag:s10] =	ssyncset.done $0x0  }
0x118: {  	s21 =	rddreg [dreg:$0xc];
	[sflag:s10] =	ssyncadd.s32 $0xFFFFF800  }
0x119: {  	[hbm4b:s21+s8] =	stream.linear.scatter [tilespmem:s6], [sflag:$0x3], $0x800, $0x38;
	[tilespmem:$0x1FE00] =	vst v63  }
0x11a: {  	_ =	swait.ge [sflag:s10], $0x800  }
0x11b: {  	[sflag:s10] =	ssyncset.done $0x0  }
0x11c: {  	s22 =	rddreg [dreg:$0x19];
	[sflag:s10] =	ssyncadd.s32 $0xFFFFF800  }
0x11d: {  	[tilespmem:s8], [sflag:$0x3] =	stream.linear.gather [hbm4b:s22+s8], $0x4F00, $0x38;
	[tilespmem:$0x1FE00] =	vst v63  }
0x11e: {  	_ =	swait.ge [sflag:s10], $0x4F00  }
0x11f: {  	[sflag:s10] =	ssyncset.done $0x0  }
0x120: {  	[sflag:s10] =	ssyncadd.s32 $0xFFFFB100  }
0x121: {  	[spmem:s24] =	stream.linear.scatter [tilespmem:s11], [sflag:$0x3], $0x2000, $0x38;
	[tilespmem:$0x1FE00] =	vst v63  }
0x122: {  	_ =	swait.ge [sflag:s10], $0x2000  }
0x123: {  	[sflag:s10] =	ssyncset.done $0x0  }
0x124: {  	[sflag:s10] =	ssyncadd.s32 $0xFFFFE000  }
0x125: {  	[spmem:s26] =	stream.linear.scatter [tilespmem:s11], [sflag:$0x3], $0x2000, $0x38;
	[tilespmem:$0x1FE00] =	vst v63  }
0x126: {  	_ =	swait.ge [sflag:s10], $0x2000  }
0x127: {  	[sflag:s10] =	ssyncset.done $0x0  }
0x128: {  	[sflag:s10] =	ssyncadd.s32 $0xFFFFE000  }
0x129: {  	[spmem:s29] =	stream.linear.scatter [tilespmem:s11], [sflag:$0x3], $0x2000, $0x38;
	[tilespmem:$0x1FE00] =	vst v63  }
0x12a: {  	_ =	swait.ge [sflag:s10], $0x2000  }
0x12b: {  	[sflag:s10] =	ssyncset.done $0x0  }
0x12c: {  	[sflag:s10] =	ssyncadd.s32 $0xFFFFE000  }
0x12d: {  	[spmem:s31] =	stream.linear.scatter [tilespmem:s11], [sflag:$0x3], $0x2000, $0x38;
	[tilespmem:$0x1FE00] =	vst v63  }
0x12e: {  	_ =	swait.ge [sflag:s10], $0x2000  }
0x12f: {  	[sflag:s10] =	ssyncset.done $0x0  }
0x130: {  	[sflag:s10] =	ssyncadd.s32 $0xFFFFE000  }
0x131: {  	[spmem:s0] =	stream.linear.scatter [tilespmem:s11], [sflag:$0x3], $0x2000, $0x38;
	[tilespmem:$0x1FE00] =	vst v63  }
0x132: {  	_ =	swait.ge [sflag:s10], $0x2000  }
0x133: {  	[sflag:s10] =	ssyncset.done $0x0  }
0x134: {  	[sflag:s10] =	ssyncadd.s32 $0xFFFFE000  }
0x135: {  	[bflag:$0x0] =	sbarrier.arrive $0xFFFF  }
0x136: {  	[tilespmem:s15], [sflag:$0x1] =	stream.indirect.gather [hbm4b:s20+s14], $0x40, s8, s14, $0xb8;
	[tilespmem:$0x1FE00] =	vst v63  }
0x137: {  	s9 =	simm.s32 $0x80  }
0x138: {  	[tilespmem:s16], [sflag:$0x2] =	stream.indirect.gather [hbm4b:s20+s14], $0x40, s9, s14, $0xb8;
	[tilespmem:$0x1FE00] =	vst v63  }
0x139: {  	_ =	swait.ge [sflag:s17], $0x2000  }
0x13a: {  	[sflag:s17] =	ssyncset.done $0x0  }
0x13b: {  	s19 =	simm.s32 $0x4F00;
	[sflag:s17] =	ssyncadd.s32 $0xFFFFE000  }
0x13c: {  	[spmem:s2] =	stream.indirect.scatter.add.f32 [tilespmem:s15], [sflag:$0x3], $0x40, s19, s14, $0xb8;
	[tilespmem:$0x1FE00] =	vst v63  }
0x13d: {  	_ =	swait.ge [sflag:s10], $0x2000  }
0x13e: {  	[sflag:s10] =	ssyncset.done $0x0  }
0x13f: {  	s21 =	simm.s32 $0x100;
	[sflag:s10] =	ssyncadd.s32 $0xFFFFE000  }
0x140: {  	[tilespmem:s15], [sflag:$0x1] =	stream.indirect.gather [hbm4b:s20+s14], $0x40, s21, s14, $0xb8;
	[tilespmem:$0x1FE00] =	vst v63  }
0x141: {  	_ =	swait.ge [sflag:s18], $0x2000  }
0x142: {  	[sflag:s18] =	ssyncset.done $0x0  }
0x143: {  	s22 =	simm.s32 $0x4F80;
	[sflag:s18] =	ssyncadd.s32 $0xFFFFE000  }
0x144: {  	[spmem:s2] =	stream.indirect.scatter.add.f32 [tilespmem:s16], [sflag:$0x3], $0x40, s22, s14, $0xb8;
	[tilespmem:$0x1FE00] =	vst v63  }
0x145: {  	_ =	swait.ge [sflag:s10], $0x2000  }
0x146: {  	s8 =	simm.s32 $0x100;
	s9 =	simm.s32 $0x800;
	[sflag:s10] =	ssyncset.done $0x0  }
.LBB2_4:
0x147: {  	s19 =	sadd.s32 $0x80, s8  }
0x148: {  	[sflag:s10] =	ssyncadd.s32 $0xFFFFE000;
	s21 =	smov.u32 s9;
	s22 =	sadd.s32 $0x400, s9  }
0x149: {  	[tilespmem:s16], [sflag:$0x2] =	stream.indirect.gather [hbm4b:s20+s14], $0x40, s19, s14, $0xb8;
	[tilespmem:$0x1FE00] =	vst v63  }
0x14a: {  	p0 =	sne.s32 s9, $0x13400;
	_ =	swait.ge [sflag:s17], $0x2000  }
0x14b: {  	[sflag:s17] =	ssyncset.done $0x0  }
0x14c: {  	s9 =	sadd.s32 $0x4F00, s8;
	[sflag:s17] =	ssyncadd.s32 $0xFFFFE000  }
0x14d: {  	[spmem:s2] =	stream.indirect.scatter.add.f32 [tilespmem:s15], [sflag:$0x3], $0x40, s9, s14, $0xb8;
	[tilespmem:$0x1FE00] =	vst v63  }
0x14e: {  	_ =	swait.ge [sflag:s10], $0x2000  }
0x14f: {  	[sflag:s10] =	ssyncset.done $0x0  }
0x150: {  	s9 =	sadd.s32 $0x100, s8;
	[sflag:s10] =	ssyncadd.s32 $0xFFFFE000  }
0x151: {  	[tilespmem:s15], [sflag:$0x1] =	stream.indirect.gather [hbm4b:s20+s14], $0x40, s9, s14, $0xb8;
	[tilespmem:$0x1FE00] =	vst v63  }
0x152: {  	_ =	swait.ge [sflag:s18], $0x2000  }
.Ltmp1:
0x153: {  	[sflag:s18] =	ssyncset.done $0x0;
	(pc) =	sbr.rel @p0 .LBB2_4-.Ltmp1, $4  }
0x154: {  	s8 =	sadd.s32 $0x4F80, s8;
	[sflag:s18] =	ssyncadd.s32 $0xFFFFE000  }
0x155: {  	[spmem:s2] =	stream.indirect.scatter.add.f32 [tilespmem:s16], [sflag:$0x3], $0x40, s8, s14, $0xb8;
	[tilespmem:$0x1FE00] =	vst v63  }
0x156: {  	_ =	swait.ge [sflag:s10], $0x2000  }
0x157: {  	s9 =	smov.u32 s22;
	s8 =	sshra.s32 s21, $0x2;
	[sflag:s10] =	ssyncset.done $0x0  }
0x158: {  	s9 =	sadd.s32 $0x80, s8;
	[sflag:s10] =	ssyncadd.s32 $0xFFFFE000  }
0x159: {  	[tilespmem:s16], [sflag:$0x2] =	stream.indirect.gather [hbm4b:s20+s14], $0x40, s9, s14, $0xb8;
	[tilespmem:$0x1FE00] =	vst v63  }
0x15a: {  	_ =	swait.ge [sflag:s17], $0x2000  }
0x15b: {  	[sflag:s17] =	ssyncset.done $0x0  }
0x15c: {  	s21 =	sadd.s32 $0x4F00, s8;
	[sflag:s17] =	ssyncadd.s32 $0xFFFFE000  }
0x15d: {  	[spmem:s2] =	stream.indirect.scatter.add.f32 [tilespmem:s15], [sflag:$0x3], $0x40, s21, s14, $0xb8;
	[tilespmem:$0x1FE00] =	vst v63  }
0x15e: {  	_ =	swait.ge [sflag:s10], $0x2000  }
0x15f: {  	[sflag:s10] =	ssyncset.done $0x0  }
0x160: {  	s22 =	sadd.s32 $0x100, s8;
	[sflag:s10] =	ssyncadd.s32 $0xFFFFE000  }
0x161: {  	[tilespmem:s15], [sflag:$0x1] =	stream.indirect.gather [hbm4b:s20+s14], $0x40, s22, s14, $0xb8;
	[tilespmem:$0x1FE00] =	vst v63  }
0x162: {  	_ =	swait.ge [sflag:s18], $0x2000  }
0x163: {  	[sflag:s18] =	ssyncset.done $0x0  }
0x164: {  	s9 =	sadd.s32 $0x4F80, s8;
	[sflag:s18] =	ssyncadd.s32 $0xFFFFE000  }
0x165: {  	[spmem:s2] =	stream.indirect.scatter.add.f32 [tilespmem:s16], [sflag:$0x3], $0x40, s9, s14, $0xb8;
	[tilespmem:$0x1FE00] =	vst v63  }
0x166: {  	_ =	swait.ge [sflag:s10], $0x2000  }
0x167: {  	[sflag:s10] =	ssyncset.done $0x0  }
0x168: {  	s19 =	simm.s32 $0x4E80;
	[sflag:s10] =	ssyncadd.s32 $0xFFFFE000  }
0x169: {  	[tilespmem:s16], [sflag:$0x2] =	stream.indirect.gather [hbm4b:s20+s14], $0x40, s19, s14, $0xb8;
	[tilespmem:$0x1FE00] =	vst v63  }
0x16a: {  	_ =	swait.ge [sflag:s17], $0x2000  }
0x16b: {  	[sflag:s17] =	ssyncset.done $0x0  }
0x16c: {  	[sflag:s17] =	ssyncadd.s32 $0xFFFFE000  }
0x16d: {  	[spmem:s2] =	stream.indirect.scatter.add.f32 [tilespmem:s15], [sflag:$0x3], $0x40, s25, s14, $0xb8;
	[tilespmem:$0x1FE00] =	vst v63  }
0x16e: {  	_ =	swait.ge [sflag:s10], $0x2000  }
0x16f: {  	[sflag:s10] =	ssyncset.done $0x0  }
0x170: {  	[sflag:s10] =	ssyncadd.s32 $0xFFFFE000  }
0x171: {  	_ =	swait.ge [sflag:s18], $0x2000  }
0x172: {  	[sflag:s18] =	ssyncset.done $0x0  }
0x173: {  	[sflag:s18] =	ssyncadd.s32 $0xFFFFE000  }
0x174: {  	[spmem:s2] =	stream.indirect.scatter.add.f32 [tilespmem:s16], [sflag:$0x3], $0x40, s28, s14, $0xb8;
	[tilespmem:$0x1FE00] =	vst v63  }
0x175: {  	_ =	swait.ge [sflag:s10], $0x2000  }
0x176: {  	[sflag:s10] =	ssyncset.done $0x0  }
0x177: {  	[sflag:s10] =	ssyncadd.s32 $0xFFFFE000  }
0x178: {  	[bflag:$0x0] =	sbarrier.arrive $0xFFFF  }
0x179: {  	[tilespmem:s23], [sflag:$0x3] =	stream.linear.gather [spmem:s24], $0x2000, $0x38;
	[tilespmem:$0x1FE00] =	vst v63  }
0x17a: {  	_ =	swait.ge [sflag:s10], $0x2000  }
0x17b: {  	[sflag:s10] =	ssyncset.done $0x0  }
0x17c: {  	s21 =	rddreg [dreg:$0xf];
	[sflag:s10] =	ssyncadd.s32 $0xFFFFE000  }
0x17d: {  	[hbm4b:s21+s4] =	stream.linear.scatter [tilespmem:s23], [sflag:$0x3], $0x2000, $0x38;
	[tilespmem:$0x1FE00] =	vst v63  }
0x17e: {  	_ =	swait.ge [sflag:s10], $0x2000  }
0x17f: {  	[sflag:s10] =	ssyncset.done $0x0  }
0x180: {  	[sflag:s10] =	ssyncadd.s32 $0xFFFFE000  }
0x181: {  	[tilespmem:s23], [sflag:$0x3] =	stream.linear.gather [spmem:s26], $0x2000, $0x38;
	[tilespmem:$0x1FE00] =	vst v63  }
0x182: {  	_ =	swait.ge [sflag:s10], $0x2000  }
0x183: {  	[sflag:s10] =	ssyncset.done $0x0  }
0x184: {  	s22 =	rddreg [dreg:$0x10];
	[sflag:s10] =	ssyncadd.s32 $0xFFFFE000  }
0x185: {  	[hbm4b:s22+s4] =	stream.linear.scatter [tilespmem:s23], [sflag:$0x3], $0x2000, $0x38;
	[tilespmem:$0x1FE00] =	vst v63  }
0x186: {  	_ =	swait.ge [sflag:s10], $0x2000  }
0x187: {  	[sflag:s10] =	ssyncset.done $0x0  }
0x188: {  	[sflag:s10] =	ssyncadd.s32 $0xFFFFE000  }
0x189: {  	[tilespmem:s23], [sflag:$0x3] =	stream.linear.gather [spmem:s29], $0x2000, $0x38;
	[tilespmem:$0x1FE00] =	vst v63  }
0x18a: {  	_ =	swait.ge [sflag:s10], $0x2000  }
0x18b: {  	[sflag:s10] =	ssyncset.done $0x0  }
0x18c: {  	s9 =	rddreg [dreg:$0x11];
	[sflag:s10] =	ssyncadd.s32 $0xFFFFE000  }
0x18d: {  	[hbm4b:s9+s4] =	stream.linear.scatter [tilespmem:s23], [sflag:$0x3], $0x2000, $0x38;
	[tilespmem:$0x1FE00] =	vst v63  }
0x18e: {  	_ =	swait.ge [sflag:s10], $0x2000  }
0x18f: {  	[sflag:s10] =	ssyncset.done $0x0  }
0x190: {  	[sflag:s10] =	ssyncadd.s32 $0xFFFFE000  }
0x191: {  	[tilespmem:s23], [sflag:$0x3] =	stream.linear.gather [spmem:s31], $0x2000, $0x38;
	[tilespmem:$0x1FE00] =	vst v63  }
0x192: {  	_ =	swait.ge [sflag:s10], $0x2000  }
0x193: {  	[sflag:s10] =	ssyncset.done $0x0  }
0x194: {  	s19 =	rddreg [dreg:$0x12];
	[sflag:s10] =	ssyncadd.s32 $0xFFFFE000  }
0x195: {  	[hbm4b:s19+s4] =	stream.linear.scatter [tilespmem:s23], [sflag:$0x3], $0x2000, $0x38;
	[tilespmem:$0x1FE00] =	vst v63  }
0x196: {  	_ =	swait.ge [sflag:s10], $0x2000  }
0x197: {  	[sflag:s10] =	ssyncset.done $0x0  }
0x198: {  	[sflag:s10] =	ssyncadd.s32 $0xFFFFE000  }
0x199: {  	[tilespmem:s23], [sflag:$0x3] =	stream.linear.gather [spmem:s0], $0x2000, $0x38;
	[tilespmem:$0x1FE00] =	vst v63  }
0x19a: {  	_ =	swait.ge [sflag:s10], $0x2000  }
0x19b: {  	[sflag:s10] =	ssyncset.done $0x0  }
0x19c: {  	s21 =	rddreg [dreg:$0x13];
	[sflag:s10] =	ssyncadd.s32 $0xFFFFE000  }
0x19d: {  	[hbm4b:s21+s4] =	stream.linear.scatter [tilespmem:s23], [sflag:$0x3], $0x2000, $0x38;
	[tilespmem:$0x1FE00] =	vst v63  }
0x19e: {  	_ =	swait.ge [sflag:s10], $0x2000  }
0x19f: {  	s7 =	sadd.s32 $0x1, s7;
	s22 =	rddreg [dreg:$0x1a]  }
0x1a0: {  	p0 =	sne.s32 s7, s22  }
.Ltmp2:
0x1a1: {  	_ = 	snop;
	(pc) =	sbr.rel @p0 .LBB2_1-.Ltmp2, $3  }
0x1a2: {  	_ =	sdelay $0x1  }
0x1a3: {  	[sflag:s10] =	ssyncset.done $0x0  }
0x1a4: {  	[sflag:s10] =	ssyncadd.s32 $0xFFFFE000  }
0x1a5: {  	_ =	sfence.sel $0x180000  }
0x1a6: {  	[bflag:$0x0] =	sbarrier.arrive $0xFFFF  }
0x1a7: {  	_ =	strace $0x90000047  }
0x1a8: {  	s0 =	stileid.u32;
	[bflag:$0x2] =	sbarrier.arrive $0xFFFF  }
0x1a9: {  	p0 =	sne.s32 s0, $0x0;
	s0 =	rddreg [dreg:$0x4]  }
0x1aa: {  	s0 =	sadd.s32 @!p0 $0x100000, s0  }
0x1ab: {  	[sflag:s0] =	ssyncadd.tile.s32 @!p0 $0x1;
	_ =	shalt  }
.Lfunc_end2:
_tile_overlayer_lowered:
.L_overlay_start_2:
0x1ac: {  	(tag) =	ssettag $0x2  }
0x1ad: {  	s0 =	rddreg [dreg:$0x0];
	s2 =	stileid.u32  }
0x1ae: {  	s1 =	rddreg [dreg:$0x1];
	p0 =	sne.s32 s2, $0x0  }
0x1af: {  	s3 =	rddreg [dreg:$0x2];
	[bflag:$0x3] =	sbarrier.arrive $0xFFFF;
	s2 =	simm.s32 @!p0 $0x1C03  }
0x1b0: {  	[timem:s3], [sflag:s2] =	dma.local @!p0 [hbm:s0], s1  }
0x1b1: {  	s0 =	simm.s32 @!p0 $0x3  }
0x1b2: {  	_ =	swait.ge @!p0 [sflag:s0], s1  }
0x1b3: {  	s1 =	ssub.s32 @!p0 $0x0, s1;
	[sflag:s0] =	ssyncset.done @!p0 $0x0  }
0x1b4: {  	[sflag:s0] =	ssyncadd.s32 @!p0 s1  }
0x1b5: {  	[bflag:$0x3] =	sbarrier.arrive $0xFFFF  }
0x1b6: {  	_ =	shalt  }

// kernel: sc_seg_sum.7.cloned.1.call-start
scs
__scs_entry_jumppad:
0x0: {  	(pc) =	sbr.rel $0x88, $3  }
0x1: {  	(tag) =	ssettag $0x0;
	lr =	simm.s32 $0x1  }
0x2: {  	[smem:$0x3F91] =	sst lr;
	_ =	strace $0xD0000000  }
0x3: {  	_ = 	snop  }
0x4: {  	_ = 	snop  }
0x5: {  	_ = 	snop  }
0x6: {  	_ = 	snop  }
0x7: {  	_ = 	snop  }
__scs_overlays_trampoline_lowered:
0x8: {  	[smem:$0x3FA0] =	sst s0  }
0x9: {  	[smem:$0x3FA1] =	sst s1  }
0xa: {  	[smem:$0x3FA2] =	sst s2  }
0xb: {  	[smem:$0x3FA3] =	sst s3  }
0xc: {  	[smem:$0x3FA4] =	sst s4  }
0xd: {  	[smem:$0x3FA5] =	sst s5  }
0xe: {  	[smem:$0x3FA6] =	sst s6  }
0xf: {  	[smem:$0x3FA7] =	sst s7  }
0x10: {  	[smem:$0x3FA8] =	sst s8  }
0x11: {  	[smem:$0x3FA9] =	sst s9;
	s0 =	simm.s32 @!p0 $0x0  }
0x12: {  	s1 =	sld [smem:$0x3F8F];
	s0 =	simm.s32 @p0 $0x1  }
0x13: {  	[smem:$0x3FAA] =	sst s0;
	s0 =	simm.s32 @!p1 $0x0  }
0x14: {  	s2 =	sld [smem:$0x3F8E];
	s0 =	simm.s32 @p1 $0x1  }
0x15: {  	[smem:$0x3FAB] =	sst s0;
	s0 =	simm.s32 @!p2 $0x0  }
0x16: {  	s3 =	sld [smem:$0x3FDB];
	s0 =	simm.s32 @p2 $0x1  }
0x17: {  	s4 =	simm.s32 $0x1BF5;
	[smem:$0x3FAD] =	sst s0  }
0x18: {  	s0 =	sld [smem:$0x3F90];
	_ =	swait.ge [sflag:s4], $0x0  }
0x19: {  	s7 =	sld [smem:$0x3F91]  }
0x1a: {  	s8 =	sadd.s32 $0xFFFFE003, lr  }
0x1b: {  	s9 =	sadd.s32 $0xFFFFFEF7, lr;
	s5 =	simm.s32 $0xFFFFFFFF;
	p2 =	slt.u32 s8, $0xFFFFF086  }
0x1c: {  	p1 =	slt.u32 s9, $0xF7A;
	s5 =	simm.s32 @!p2 $0x0  }
0x1d: {  	s5 =	simm.s32 @p1 $0x1;
	p0 =	seq.s32 s7, s2  }
0x1e: {  	s7 =	smul.u32 @!p0 $0xF7A, s2;
	p2 =	seq.s32 @!p0 s5, $0x0  }
0x1f: {  	s9 =	smul.u32 $0xF7A, s1;
	s8 =	simm.s32 @!p0 $0x1BF5;
	p2 =	por !p2, p0  }
0x20: {  	[sflag:s8] =	ssyncset.s32 @!p0 $0xFFFFF086;
	s6 =	sadd.s32 @!p0 s3, s7;
	s7 =	simm.s32 @!p0 $0x108  }
0x21: {  	s3 =	sadd.s32 s3, s9;
	s6 =	sadd.s32 @!p0 $0x88, s6;
	s7 =	simm.s32 @p2 $0x1082  }
0x22: {  	[simem:s7], [sflag:s8] =	dma.local @!p0 [hbm:s6], $0xF7A  }
0x23: {  	s9 =	sor.u32 $0xD0000000, s2;
	s6 =	simm.s32 $0x108;
	_ =	swait.ge @!p0 [sflag:s8], $0x0  }
0x24: {  	s3 =	sadd.s32 $0x88, s3;
	s6 =	simm.s32 @!p1 $0x1082;
	[sflag:s4] =	ssyncset.s32 $0xFFFFF086  }
0x25: {  	[simem:s6], [sflag:s4] =	dma.local [hbm:s3], $0xF7A  }
0x26: {  	[smem:$0x3F91] =	sst s1;
	(tag) =	ssettag s2;
	_ =	strace s9  }
0x27: {  	s1 =	sld [smem:$0x3FA1]  }
0x28: {  	s2 =	sld [smem:$0x3FA2]  }
0x29: {  	s4 =	sld [smem:$0x3FA4]  }
0x2a: {  	p0 =	seq.s32 s5, $0x0;
	s5 =	sld [smem:$0x3FA5]  }
0x2b: {  	s6 =	sld [smem:$0x3FA6]  }
0x2c: {  	s7 =	sld [smem:$0x3FA7]  }
0x2d: {  	s3 =	simm.s32 $0x108;
	s8 =	sld [smem:$0x3FA8]  }
0x2e: {  	s3 =	simm.s32 @!p0 $0x1082;
	s9 =	sld [smem:$0x3FA9]  }
0x2f: {  	lr =	sadd.s32 s0, s3;
	s0 =	sld [smem:$0x3FA0]  }
0x30: {  	s3 =	sld [smem:$0x3FA3]  }
0x31: {  	[smem:$0x3FAC] =	sst s10  }
0x32: {  	s10 =	sld [smem:$0x3FAA];
	_ =	sdelay $0x3  }
0x33: {  	p0 =	seq.s32 s10, $0x1;
	s10 =	sld [smem:$0x3FAC];
	_ =	sdelay $0x3  }
0x34: {  	[smem:$0x3FAC] =	sst s10  }
0x35: {  	s10 =	sld [smem:$0x3FAB];
	_ =	sdelay $0x3  }
0x36: {  	p1 =	seq.s32 s10, $0x1;
	s10 =	sld [smem:$0x3FAC];
	_ =	sdelay $0x3  }
0x37: {  	[smem:$0x3FAC] =	sst s10  }
0x38: {  	s10 =	sld [smem:$0x3FAD]  }
0x39: {  	_ = 	snop;
	(pc) =	sbr.ind lr, $3  }
0x3a: {  	_ = 	snop  }
0x3b: {  	_ = 	snop  }
0x3c: {  	p2 =	seq.s32 s10, $0x1;
	s10 =	sld [smem:$0x3FAC]  }
0x3d: {  	_ =	shalt  }
0x3e: {  	_ =	shalt  }
0x3f: {  	_ =	shalt  }
0x40: {  	_ =	shalt  }
0x41: {  	_ =	shalt  }
0x42: {  	_ =	shalt  }
0x43: {  	_ =	shalt  }
0x44: {  	_ =	shalt  }
0x45: {  	_ =	shalt  }
0x46: {  	_ =	shalt  }
0x47: {  	_ =	shalt  }
0x48: {  	_ =	shalt  }
0x49: {  	_ =	shalt  }
0x4a: {  	_ =	shalt  }
0x4b: {  	_ =	shalt  }
0x4c: {  	_ =	shalt  }
0x4d: {  	_ =	shalt  }
0x4e: {  	_ =	shalt  }
0x4f: {  	_ =	shalt  }
0x50: {  	_ =	shalt  }
0x51: {  	_ =	shalt  }
0x52: {  	_ =	shalt  }
0x53: {  	_ =	shalt  }
0x54: {  	_ =	shalt  }
0x55: {  	_ =	shalt  }
0x56: {  	_ =	shalt  }
0x57: {  	_ =	shalt  }
0x58: {  	_ =	shalt  }
0x59: {  	_ =	shalt  }
0x5a: {  	_ =	shalt  }
0x5b: {  	_ =	shalt  }
0x5c: {  	_ =	shalt  }
0x5d: {  	_ =	shalt  }
0x5e: {  	_ =	shalt  }
0x5f: {  	_ =	shalt  }
0x60: {  	_ =	shalt  }
0x61: {  	_ =	shalt  }
0x62: {  	_ =	shalt  }
0x63: {  	_ =	shalt  }
0x64: {  	_ =	shalt  }
0x65: {  	_ =	shalt  }
0x66: {  	_ =	shalt  }
0x67: {  	_ =	shalt  }
0x68: {  	_ =	shalt  }
0x69: {  	_ =	shalt  }
0x6a: {  	_ =	shalt  }
0x6b: {  	_ =	shalt  }
0x6c: {  	_ =	shalt  }
0x6d: {  	_ =	shalt  }
0x6e: {  	_ =	shalt  }
0x6f: {  	_ =	shalt  }
0x70: {  	_ =	shalt  }
0x71: {  	_ =	shalt  }
0x72: {  	_ =	shalt  }
0x73: {  	_ =	shalt  }
0x74: {  	_ =	shalt  }
0x75: {  	_ =	shalt  }
0x76: {  	_ =	shalt  }
0x77: {  	_ =	shalt  }
0x78: {  	_ =	shalt  }
0x79: {  	_ =	shalt  }
0x7a: {  	_ =	shalt  }
0x7b: {  	_ =	shalt  }
0x7c: {  	_ =	shalt  }
0x7d: {  	_ =	shalt  }
0x7e: {  	_ =	shalt  }
0x7f: {  	_ =	shalt  }
0x80: {  	_ =	shalt  }
0x81: {  	_ =	shalt  }
0x82: {  	_ =	shalt  }
0x83: {  	_ =	shalt  }
0x84: {  	_ =	shalt  }
0x85: {  	_ =	shalt  }
0x86: {  	_ =	shalt  }
0x87: {  	_ =	shalt  }
.Lfunc_end0:
.L_simem_size_0:
called_computation.1_lowered:
.L_overlay_start_0:
0x88: {  	s2 =	sld [smem:$0x3FD9]  }
0x89: {  	s3 =	sld [smem:$0x3FFE];
	_ =	sdelay $0x1  }
0x8a: {  	s1 =	srdreg.scid  }
0x8b: {  	s0 =	sand.u32 $0x1, s1  }
0x8c: {  	s17 =	sshll.u32 s0, $0xA;
	s2 =	sadd.s32 s3, s2  }
0x8d: {  	s2 =	sadd.s32 s2, s17  }
0x8e: {  	[smem:$0x3FB8] =	sst s2  }
0x8f: {  	_ = 	snop  }
0x90: {  	s2 =	sld [smem:$0x3FD0];
	(tm) =	ssettm $0x1  }
0x91: {  	s18 =	sld [smem:$0x3FFB];
	_ =	sdelay $0x3  }
0x92: {  	_ =	strace s18  }
0x93: {  	s3 =	sld [smem:$0x3FFC];
	_ =	sdelay $0x3  }
0x94: {  	_ =	strace s3  }
0x95: {  	s3 =	sld [smem:$0x3FFD];
	_ =	sdelay $0x3  }
0x96: {  	_ =	strace s3  }
0x97: {  	_ =	strace $0x8FFFFFFF  }
0x98: {  	s19 =	sld [smem:$0x3FDB];
	_ =	sdelay $0x1  }
0x99: {  	s4 =	simm.s32 $_scs_section_size  }
0x9a: {  	s5 =	simm.s32 $_size__tile_overlayer_lowered;
	s6 =	simm.s32 $_tile_overlayer_lowered  }
0x9b: {  	s22 =	simm.s32 $0x1BFF;
	s21 =	sshll.u32 s6, $0x1;
	s3 =	sadd.s32 s4, s19  }
0x9c: {  	s7 =	simm.s32 $0x0;
	s20 =	sshll.u32 s5, $0x1;
	s5 =	sadd.s32 s21, s3  }
0x9d: {  	[timem:s7], [sflag:s22] =	dma.local [hbm:s5], s20  }
0x9e: {  	_ =	swait.ge [sflag:s22], s20  }
0x9f: {  	s4 =	ssub.s32 $0x0, s20;
	[sflag:s22] =	ssyncset.done $0x0  }
0xa0: {  	[sflag:s22] =	ssyncadd.s32 s4;
	_ =	sdelay $0x1  }
0xa1: {  	s23 =	simm.s32 $0x1B8B  }
0xa2: {  	_ =	swait.ge [sflag:s23], $0x1  }
0xa3: {  	[sflag:s23] =	ssyncset.done $0x0  }
0xa4: {  	s25 =	simm.s32 $0x1B8E;
	s24 =	sld [smem:$0x3FFE];
	[sflag:s23] =	ssyncadd.s32 $0xFFFFFFFF  }
0xa5: {  	s26 =	simm.s32 $execute0_lowered;
	[smem:$0x3FD2] =	sst s25  }
0xa6: {  	s5 =	sshll.u32 s26, $0x1;
	_ =	strace $0x80000049;
	[dreg:$0x1] =	wrdreg $0xFFFFFFFF  }
0xa7: {  	s28 =	simm.s32 $_size_execute0_lowered;
	s3 =	sadd.s32 s3, s5;
	[dreg:$0x0] =	wrdreg $0x0  }
0xa8: {  	s5 =	sshll.u32 s28, $0x1;
	[dreg:$0x2] =	wrdreg s3  }
0xa9: {  	[dreg:$0x3] =	wrdreg s5  }
0xaa: {  	[dreg:$0x4] =	wrdreg $0xC0  }
0xab: {  	_ =	task [dreg:s7], $0x5FFFF  }
0xac: {  	[dreg:$0x1] =	wrdreg $0xFFFFFFFF  }
0xad: {  	[dreg:$0x0] =	wrdreg $0x60  }
0xae: {  	[dreg:$0x2] =	wrdreg s24  }
0xaf: {  	[dreg:$0x3] =	wrdreg s2  }
0xb0: {  	[dreg:$0x4] =	wrdreg $0x11E000  }
0xb1: {  	[dreg:$0x5] =	wrdreg $0x9  }
0xb2: {  	_ =	task.clear_ibuf [dreg:s7], $0x6FFFF;
	_ =	strace $0x90000049  }
0xb3: {  	s29 =	simm.s32 $0x9;
	_ =	strace $0x8000004B  }
0xb4: {  	_ =	swait.ge [sflag:s29], $0x1  }
0xb5: {  	[sflag:s29] =	ssyncadd.s32 $0xFFFFFFFF  }
0xb6: {  	_ =	strace $0x9000004B  }
0xb7: {  	_ =	sfence  }
0xb8: {  	s30 =	sld [smem:$0x0];
	_ =	sdelay $0x2  }
0xb9: {  	s31 =	sshll.u32 s1, $0xD;
	s1 =	sshrl.u32 s1, $0x2  }
0xba: {  	s3 =	sand.u32 $0x4000, s31;
	s1 =	sadd.s32 s1, s30  }
0xbb: {  	s0 =	sor.u32 s3, s0;
	s1 =	sshll.u32 s1, $0x11  }
0xbc: {  	s0 =	sor.u32 s1, s0  }
0xbd: {  	s0 =	sadd.s32 $0x8F2B, s0  }
0xbe: {  	[sflag:s0] =	ssyncadd.remote.s32 $0x1  }
0xbf: {  	_ =	sfence.sel $0xFFFF  }
0xc0: {  	[dreg:$0x0] =	wrdreg $0xFFFFFFFF;
	(pc) =	sbr.abs _section_cstart, $3  }
0xc1: {  	[dreg:$0x1] =	wrdreg $0xFFFFFFFF  }
0xc2: {  	_ =	task.clear_ibuf [dreg:s7], $0x2FFFF;
	_ =	strace $0x9FFFFFFF  }
0xc3: {  	(tm) =	ssettm $0x7FFFFFFF  }
tec
execute0_lowered:
.L_overlay_start_1:
0x0: {  	(tag) =	ssettag $0x1  }
0x1: {  	s0 =	rddreg [dreg:$0x0];
	s1 =	srdreg.scid  }
0x2: {  	s5 =	rddreg [dreg:$0x1];
	s9 =	stileid.u32  }
0x3: {  	s2 =	rddreg [dreg:$0x2];
	s3 =	simm.s32 $0x0;
	s28 =	simm.s32 $0xDE00  }
0x4: {  	s29 =	simm.s32 $0x80;
	s30 =	simm.s32 $0x9E00;
	s6 =	smul.u32 $0x4F00, s9  }
0x5: {  	s31 =	simm.s32 $0xBE00;
	s1 =	sand.u32 $0x1, s1;
	s18 =	smul.u32 $0x28000, s9  }
0x6: {  	[smem:$0x7FF] =	sst s3;
	s7 =	sadd.s32 $0x8EA00, s0;
	s10 =	smul.u32 $0x280, s9  }
0x7: {  	s4 =	smul.u32 $0x4F000, s1;
	_ =	strace $0x8000004A;
	s8 =	ssub.s32 $0x2, s1  }
0x8: {  	[dreg:$0x4] =	wrdreg s7;
	s1 =	smul.u32 $0x2800, s1;
	s19 =	sshrl.u32 s8, $0x1  }
0x9: {  	s7 =	sshrl.u32 s18, $0x2;
	s6 =	sadd.s32 s6, s4;
	s4 =	sadd.s32 $0x3EA00, s0  }
0xa: {  	s8 =	ssub.s32 s8, s19;
	s7 =	sadd.s32 s7, s2;
	s1 =	sadd.s32 s10, s1  }
0xb: {  	s6 =	sshrl.u32 s6, $0x3;
	s9 =	sadd.s32 $0x2000, s7;
	s10 =	sadd.s32 $0x4000, s7  }
0xc: {  	s11 =	sadd.s32 $0x6000, s7;
	s1 =	sshll.u32 s1, $0x3;
	s12 =	sadd.s32 $0x8000, s7  }
0xd: {  	s6 =	sadd.s32 s6, s0;
	s0 =	sadd.s32 $0x8F200, s0;
	s13 =	sadd.s32 s5, s1  }
0xe: {  	s22 =	sadd.s32 $0x400, s1;
	s20 =	sadd.s32 $0x2AE00, s6;
	[dreg:$0x7] =	wrdreg s13  }
0xf: {  	s24 =	sadd.s32 $0x800, s1;
	s21 =	sadd.s32 $0x3600, s6;
	[dreg:$0x5] =	wrdreg s20  }
0x10: {  	s15 =	sadd.s32 $0xC00, s1;
	s14 =	sadd.s32 s5, s22;
	[dreg:$0x6] =	wrdreg s21  }
0x11: {  	s23 =	sadd.s32 $0x1000, s1;
	s16 =	sadd.s32 s5, s24;
	[dreg:$0x8] =	wrdreg s14  }
0x12: {  	s25 =	sadd.s32 s5, s15;
	s5 =	sadd.s32 s5, s23;
	[dreg:$0x9] =	wrdreg s16  }
0x13: {  	s26 =	sadd.s32 $0x17200, s6;
	s19 =	sadd.s32 s0, s1;
	[dreg:$0xa] =	wrdreg s25  }
0x14: {  	s23 =	sadd.s32 s0, s23;
	s1 =	simm.s32 $0x1;
	[dreg:$0xb] =	wrdreg s5  }
0x15: {  	s6 =	simm.s32 $0x9D80;
	s13 =	simm.s32 $0x0;
	[dreg:$0xc] =	wrdreg s26  }
0x16: {  	s20 =	sadd.s32 s0, s22;
	s21 =	sadd.s32 s0, s24;
	s22 =	sadd.s32 s0, s15  }
0x17: {  	s24 =	smax.u32 s8, $0x1;
	s26 =	simm.s32 $0x3;
	s0 =	simm.s32 $0x2  }
0x18: {  	s25 =	simm.s32 $0x4E80;
	s5 =	simm.s32 $0x9D00;
	s8 =	simm.s32 $0xFE00  }
.LBB2_1:
0x19: {  	s14 =	rddreg [dreg:$0x5];
	s15 =	simm.s32 $0x4F00  }
0x1a: {  	[tilespmem:s15], [sflag:$0x3] =	stream.linear.gather [hbm4b:s14+s3], $0x4F00, $0x38;
	[tilespmem:$0x1BE00] =	vst v63  }
0x1b: {  	_ =	swait.ge [sflag:s26], $0x4F00  }
0x1c: {  	[sflag:s26] =	ssyncset.done $0x0  }
0x1d: {  	s17 =	rddreg [dreg:$0x4];
	[sflag:s26] =	ssyncadd.s32 $0xFFFFB100  }
0x1e: {  	[tilespmem:s28], [sflag:$0x3] =	stream.linear.gather [hbm4b:s17+s3], $0x2000, $0x38;
	[tilespmem:$0x1BE00] =	vst v63  }
0x1f: {  	_ =	swait.ge [sflag:s26], $0x2000  }
0x20: {  	[sflag:s26] =	ssyncset.done $0x0  }
0x21: {  	s18 =	rddreg [dreg:$0x6];
	[sflag:s26] =	ssyncadd.s32 $0xFFFFE000  }
0x22: {  	[tilespmem:s3], [sflag:$0x3] =	stream.linear.gather [hbm4b:s18+s3], $0x4F00, $0x38;
	[tilespmem:$0x1BE00] =	vst v63  }
0x23: {  	_ =	swait.ge [sflag:s26], $0x4F00  }
0x24: {  	[sflag:s26] =	ssyncset.done $0x0  }
0x25: {  	[sflag:s26] =	ssyncadd.s32 $0xFFFFB100  }
0x26: {  	[spmem:s7] =	stream.linear.scatter [tilespmem:s28], [sflag:$0x3], $0x2000, $0x38;
	[tilespmem:$0x1BE00] =	vst v63  }
0x27: {  	_ =	swait.ge [sflag:s26], $0x2000  }
0x28: {  	[sflag:s26] =	ssyncset.done $0x0  }
0x29: {  	[sflag:s26] =	ssyncadd.s32 $0xFFFFE000  }
0x2a: {  	[spmem:s9] =	stream.linear.scatter [tilespmem:s28], [sflag:$0x3], $0x2000, $0x38;
	[tilespmem:$0x1BE00] =	vst v63  }
0x2b: {  	_ =	swait.ge [sflag:s26], $0x2000  }
0x2c: {  	[sflag:s26] =	ssyncset.done $0x0  }
0x2d: {  	[sflag:s26] =	ssyncadd.s32 $0xFFFFE000  }
0x2e: {  	[spmem:s10] =	stream.linear.scatter [tilespmem:s28], [sflag:$0x3], $0x2000, $0x38;
	[tilespmem:$0x1BE00] =	vst v63  }
0x2f: {  	_ =	swait.ge [sflag:s26], $0x2000  }
0x30: {  	[sflag:s26] =	ssyncset.done $0x0  }
0x31: {  	[sflag:s26] =	ssyncadd.s32 $0xFFFFE000  }
0x32: {  	[spmem:s11] =	stream.linear.scatter [tilespmem:s28], [sflag:$0x3], $0x2000, $0x38;
	[tilespmem:$0x1BE00] =	vst v63  }
0x33: {  	_ =	swait.ge [sflag:s26], $0x2000  }
0x34: {  	[sflag:s26] =	ssyncset.done $0x0  }
0x35: {  	[sflag:s26] =	ssyncadd.s32 $0xFFFFE000  }
0x36: {  	[spmem:s12] =	stream.linear.scatter [tilespmem:s28], [sflag:$0x3], $0x2000, $0x38;
	[tilespmem:$0x1BE00] =	vst v63  }
0x37: {  	_ =	swait.ge [sflag:s26], $0x2000  }
0x38: {  	[sflag:s26] =	ssyncset.done $0x0  }
0x39: {  	[sflag:s26] =	ssyncadd.s32 $0xFFFFE000  }
0x3a: {  	[bflag:$0x0] =	sbarrier.arrive $0xFFFF  }
0x3b: {  	[tilespmem:s30], [sflag:$0x1] =	stream.indirect.gather [hbm4b:s4+s29], $0x40, s3, s29, $0xb8;
	[tilespmem:$0x1BE00] =	vst v63  }
0x3c: {  	s15 =	simm.s32 $0x80  }
0x3d: {  	[tilespmem:s31], [sflag:$0x2] =	stream.indirect.gather [hbm4b:s4+s29], $0x40, s15, s29, $0xb8;
	[tilespmem:$0x1BE00] =	vst v63  }
0x3e: {  	_ =	swait.ge [sflag:s1], $0x2000  }
0x3f: {  	[sflag:s1] =	ssyncset.done $0x0  }
0x40: {  	s16 =	simm.s32 $0x4F00;
	[sflag:s1] =	ssyncadd.s32 $0xFFFFE000  }
0x41: {  	[spmem:s2] =	stream.indirect.scatter.add.f32 [tilespmem:s30], [sflag:$0x3], $0x40, s16, s29, $0xb8;
	[tilespmem:$0x1BE00] =	vst v63  }
0x42: {  	_ =	swait.ge [sflag:s26], $0x2000  }
0x43: {  	[sflag:s26] =	ssyncset.done $0x0  }
0x44: {  	s17 =	simm.s32 $0x100;
	[sflag:s26] =	ssyncadd.s32 $0xFFFFE000  }
0x45: {  	[tilespmem:s30], [sflag:$0x1] =	stream.indirect.gather [hbm4b:s4+s29], $0x40, s17, s29, $0xb8;
	[tilespmem:$0x1BE00] =	vst v63  }
0x46: {  	_ =	swait.ge [sflag:s0], $0x2000  }
0x47: {  	[sflag:s0] =	ssyncset.done $0x0  }
0x48: {  	s18 =	simm.s32 $0x4F80;
	[sflag:s0] =	ssyncadd.s32 $0xFFFFE000  }
0x49: {  	[spmem:s2] =	stream.indirect.scatter.add.f32 [tilespmem:s31], [sflag:$0x3], $0x40, s18, s29, $0xb8;
	[tilespmem:$0x1BE00] =	vst v63  }
0x4a: {  	_ =	swait.ge [sflag:s26], $0x2000  }
0x4b: {  	s14 =	simm.s32 $0x100;
	s15 =	simm.s32 $0x800;
	[sflag:s26] =	ssyncset.done $0x0  }
.LBB2_2:
0x4c: {  	s16 =	sadd.s32 $0x80, s14  }
0x4d: {  	[sflag:s26] =	ssyncadd.s32 $0xFFFFE000;
	s17 =	smov.u32 s15;
	s18 =	sadd.s32 $0x400, s15  }
0x4e: {  	[tilespmem:s31], [sflag:$0x2] =	stream.indirect.gather [hbm4b:s4+s29], $0x40, s16, s29, $0xb8;
	[tilespmem:$0x1BE00] =	vst v63  }
0x4f: {  	p0 =	sne.s32 s15, $0x13400;
	_ =	swait.ge [sflag:s1], $0x2000  }
0x50: {  	[sflag:s1] =	ssyncset.done $0x0  }
0x51: {  	s15 =	sadd.s32 $0x4F00, s14;
	[sflag:s1] =	ssyncadd.s32 $0xFFFFE000  }
0x52: {  	[spmem:s2] =	stream.indirect.scatter.add.f32 [tilespmem:s30], [sflag:$0x3], $0x40, s15, s29, $0xb8;
	[tilespmem:$0x1BE00] =	vst v63  }
0x53: {  	_ =	swait.ge [sflag:s26], $0x2000  }
0x54: {  	[sflag:s26] =	ssyncset.done $0x0  }
0x55: {  	s15 =	sadd.s32 $0x100, s14;
	[sflag:s26] =	ssyncadd.s32 $0xFFFFE000  }
0x56: {  	[tilespmem:s30], [sflag:$0x1] =	stream.indirect.gather [hbm4b:s4+s29], $0x40, s15, s29, $0xb8;
	[tilespmem:$0x1BE00] =	vst v63  }
0x57: {  	_ =	swait.ge [sflag:s0], $0x2000  }
.Ltmp0:
0x58: {  	[sflag:s0] =	ssyncset.done $0x0;
	(pc) =	sbr.rel @p0 .LBB2_2-.Ltmp0, $4  }
0x59: {  	s14 =	sadd.s32 $0x4F80, s14;
	[sflag:s0] =	ssyncadd.s32 $0xFFFFE000  }
0x5a: {  	[spmem:s2] =	stream.indirect.scatter.add.f32 [tilespmem:s31], [sflag:$0x3], $0x40, s14, s29, $0xb8;
	[tilespmem:$0x1BE00] =	vst v63  }
0x5b: {  	_ =	swait.ge [sflag:s26], $0x2000  }
0x5c: {  	s15 =	smov.u32 s18;
	s14 =	sshra.s32 s17, $0x2;
	[sflag:s26] =	ssyncset.done $0x0  }
0x5d: {  	s15 =	sadd.s32 $0x80, s14;
	[sflag:s26] =	ssyncadd.s32 $0xFFFFE000  }
0x5e: {  	[tilespmem:s31], [sflag:$0x2] =	stream.indirect.gather [hbm4b:s4+s29], $0x40, s15, s29, $0xb8;
	[tilespmem:$0x1BE00] =	vst v63  }
0x5f: {  	_ =	swait.ge [sflag:s1], $0x2000  }
0x60: {  	[sflag:s1] =	ssyncset.done $0x0  }
0x61: {  	s17 =	sadd.s32 $0x4F00, s14;
	[sflag:s1] =	ssyncadd.s32 $0xFFFFE000  }
0x62: {  	[spmem:s2] =	stream.indirect.scatter.add.f32 [tilespmem:s30], [sflag:$0x3], $0x40, s17, s29, $0xb8;
	[tilespmem:$0x1BE00] =	vst v63  }
0x63: {  	_ =	swait.ge [sflag:s26], $0x2000  }
0x64: {  	[sflag:s26] =	ssyncset.done $0x0  }
0x65: {  	s18 =	sadd.s32 $0x100, s14;
	[sflag:s26] =	ssyncadd.s32 $0xFFFFE000  }
0x66: {  	[tilespmem:s30], [sflag:$0x1] =	stream.indirect.gather [hbm4b:s4+s29], $0x40, s18, s29, $0xb8;
	[tilespmem:$0x1BE00] =	vst v63  }
0x67: {  	_ =	swait.ge [sflag:s0], $0x2000  }
0x68: {  	[sflag:s0] =	ssyncset.done $0x0  }
0x69: {  	s15 =	sadd.s32 $0x4F80, s14;
	[sflag:s0] =	ssyncadd.s32 $0xFFFFE000  }
0x6a: {  	[spmem:s2] =	stream.indirect.scatter.add.f32 [tilespmem:s31], [sflag:$0x3], $0x40, s15, s29, $0xb8;
	[tilespmem:$0x1BE00] =	vst v63  }
0x6b: {  	_ =	swait.ge [sflag:s26], $0x2000  }
0x6c: {  	[sflag:s26] =	ssyncset.done $0x0  }
0x6d: {  	[sflag:s26] =	ssyncadd.s32 $0xFFFFE000  }
0x6e: {  	[tilespmem:s31], [sflag:$0x2] =	stream.indirect.gather [hbm4b:s4+s29], $0x40, s25, s29, $0xb8;
	[tilespmem:$0x1BE00] =	vst v63  }
0x6f: {  	_ =	swait.ge [sflag:s1], $0x2000  }
0x70: {  	[sflag:s1] =	ssyncset.done $0x0  }
0x71: {  	[sflag:s1] =	ssyncadd.s32 $0xFFFFE000  }
0x72: {  	[spmem:s2] =	stream.indirect.scatter.add.f32 [tilespmem:s30], [sflag:$0x3], $0x40, s5, s29, $0xb8;
	[tilespmem:$0x1BE00] =	vst v63  }
0x73: {  	_ =	swait.ge [sflag:s26], $0x2000  }
0x74: {  	[sflag:s26] =	ssyncset.done $0x0  }
0x75: {  	[sflag:s26] =	ssyncadd.s32 $0xFFFFE000  }
0x76: {  	_ =	swait.ge [sflag:s0], $0x2000  }
0x77: {  	[sflag:s0] =	ssyncset.done $0x0  }
0x78: {  	[sflag:s0] =	ssyncadd.s32 $0xFFFFE000  }
0x79: {  	[spmem:s2] =	stream.indirect.scatter.add.f32 [tilespmem:s31], [sflag:$0x3], $0x40, s6, s29, $0xb8;
	[tilespmem:$0x1BE00] =	vst v63  }
0x7a: {  	_ =	swait.ge [sflag:s26], $0x2000  }
0x7b: {  	[sflag:s26] =	ssyncset.done $0x0  }
0x7c: {  	[sflag:s26] =	ssyncadd.s32 $0xFFFFE000  }
0x7d: {  	[bflag:$0x0] =	sbarrier.arrive $0xFFFF  }
0x7e: {  	[tilespmem:s8], [sflag:$0x3] =	stream.linear.gather [spmem:s7], $0x2000, $0x38;
	[tilespmem:$0x1BE00] =	vst v63  }
0x7f: {  	_ =	swait.ge [sflag:s26], $0x2000  }
0x80: {  	[sflag:s26] =	ssyncset.done $0x0  }
0x81: {  	s14 =	simm.s32 $0x0;
	s16 =	rddreg [dreg:$0x7];
	[sflag:s26] =	ssyncadd.s32 $0xFFFFE000  }
0x82: {  	[hbm4b:s16+s14] =	stream.linear.scatter [tilespmem:s8], [sflag:$0x3], $0x2000, $0x38;
	[tilespmem:$0x1BE00] =	vst v63  }
0x83: {  	_ =	swait.ge [sflag:s26], $0x2000  }
0x84: {  	[sflag:s26] =	ssyncset.done $0x0  }
0x85: {  	[sflag:s26] =	ssyncadd.s32 $0xFFFFE000  }
0x86: {  	[tilespmem:s8], [sflag:$0x3] =	stream.linear.gather [spmem:s9], $0x2000, $0x38;
	[tilespmem:$0x1BE00] =	vst v63  }
0x87: {  	_ =	swait.ge [sflag:s26], $0x2000  }
0x88: {  	[sflag:s26] =	ssyncset.done $0x0  }
0x89: {  	s17 =	rddreg [dreg:$0x8];
	[sflag:s26] =	ssyncadd.s32 $0xFFFFE000  }
0x8a: {  	[hbm4b:s17+s14] =	stream.linear.scatter [tilespmem:s8], [sflag:$0x3], $0x2000, $0x38;
	[tilespmem:$0x1BE00] =	vst v63  }
0x8b: {  	_ =	swait.ge [sflag:s26], $0x2000  }
0x8c: {  	[sflag:s26] =	ssyncset.done $0x0  }
0x8d: {  	[sflag:s26] =	ssyncadd.s32 $0xFFFFE000  }
0x8e: {  	[tilespmem:s8], [sflag:$0x3] =	stream.linear.gather [spmem:s10], $0x2000, $0x38;
	[tilespmem:$0x1BE00] =	vst v63  }
0x8f: {  	_ =	swait.ge [sflag:s26], $0x2000  }
0x90: {  	[sflag:s26] =	ssyncset.done $0x0  }
0x91: {  	s18 =	rddreg [dreg:$0x9];
	[sflag:s26] =	ssyncadd.s32 $0xFFFFE000  }
0x92: {  	[hbm4b:s18+s14] =	stream.linear.scatter [tilespmem:s8], [sflag:$0x3], $0x2000, $0x38;
	[tilespmem:$0x1BE00] =	vst v63  }
0x93: {  	_ =	swait.ge [sflag:s26], $0x2000  }
0x94: {  	[sflag:s26] =	ssyncset.done $0x0  }
0x95: {  	[sflag:s26] =	ssyncadd.s32 $0xFFFFE000  }
0x96: {  	[tilespmem:s8], [sflag:$0x3] =	stream.linear.gather [spmem:s11], $0x2000, $0x38;
	[tilespmem:$0x1BE00] =	vst v63  }
0x97: {  	_ =	swait.ge [sflag:s26], $0x2000  }
0x98: {  	[sflag:s26] =	ssyncset.done $0x0  }
0x99: {  	s16 =	rddreg [dreg:$0xa];
	[sflag:s26] =	ssyncadd.s32 $0xFFFFE000  }
0x9a: {  	[hbm4b:s16+s14] =	stream.linear.scatter [tilespmem:s8], [sflag:$0x3], $0x2000, $0x38;
	[tilespmem:$0x1BE00] =	vst v63  }
0x9b: {  	_ =	swait.ge [sflag:s26], $0x2000  }
0x9c: {  	[sflag:s26] =	ssyncset.done $0x0  }
0x9d: {  	[sflag:s26] =	ssyncadd.s32 $0xFFFFE000  }
0x9e: {  	[tilespmem:s8], [sflag:$0x3] =	stream.linear.gather [spmem:s12], $0x2000, $0x38;
	[tilespmem:$0x1BE00] =	vst v63  }
0x9f: {  	_ =	swait.ge [sflag:s26], $0x2000  }
0xa0: {  	[sflag:s26] =	ssyncset.done $0x0  }
0xa1: {  	s17 =	rddreg [dreg:$0xb];
	[sflag:s26] =	ssyncadd.s32 $0xFFFFE000  }
0xa2: {  	[hbm4b:s17+s14] =	stream.linear.scatter [tilespmem:s8], [sflag:$0x3], $0x2000, $0x38;
	[tilespmem:$0x1BE00] =	vst v63  }
0xa3: {  	_ =	swait.ge [sflag:s26], $0x2000  }
0xa4: {  	[sflag:s26] =	ssyncset.done $0x0  }
0xa5: {  	s18 =	rddreg [dreg:$0xc];
	[sflag:s26] =	ssyncadd.s32 $0xFFFFE000  }
0xa6: {  	[tilespmem:s14], [sflag:$0x3] =	stream.linear.gather [hbm4b:s18+s14], $0x4F00, $0x38;
	[tilespmem:$0x1BE00] =	vst v63  }
0xa7: {  	_ =	swait.ge [sflag:s26], $0x4F00  }
0xa8: {  	[sflag:s26] =	ssyncset.done $0x0  }
0xa9: {  	[sflag:s26] =	ssyncadd.s32 $0xFFFFB100  }
0xaa: {  	[spmem:s7] =	stream.linear.scatter [tilespmem:s28], [sflag:$0x3], $0x2000, $0x38;
	[tilespmem:$0x1BE00] =	vst v63  }
0xab: {  	_ =	swait.ge [sflag:s26], $0x2000  }
0xac: {  	[sflag:s26] =	ssyncset.done $0x0  }
0xad: {  	[sflag:s26] =	ssyncadd.s32 $0xFFFFE000  }
0xae: {  	[spmem:s9] =	stream.linear.scatter [tilespmem:s28], [sflag:$0x3], $0x2000, $0x38;
	[tilespmem:$0x1BE00] =	vst v63  }
0xaf: {  	_ =	swait.ge [sflag:s26], $0x2000  }
0xb0: {  	[sflag:s26] =	ssyncset.done $0x0  }
0xb1: {  	[sflag:s26] =	ssyncadd.s32 $0xFFFFE000  }
0xb2: {  	[spmem:s10] =	stream.linear.scatter [tilespmem:s28], [sflag:$0x3], $0x2000, $0x38;
	[tilespmem:$0x1BE00] =	vst v63  }
0xb3: {  	_ =	swait.ge [sflag:s26], $0x2000  }
0xb4: {  	[sflag:s26] =	ssyncset.done $0x0  }
0xb5: {  	[sflag:s26] =	ssyncadd.s32 $0xFFFFE000  }
0xb6: {  	[spmem:s11] =	stream.linear.scatter [tilespmem:s28], [sflag:$0x3], $0x2000, $0x38;
	[tilespmem:$0x1BE00] =	vst v63  }
0xb7: {  	_ =	swait.ge [sflag:s26], $0x2000  }
0xb8: {  	[sflag:s26] =	ssyncset.done $0x0  }
0xb9: {  	[sflag:s26] =	ssyncadd.s32 $0xFFFFE000  }
0xba: {  	[spmem:s12] =	stream.linear.scatter [tilespmem:s28], [sflag:$0x3], $0x2000, $0x38;
	[tilespmem:$0x1BE00] =	vst v63  }
0xbb: {  	_ =	swait.ge [sflag:s26], $0x2000  }
0xbc: {  	[sflag:s26] =	ssyncset.done $0x0  }
0xbd: {  	[sflag:s26] =	ssyncadd.s32 $0xFFFFE000  }
0xbe: {  	[bflag:$0x0] =	sbarrier.arrive $0xFFFF  }
0xbf: {  	[tilespmem:s30], [sflag:$0x1] =	stream.indirect.gather [hbm4b:s4+s29], $0x40, s14, s29, $0xb8;
	[tilespmem:$0x1BE00] =	vst v63  }
0xc0: {  	s15 =	simm.s32 $0x80  }
0xc1: {  	[tilespmem:s31], [sflag:$0x2] =	stream.indirect.gather [hbm4b:s4+s29], $0x40, s15, s29, $0xb8;
	[tilespmem:$0x1BE00] =	vst v63  }
0xc2: {  	_ =	swait.ge [sflag:s1], $0x2000  }
0xc3: {  	[sflag:s1] =	ssyncset.done $0x0  }
0xc4: {  	s16 =	simm.s32 $0x4F00;
	[sflag:s1] =	ssyncadd.s32 $0xFFFFE000  }
0xc5: {  	[spmem:s2] =	stream.indirect.scatter.add.f32 [tilespmem:s30], [sflag:$0x3], $0x40, s16, s29, $0xb8;
	[tilespmem:$0x1BE00] =	vst v63  }
0xc6: {  	_ =	swait.ge [sflag:s26], $0x2000  }
0xc7: {  	[sflag:s26] =	ssyncset.done $0x0  }
0xc8: {  	s17 =	simm.s32 $0x100;
	[sflag:s26] =	ssyncadd.s32 $0xFFFFE000  }
0xc9: {  	[tilespmem:s30], [sflag:$0x1] =	stream.indirect.gather [hbm4b:s4+s29], $0x40, s17, s29, $0xb8;
	[tilespmem:$0x1BE00] =	vst v63  }
0xca: {  	_ =	swait.ge [sflag:s0], $0x2000  }
0xcb: {  	[sflag:s0] =	ssyncset.done $0x0  }
0xcc: {  	s18 =	simm.s32 $0x4F80;
	[sflag:s0] =	ssyncadd.s32 $0xFFFFE000  }
0xcd: {  	[spmem:s2] =	stream.indirect.scatter.add.f32 [tilespmem:s31], [sflag:$0x3], $0x40, s18, s29, $0xb8;
	[tilespmem:$0x1BE00] =	vst v63  }
0xce: {  	_ =	swait.ge [sflag:s26], $0x2000  }
0xcf: {  	s14 =	simm.s32 $0x100;
	s15 =	simm.s32 $0x800;
	[sflag:s26] =	ssyncset.done $0x0  }
.LBB2_4:
0xd0: {  	s16 =	sadd.s32 $0x80, s14  }
0xd1: {  	[sflag:s26] =	ssyncadd.s32 $0xFFFFE000;
	s17 =	smov.u32 s15;
	s18 =	sadd.s32 $0x400, s15  }
0xd2: {  	[tilespmem:s31], [sflag:$0x2] =	stream.indirect.gather [hbm4b:s4+s29], $0x40, s16, s29, $0xb8;
	[tilespmem:$0x1BE00] =	vst v63  }
0xd3: {  	p0 =	sne.s32 s15, $0x13400;
	_ =	swait.ge [sflag:s1], $0x2000  }
0xd4: {  	[sflag:s1] =	ssyncset.done $0x0  }
0xd5: {  	s15 =	sadd.s32 $0x4F00, s14;
	[sflag:s1] =	ssyncadd.s32 $0xFFFFE000  }
0xd6: {  	[spmem:s2] =	stream.indirect.scatter.add.f32 [tilespmem:s30], [sflag:$0x3], $0x40, s15, s29, $0xb8;
	[tilespmem:$0x1BE00] =	vst v63  }
0xd7: {  	_ =	swait.ge [sflag:s26], $0x2000  }
0xd8: {  	[sflag:s26] =	ssyncset.done $0x0  }
0xd9: {  	s15 =	sadd.s32 $0x100, s14;
	[sflag:s26] =	ssyncadd.s32 $0xFFFFE000  }
0xda: {  	[tilespmem:s30], [sflag:$0x1] =	stream.indirect.gather [hbm4b:s4+s29], $0x40, s15, s29, $0xb8;
	[tilespmem:$0x1BE00] =	vst v63  }
0xdb: {  	_ =	swait.ge [sflag:s0], $0x2000  }
.Ltmp1:
0xdc: {  	[sflag:s0] =	ssyncset.done $0x0;
	(pc) =	sbr.rel @p0 .LBB2_4-.Ltmp1, $4  }
0xdd: {  	s14 =	sadd.s32 $0x4F80, s14;
	[sflag:s0] =	ssyncadd.s32 $0xFFFFE000  }
0xde: {  	[spmem:s2] =	stream.indirect.scatter.add.f32 [tilespmem:s31], [sflag:$0x3], $0x40, s14, s29, $0xb8;
	[tilespmem:$0x1BE00] =	vst v63  }
0xdf: {  	_ =	swait.ge [sflag:s26], $0x2000  }
0xe0: {  	s15 =	smov.u32 s18;
	s14 =	sshra.s32 s17, $0x2;
	[sflag:s26] =	ssyncset.done $0x0  }
0xe1: {  	s15 =	sadd.s32 $0x80, s14;
	[sflag:s26] =	ssyncadd.s32 $0xFFFFE000  }
0xe2: {  	[tilespmem:s31], [sflag:$0x2] =	stream.indirect.gather [hbm4b:s4+s29], $0x40, s15, s29, $0xb8;
	[tilespmem:$0x1BE00] =	vst v63  }
0xe3: {  	_ =	swait.ge [sflag:s1], $0x2000  }
0xe4: {  	[sflag:s1] =	ssyncset.done $0x0  }
0xe5: {  	s16 =	sadd.s32 $0x4F00, s14;
	[sflag:s1] =	ssyncadd.s32 $0xFFFFE000  }
0xe6: {  	[spmem:s2] =	stream.indirect.scatter.add.f32 [tilespmem:s30], [sflag:$0x3], $0x40, s16, s29, $0xb8;
	[tilespmem:$0x1BE00] =	vst v63  }
0xe7: {  	_ =	swait.ge [sflag:s26], $0x2000  }
0xe8: {  	[sflag:s26] =	ssyncset.done $0x0  }
0xe9: {  	s17 =	sadd.s32 $0x100, s14;
	[sflag:s26] =	ssyncadd.s32 $0xFFFFE000  }
0xea: {  	[tilespmem:s30], [sflag:$0x1] =	stream.indirect.gather [hbm4b:s4+s29], $0x40, s17, s29, $0xb8;
	[tilespmem:$0x1BE00] =	vst v63  }
0xeb: {  	_ =	swait.ge [sflag:s0], $0x2000  }
0xec: {  	[sflag:s0] =	ssyncset.done $0x0  }
0xed: {  	s18 =	sadd.s32 $0x4F80, s14;
	[sflag:s0] =	ssyncadd.s32 $0xFFFFE000  }
0xee: {  	[spmem:s2] =	stream.indirect.scatter.add.f32 [tilespmem:s31], [sflag:$0x3], $0x40, s18, s29, $0xb8;
	[tilespmem:$0x1BE00] =	vst v63  }
0xef: {  	_ =	swait.ge [sflag:s26], $0x2000  }
0xf0: {  	[sflag:s26] =	ssyncset.done $0x0  }
0xf1: {  	[sflag:s26] =	ssyncadd.s32 $0xFFFFE000  }
0xf2: {  	[tilespmem:s31], [sflag:$0x2] =	stream.indirect.gather [hbm4b:s4+s29], $0x40, s25, s29, $0xb8;
	[tilespmem:$0x1BE00] =	vst v63  }
0xf3: {  	_ =	swait.ge [sflag:s1], $0x2000  }
0xf4: {  	[sflag:s1] =	ssyncset.done $0x0  }
0xf5: {  	[sflag:s1] =	ssyncadd.s32 $0xFFFFE000  }
0xf6: {  	[spmem:s2] =	stream.indirect.scatter.add.f32 [tilespmem:s30], [sflag:$0x3], $0x40, s5, s29, $0xb8;
	[tilespmem:$0x1BE00] =	vst v63  }
0xf7: {  	_ =	swait.ge [sflag:s26], $0x2000  }
0xf8: {  	[sflag:s26] =	ssyncset.done $0x0  }
0xf9: {  	[sflag:s26] =	ssyncadd.s32 $0xFFFFE000  }
0xfa: {  	_ =	swait.ge [sflag:s0], $0x2000  }
0xfb: {  	[sflag:s0] =	ssyncset.done $0x0  }
0xfc: {  	[sflag:s0] =	ssyncadd.s32 $0xFFFFE000  }
0xfd: {  	[spmem:s2] =	stream.indirect.scatter.add.f32 [tilespmem:s31], [sflag:$0x3], $0x40, s6, s29, $0xb8;
	[tilespmem:$0x1BE00] =	vst v63  }
0xfe: {  	_ =	swait.ge [sflag:s26], $0x2000  }
0xff: {  	[sflag:s26] =	ssyncset.done $0x0  }
0x100: {  	[sflag:s26] =	ssyncadd.s32 $0xFFFFE000  }
0x101: {  	[bflag:$0x0] =	sbarrier.arrive $0xFFFF  }
0x102: {  	[tilespmem:s8], [sflag:$0x3] =	stream.linear.gather [spmem:s7], $0x2000, $0x38;
	[tilespmem:$0x1BE00] =	vst v63  }
0x103: {  	_ =	swait.ge [sflag:s26], $0x2000  }
0x104: {  	[sflag:s26] =	ssyncset.done $0x0  }
0x105: {  	[sflag:s26] =	ssyncadd.s32 $0xFFFFE000  }
0x106: {  	[hbm4b:s19+s3] =	stream.linear.scatter [tilespmem:s8], [sflag:$0x3], $0x2000, $0x38;
	[tilespmem:$0x1BE00] =	vst v63  }
0x107: {  	_ =	swait.ge [sflag:s26], $0x2000  }
0x108: {  	[sflag:s26] =	ssyncset.done $0x0  }
0x109: {  	[sflag:s26] =	ssyncadd.s32 $0xFFFFE000  }
0x10a: {  	[tilespmem:s8], [sflag:$0x3] =	stream.linear.gather [spmem:s9], $0x2000, $0x38;
	[tilespmem:$0x1BE00] =	vst v63  }
0x10b: {  	_ =	swait.ge [sflag:s26], $0x2000  }
0x10c: {  	[sflag:s26] =	ssyncset.done $0x0  }
0x10d: {  	[sflag:s26] =	ssyncadd.s32 $0xFFFFE000  }
0x10e: {  	[hbm4b:s20+s3] =	stream.linear.scatter [tilespmem:s8], [sflag:$0x3], $0x2000, $0x38;
	[tilespmem:$0x1BE00] =	vst v63  }
0x10f: {  	_ =	swait.ge [sflag:s26], $0x2000  }
0x110: {  	[sflag:s26] =	ssyncset.done $0x0  }
0x111: {  	[sflag:s26] =	ssyncadd.s32 $0xFFFFE000  }
0x112: {  	[tilespmem:s8], [sflag:$0x3] =	stream.linear.gather [spmem:s10], $0x2000, $0x38;
	[tilespmem:$0x1BE00] =	vst v63  }
0x113: {  	_ =	swait.ge [sflag:s26], $0x2000  }
0x114: {  	[sflag:s26] =	ssyncset.done $0x0  }
0x115: {  	[sflag:s26] =	ssyncadd.s32 $0xFFFFE000  }
0x116: {  	[hbm4b:s21+s3] =	stream.linear.scatter [tilespmem:s8], [sflag:$0x3], $0x2000, $0x38;
	[tilespmem:$0x1BE00] =	vst v63  }
0x117: {  	_ =	swait.ge [sflag:s26], $0x2000  }
0x118: {  	[sflag:s26] =	ssyncset.done $0x0  }
0x119: {  	[sflag:s26] =	ssyncadd.s32 $0xFFFFE000  }
0x11a: {  	[tilespmem:s8], [sflag:$0x3] =	stream.linear.gather [spmem:s11], $0x2000, $0x38;
	[tilespmem:$0x1BE00] =	vst v63  }
0x11b: {  	_ =	swait.ge [sflag:s26], $0x2000  }
0x11c: {  	[sflag:s26] =	ssyncset.done $0x0  }
0x11d: {  	[sflag:s26] =	ssyncadd.s32 $0xFFFFE000  }
0x11e: {  	[hbm4b:s22+s3] =	stream.linear.scatter [tilespmem:s8], [sflag:$0x3], $0x2000, $0x38;
	[tilespmem:$0x1BE00] =	vst v63  }
0x11f: {  	_ =	swait.ge [sflag:s26], $0x2000  }
0x120: {  	[sflag:s26] =	ssyncset.done $0x0  }
0x121: {  	[sflag:s26] =	ssyncadd.s32 $0xFFFFE000  }
0x122: {  	[tilespmem:s8], [sflag:$0x3] =	stream.linear.gather [spmem:s12], $0x2000, $0x38;
	[tilespmem:$0x1BE00] =	vst v63  }
0x123: {  	s13 =	sadd.s32 $0x1, s13;
	_ =	swait.ge [sflag:s26], $0x2000  }
0x124: {  	p0 =	sne.s32 s13, s24;
	[sflag:s26] =	ssyncset.done $0x0  }
.Ltmp2:
0x125: {  	[sflag:s26] =	ssyncadd.s32 $0xFFFFE000;
	(pc) =	sbr.rel @p0 .LBB2_1-.Ltmp2, $4  }
0x126: {  	[hbm4b:s23+s3] =	stream.linear.scatter [tilespmem:s8], [sflag:$0x3], $0x2000, $0x38;
	[tilespmem:$0x1BE00] =	vst v63  }
0x127: {  	_ =	swait.ge [sflag:s26], $0x2000  }
0x128: {  	[sflag:s26] =	ssyncset.done $0x0  }
0x129: {  	[sflag:s26] =	ssyncadd.s32 $0xFFFFE000  }
0x12a: {  	_ =	sfence.sel $0x180000  }
0x12b: {  	[bflag:$0x0] =	sbarrier.arrive $0xFFFF  }
0x12c: {  	_ =	strace $0x9000004A  }
0x12d: {  	s0 =	stileid.u32;
	[bflag:$0x2] =	sbarrier.arrive $0xFFFF  }
0x12e: {  	p0 =	sne.s32 s0, $0x0;
	s0 =	rddreg [dreg:$0x3]  }
0x12f: {  	s0 =	sadd.s32 @!p0 $0x100000, s0  }
0x130: {  	[sflag:s0] =	ssyncadd.tile.s32 @!p0 $0x1;
	_ =	shalt  }
.Lfunc_end2:
_tile_overlayer_lowered:
.L_overlay_start_2:
0x131: {  	(tag) =	ssettag $0x2  }
0x132: {  	s0 =	rddreg [dreg:$0x0];
	s2 =	stileid.u32  }
0x133: {  	s1 =	rddreg [dreg:$0x1];
	p0 =	sne.s32 s2, $0x0  }
0x134: {  	s3 =	rddreg [dreg:$0x2];
	[bflag:$0x3] =	sbarrier.arrive $0xFFFF;
	s2 =	simm.s32 @!p0 $0x1C03  }
0x135: {  	[timem:s3], [sflag:s2] =	dma.local @!p0 [hbm:s0], s1  }
0x136: {  	s0 =	simm.s32 @!p0 $0x3  }
0x137: {  	_ =	swait.ge @!p0 [sflag:s0], s1  }
0x138: {  	s1 =	ssub.s32 @!p0 $0x0, s1;
	[sflag:s0] =	ssyncset.done @!p0 $0x0  }
0x139: {  	[sflag:s0] =	ssyncadd.s32 @!p0 s1  }
0x13a: {  	[bflag:$0x3] =	sbarrier.arrive $0xFFFF  }
0x13b: {  	_ =	shalt  }

</sc_bundles>
